<compile_context>
chip_gen: v7x
topology: tpu7x:2x2x1
jax: 0.10.2.dev20260603
libtpu: 0.0.44.dev20260713+nightly
codegen_flags: <defaults>
</compile_context>

<pallas_src>
import functools

import jax
import jax.numpy as jnp
from jax import lax
from jax.experimental import pallas as pl
from jax.experimental.pallas import tpu as pltpu
from jax.experimental.pallas import tpu_sc as plsc

T = 12
N = 10000
E = 320000
C = 128

NPAD = 10240
NC, NS, L = 2, 16, 16
NW = NC * NS
B = 128
EPT = 10112
NCH = EPT // B
EPAD = EPT * NW
ROWS_PT = NPAD // NS
HI = 10.0


def _softmax_body(ew_ref, out_ref):
    w = ew_ref[...]
    m = jnp.max(w)
    e = jnp.exp(w - m)
    out_ref[...] = e / jnp.sum(e)


def _softmax(ew):
    ew2 = ew.reshape(E // C, C)
    out = pl.pallas_call(
        _softmax_body,
        out_shape=jax.ShapeDtypeStruct((E // C, C), jnp.float32),
    )(ew2)
    return out.reshape(E)


DW = 16


def _deg_body(dst3_hbm, ewf_hbm, out_hbm, dst2, ewc, rows, acc, sem):
    cid = lax.axis_index("c")
    sid = lax.axis_index("s")
    wid = cid * NS + sid

    pltpu.sync_copy(dst3_hbm.at[wid], dst2)
    pltpu.sync_copy(ewf_hbm.at[pl.ds(wid * EPT, EPT)], ewc)

    def zrow(i, _):
        rows[i] = jnp.zeros((DW,), jnp.float32)
        return _
    lax.fori_loop(0, B, zrow, 0)

    def z(i, _):
        pltpu.sync_copy(rows, acc.at[pl.ds(sid * ROWS_PT + i * B, B)])
        return _
    lax.fori_loop(0, ROWS_PT // B, z, 0)
    plsc.subcore_barrier()

    def chunk(j, _):
        def fill(b, _):
            wv = plsc.load_gather(
                ewc, [jnp.full((L,), j * B + b, jnp.int32)])
            rows[b] = wv
            return _
        lax.fori_loop(0, B, fill, 0)
        pltpu.sync_copy(rows, acc.at[dst2.at[j]], add=True)
        return _
    lax.fori_loop(0, NCH, chunk, 0)
    plsc.subcore_barrier()
    pltpu.sync_copy(acc.at[pl.ds(sid * ROWS_PT, ROWS_PT)],
                    out_hbm.at[cid, pl.ds(sid * ROWS_PT, ROWS_PT)])


def _deg(dst3, ewn_p):
    mesh = plsc.VectorSubcoreMesh(
        core_axis_name="c", subcore_axis_name="s", num_cores=NC, num_subcores=NS)
    return pl.kernel(
        _deg_body,
        out_type=jax.ShapeDtypeStruct((NC, NPAD, DW), jnp.float32),
        mesh=mesh,
        compiler_params=pltpu.CompilerParams(needs_layout_passes=False),
        scratch_types=[
            pltpu.VMEM((NCH, B), jnp.int32),
            pltpu.VMEM((EPT,), jnp.float32),
            pltpu.VMEM((B, DW), jnp.float32),
            pltpu.VMEM_SHARED((NPAD, DW), jnp.float32),
            pltpu.SemaphoreType.DMA,
        ],
    )(dst3, ewn_p)


def _dis_body(degp_ref, out_ref):
    deg = degp_ref[0, :, 0] + degp_ref[1, :, 0]
    out_ref[...] = lax.rsqrt(deg.reshape(NPAD // C, C) + 1.0)


def _dis(degp):
    out = pl.pallas_call(
        _dis_body,
        out_shape=jax.ShapeDtypeStruct((NPAD // C, C), jnp.float32),
    )(degp)
    return out.reshape(NPAD)


NB1 = 256


def _stage1_body(x_ref, wt_ref, bt_ref, g_ref, b_ref, dis_ref, out_ref):
    xb = x_ref[...]
    W = wt_ref[...]
    xf = xb.reshape(T * NB1, C)
    dn = (((1,), (1,)), ((), ()))
    hp = jax.lax.Precision.HIGHEST
    y1 = lax.dot_general(xf, W[:, :, 1], dn, precision=hp,
                         preferred_element_type=jnp.float32).reshape(T, NB1, C)
    z0 = lax.dot_general(xf, W[:, :, 0], dn, precision=hp,
                         preferred_element_type=jnp.float32).reshape(T, NB1, C)
    z2 = lax.dot_general(xf, W[:, :, 2], dn, precision=hp,
                         preferred_element_type=jnp.float32).reshape(T, NB1, C)
    zpad = jnp.zeros((1, NB1, C), jnp.float32)
    y = y1 + jnp.concatenate([zpad, z0[:-1]], 0) \
           + jnp.concatenate([z2[1:], zpad], 0)
    y = y + bt_ref[...][None, None, :]
    y = jnp.clip(y, -HI, HI)
    mean = jnp.mean(y, axis=0, keepdims=True)
    var = jnp.mean((y - mean) ** 2, axis=0, keepdims=True)
    y = (y - mean) * lax.rsqrt(var + 1e-5)
    y = g_ref[...][None, None, :] * y + b_ref[...][None, None, :]
    y = jnp.maximum(y, 0.0)
    y = y * dis_ref[0, 0][None, :, None]
    out_ref[...] = y


def _stage1(x_pad, w_t, b_t, gamma, beta, dis):
    grid = (NPAD // NB1,)
    return pl.pallas_call(
        _stage1_body,
        grid=grid,
        in_specs=[
            pl.BlockSpec((T, NB1, C), lambda i: (0, i, 0)),
            pl.BlockSpec((C, C, 3), lambda i: (0, 0, 0)),
            pl.BlockSpec((C,), lambda i: (0,)),
            pl.BlockSpec((C,), lambda i: (0,)),
            pl.BlockSpec((C,), lambda i: (0,)),
            pl.BlockSpec((1, 1, NB1), lambda i: (i, 0, 0)),
        ],
        out_specs=pl.BlockSpec((T, NB1, C), lambda i: (0, i, 0)),
        out_shape=jax.ShapeDtypeStruct((T, NPAD, C), jnp.float32),
    )(x_pad, w_t, b_t, gamma, beta, dis.reshape(NPAD // NB1, 1, NB1))


ZB = 32


def _main_body(table_hbm, epack_hbm, out_hbm,
               ebuf0, ebuf1, idx0, idx1, rg0, rg1, zbuf, acc, sem0, sem1):
    cid = lax.axis_index("c")
    sid = lax.axis_index("s")
    wid = cid * NS + sid

    ebufs = (ebuf0, ebuf1)
    idxs = (idx0, idx1)
    rgs = (rg0, rg1)
    sems = (sem0, sem1)

    def zbuf_zero():
        def zrow(i, _):
            for k in range(C // L):
                zbuf[i, pl.ds(k * L, L)] = jnp.zeros((L,), jnp.float32)
            return _
        lax.fori_loop(0, ZB, zrow, 0)

    def acc_zero():
        def z(i, _):
            pltpu.sync_copy(zbuf,
                            acc.at[pl.ds(sid * ROWS_PT + i * ZB, ZB)])
            return _
        lax.fori_loop(0, ROWS_PT // ZB, z, 0)

    zbuf_zero()
    acc_zero()
    plsc.subcore_barrier()

    def issue(j, buf, toff):
        pltpu.sync_copy(epack_hbm.at[wid, j], ebufs[buf])

        for g in range(B // L):
            sl = pl.ds(g * L, L)
            idxs[buf][sl] = ebufs[buf][0, sl] + toff
        pltpu.make_async_copy(table_hbm.at[idxs[buf]], rgs[buf],
                              sems[buf]).start()

    def finish(buf):
        pltpu.make_async_copy(table_hbm.at[idxs[buf]], rgs[buf],
                              sems[buf]).wait()

        def scale(q, _):
            for u in range(4):
                b = q * 4 + u
                wi = plsc.load_gather(ebufs[buf].at[2],
                                      [jnp.full((L,), b, jnp.int32)])
                nb = plsc.bitcast(wi, jnp.float32)
                for k in range(C // L):
                    sl = pl.ds(k * L, L)
                    rgs[buf][b, sl] = rgs[buf][b, sl] * nb
            return _
        lax.fori_loop(0, B // 4, scale, 0)
        pltpu.sync_copy(rgs[buf], acc.at[ebufs[buf].at[1]], add=True)

    def t_step(t, _):
        toff = t * NPAD

        issue(0, 0, toff)

        def pair(p, _):
            issue(2 * p + 1, 1, toff)
            finish(0)
            issue(2 * p + 2, 0, toff)
            finish(1)
            return _
        lax.fori_loop(0, (NCH - 1) // 2, pair, 0)
        finish(0)
        plsc.subcore_barrier()

        pltpu.sync_copy(acc.at[pl.ds(sid * ROWS_PT, ROWS_PT)],
                        out_hbm.at[cid, t, pl.ds(sid * ROWS_PT, ROWS_PT)])
        acc_zero()
        plsc.subcore_barrier()
        return _
    lax.fori_loop(0, T, t_step, 0)


def _main(table, epack):
    mesh = plsc.VectorSubcoreMesh(
        core_axis_name="c", subcore_axis_name="s", num_cores=NC, num_subcores=NS)
    return pl.kernel(
        _main_body,
        out_type=jax.ShapeDtypeStruct((NC, T, NPAD, C), jnp.float32),
        mesh=mesh,
        compiler_params=pltpu.CompilerParams(needs_layout_passes=False),
        scratch_types=[
            pltpu.VMEM((3, B), jnp.int32),
            pltpu.VMEM((3, B), jnp.int32),
            pltpu.VMEM((B,), jnp.int32),
            pltpu.VMEM((B,), jnp.int32),
            pltpu.VMEM((B, C), jnp.float32),
            pltpu.VMEM((B, C), jnp.float32),
            pltpu.VMEM((ZB, C), jnp.float32),
            pltpu.VMEM_SHARED((NPAD, C), jnp.float32),
            pltpu.SemaphoreType.DMA,
            pltpu.SemaphoreType.DMA,
        ],
    )(table, epack)


NB6 = 512


def _out_body(agg_ref, xc_ref, dis_ref, wg_ref, bg_ref, out_ref):
    a = agg_ref[0, 0] + agg_ref[1, 0]
    d = dis_ref[0, 0]
    xcb = xc_ref[0]
    full = (a + xcb) * d[:, None]
    hp = jax.lax.Precision.HIGHEST
    z = lax.dot_general(full, wg_ref[...], (((1,), (1,)), ((), ())),
                        precision=hp, preferred_element_type=jnp.float32)
    z = z + bg_ref[...][None, :]
    z = jnp.maximum(z, 0.0)
    out_ref[0] = jnp.minimum(z, HI)


def _out(agg, xc, dis, w_g, b_g):
    grid = (T, NPAD // NB6)
    return pl.pallas_call(
        _out_body,
        grid=grid,
        in_specs=[
            pl.BlockSpec((NC, 1, NB6, C), lambda t, i: (0, t, i, 0)),
            pl.BlockSpec((1, NB6, C), lambda t, i: (t, i, 0)),
            pl.BlockSpec((1, 1, NB6), lambda t, i: (i, 0, 0)),
            pl.BlockSpec((C, C), lambda t, i: (0, 0)),
            pl.BlockSpec((C,), lambda t, i: (0,)),
        ],
        out_specs=pl.BlockSpec((1, NB6, C), lambda t, i: (t, i, 0)),
        out_shape=jax.ShapeDtypeStruct((T, NPAD, C), jnp.float32),
    )(agg, xc, dis.reshape(NPAD // NB6, 1, NB6), w_g, b_g)


def kernel(x, edge_index, edge_weight, w_t, b_t, gamma, beta, w_g, b_g):
    x_pad = jnp.pad(x, ((0, 0), (0, NPAD - N), (0, 0)))
    src = edge_index[0]
    dst = edge_index[1]
    ew_n = _softmax(edge_weight)
    src_p = jnp.pad(src, (0, EPAD - E))
    dst_p = jnp.pad(dst, (0, EPAD - E))
    ewn_p = jnp.pad(ew_n, (0, EPAD - E))

    dst3 = dst_p.reshape(NW, NCH, B)
    degp = _deg(dst3, ewn_p)
    dis = _dis(degp)
    xc = _stage1(x_pad, w_t, b_t, gamma, beta, dis)

    table = xc.reshape(T * NPAD, C)
    src3 = src_p.reshape(NW, NCH, B)
    ew3 = lax.bitcast_convert_type(ewn_p, jnp.int32).reshape(NW, NCH, B)
    epack = jnp.stack([src3, dst3, ew3], axis=2)
    agg = _main(table, epack)

    out = _out(agg, xc, dis, w_g, b_g)
    return out[:, :N, :]

# --- scband reference (transcript-rebuilt; emitter-appended) ---
"""Pipeline reference for scband-base-stgcnlayer-21500606284425 (READ-ONLY COPY).

The authoritative reference and input builder live on the scoring server;
editing this copy changes nothing except your own understanding.
"""

import jax, jax.numpy as jnp
import numpy as np

T = 12
N = 10000
E = 320000
C = 128

def setup_inputs(seed: int = 0) -> dict:
    key = jax.random.key(seed)
    ks = jax.random.split(key, 8)
    x = jax.random.normal(ks[0], (T, N, C), dtype=jnp.float32)
    edge_index = jax.random.randint(ks[1], (2, E), 0, N, dtype=jnp.int32)
    edge_weight = jax.random.uniform(ks[2], (E,), dtype=jnp.float32)
    # temporal Conv1d(C, C, kernel_size=3, padding=1): xavier_uniform gain=0.1, bias 0
    fan = C * 3
    bound = 0.1 * np.sqrt(6.0 / (C + C * 3))
    w_t = jax.random.uniform(ks[3], (C, C, 3), dtype=jnp.float32, minval=-bound, maxval=bound)
    b_t = jnp.zeros((C,), dtype=jnp.float32)
    # InstanceNorm1d affine params
    gamma = jnp.ones((C,), dtype=jnp.float32)
    beta = jnp.zeros((C,), dtype=jnp.float32)
    # GCNConv linear (glorot) + bias
    gb = np.sqrt(6.0 / (C + C))
    w_g = jax.random.uniform(ks[4], (C, C), dtype=jnp.float32, minval=-gb, maxval=gb)
    b_g = jnp.zeros((C,), dtype=jnp.float32)
    return {"x": x, "edge_index": edge_index, "edge_weight": edge_weight,
            "w_t": w_t, "b_t": b_t, "gamma": gamma, "beta": beta,
            "w_g": w_g, "b_g": b_g}

def _gcn_norm(edge_index, ew_norm, dtype):
    src, dst = edge_index[0], edge_index[1]
    loop = jnp.arange(N, dtype=edge_index.dtype)
    src_f = jnp.concatenate([src, loop])
    dst_f = jnp.concatenate([dst, loop])
    ew_f = jnp.concatenate([ew_norm, jnp.ones((N,), dtype=dtype)])
    deg = jnp.zeros((N,), dtype=dtype).at[dst_f].add(ew_f)
    dis = jnp.where(deg > 0, jax.lax.rsqrt(jnp.maximum(deg, 1e-30)), 0.0)
    norm = dis[src_f] * ew_f * dis[dst_f]
    return src_f, dst_f, norm

def reference(x, edge_index, edge_weight, w_t, b_t, gamma, beta, w_g, b_g):
    # stack(list of T [N,C]) -> [T,N,C]; permute(1,2,0) -> [N,C,T]
    xc = jnp.transpose(x, (1, 2, 0))
    xc = jax.lax.conv_general_dilated(xc, w_t, window_strides=(1,), padding=((1, 1),),
                                      dimension_numbers=("NCH", "OIH", "NCH"))
    xc = xc + b_t[None, :, None]
    xc = jnp.clip(xc, -10.0, 10.0)
    # InstanceNorm1d (affine, biased variance over temporal dim)
    mean = jnp.mean(xc, axis=2, keepdims=True)
    var = jnp.var(xc, axis=2, keepdims=True)
    xc = gamma[None, :, None] * (xc - mean) / jnp.sqrt(var + 1e-5) + beta[None, :, None]
    xc = jax.nn.relu(xc)
    xc = jnp.transpose(xc, (0, 2, 1))  # [N, T, C]
    ew_norm = jax.nn.softmax(edge_weight, axis=0)
    src_f, dst_f, norm = _gcn_norm(edge_index, ew_norm, xc.dtype)
    outs = []
    for t in range(T):
        xt = xc[:, t, :]
        xw = xt @ w_g.T
        msgs = norm[:, None] * jnp.take(xw, src_f, axis=0)
        o = jnp.zeros((N, C), dtype=xw.dtype).at[dst_f].add(msgs) + b_g
        o = jax.nn.relu(o)
        o = jnp.clip(o, -10.0, 10.0)
        outs.append(o)
    return jnp.stack(outs)

if __name__ == "__main__":
    import jax
    _d = setup_inputs()
    print(jax.jit(kernel)(*tuple(_d.values())))

</pallas_src>

<mosaic_0001>
#map = affine_map<(d0, d1) -> (0, 0)>
#map1 = affine_map<(d0, d1) -> (0, 0, 0, 0)>
module attributes {stable_mosaic.version = 14 : i64} {
  func.func @_main_body(%arg0: i32, %arg1: i32, %arg2: memref<122880x128xf32, #tpu.memory_space<hbm>>, %arg3: memref<32x79x3x128xi32, #tpu.memory_space<hbm>>, %arg4: memref<2x12x10240x128xf32, #tpu.memory_space<hbm>>, %arg5: memref<3x128xi32, #tpu.memory_space<vmem>>, %arg6: memref<3x128xi32, #tpu.memory_space<vmem>>, %arg7: memref<128xi32, #tpu.memory_space<vmem>>, %arg8: memref<128xi32, #tpu.memory_space<vmem>>, %arg9: memref<128x128xf32, #tpu.memory_space<vmem>>, %arg10: memref<128x128xf32, #tpu.memory_space<vmem>>, %arg11: memref<32x128xf32, #tpu.memory_space<vmem>>, %arg12: memref<10240x128xf32, #tpu.memory_space<vmem_shared>>, %arg13: memref<!tpu.dma_semaphore, #tpu.memory_space<semaphore_mem>>, %arg14: memref<!tpu.dma_semaphore, #tpu.memory_space<semaphore_mem>>) attributes {dimension_semantics = [#tpu.dimension_semantics<core_parallel>, #tpu.dimension_semantics<subcore_parallel>], iteration_bounds = array<i64: 2, 16>, scalar_prefetch = 0 : i64, scratch_operands = 10 : i64, tpu.core_type = #tpu.core_type<sc_vector_subcore>, window_params = [{transform_indices = #map}, {transform_indices = #map1}, {transform_indices = #map1}]} {
    %mul3A = arith.constant 16 : i32
    %mul3A_0 = arith.muli %arg0, %mul3A : i32
    %add3A = arith.addi %mul3A_0, %arg1 : i32
    %scan3A = arith.constant 0 : i32
    %scan3A_1 = arith.constant 0 : i32
    %scan3A_2 = arith.constant 32 : i32
    %scan3A_3 = arith.addi %scan3A_1, %scan3A_2 : i32
    %scan3A_4 = arith.constant 1 : i32
    scf.for %scan3A_18 = %scan3A_1 to %scan3A_3 step %scan3A_4  : i32 {
      %broadcast_in_dim3A = arith.constant 0.000000e+00 : f32
      %broadcast_in_dim3A_19 = vector.broadcast %broadcast_in_dim3A : f32 to vector<16xf32>
      %swap3A = arith.index_cast %scan3A_18 : i32 to index
      %swap3A_20 = arith.constant 0 : index
      %swap3A_21 = tpu.vector_load %arg11[%swap3A, %swap3A_20] {strides = array<i32>} : memref<32x128xf32, #tpu.memory_space<vmem>>, vector<16xf32>,
      tpu.vector_store %arg11[%swap3A, %swap3A_20], %broadcast_in_dim3A_19 {strides = array<i32>} : memref<32x128xf32, #tpu.memory_space<vmem>>, vector<16xf32>,
      %broadcast_in_dim3A_22 = arith.constant 0.000000e+00 : f32
      %broadcast_in_dim3A_23 = vector.broadcast %broadcast_in_dim3A_22 : f32 to vector<16xf32>
      %swap3A_24 = arith.index_cast %scan3A_18 : i32 to index
      %swap3A_25 = arith.constant 16 : index
      %swap3A_26 = tpu.vector_load %arg11[%swap3A_24, %swap3A_25] {strides = array<i32>} : memref<32x128xf32, #tpu.memory_space<vmem>>, vector<16xf32>,
      tpu.vector_store %arg11[%swap3A_24, %swap3A_25], %broadcast_in_dim3A_23 {strides = array<i32>} : memref<32x128xf32, #tpu.memory_space<vmem>>, vector<16xf32>,
      %broadcast_in_dim3A_27 = arith.constant 0.000000e+00 : f32
      %broadcast_in_dim3A_28 = vector.broadcast %broadcast_in_dim3A_27 : f32 to vector<16xf32>
      %swap3A_29 = arith.index_cast %scan3A_18 : i32 to index
      %swap3A_30 = arith.constant 32 : index
      %swap3A_31 = tpu.vector_load %arg11[%swap3A_29, %swap3A_30] {strides = array<i32>} : memref<32x128xf32, #tpu.memory_space<vmem>>, vector<16xf32>,
      tpu.vector_store %arg11[%swap3A_29, %swap3A_30], %broadcast_in_dim3A_28 {strides = array<i32>} : memref<32x128xf32, #tpu.memory_space<vmem>>, vector<16xf32>,
      %broadcast_in_dim3A_32 = arith.constant 0.000000e+00 : f32
      %broadcast_in_dim3A_33 = vector.broadcast %broadcast_in_dim3A_32 : f32 to vector<16xf32>
      %swap3A_34 = arith.index_cast %scan3A_18 : i32 to index
      %swap3A_35 = arith.constant 48 : index
      %swap3A_36 = tpu.vector_load %arg11[%swap3A_34, %swap3A_35] {strides = array<i32>} : memref<32x128xf32, #tpu.memory_space<vmem>>, vector<16xf32>,
      tpu.vector_store %arg11[%swap3A_34, %swap3A_35], %broadcast_in_dim3A_33 {strides = array<i32>} : memref<32x128xf32, #tpu.memory_space<vmem>>, vector<16xf32>,
      %broadcast_in_dim3A_37 = arith.constant 0.000000e+00 : f32
      %broadcast_in_dim3A_38 = vector.broadcast %broadcast_in_dim3A_37 : f32 to vector<16xf32>
      %swap3A_39 = arith.index_cast %scan3A_18 : i32 to index
      %swap3A_40 = arith.constant 64 : index
      %swap3A_41 = tpu.vector_load %arg11[%swap3A_39, %swap3A_40] {strides = array<i32>} : memref<32x128xf32, #tpu.memory_space<vmem>>, vector<16xf32>,
      tpu.vector_store %arg11[%swap3A_39, %swap3A_40], %broadcast_in_dim3A_38 {strides = array<i32>} : memref<32x128xf32, #tpu.memory_space<vmem>>, vector<16xf32>,
      %broadcast_in_dim3A_42 = arith.constant 0.000000e+00 : f32
      %broadcast_in_dim3A_43 = vector.broadcast %broadcast_in_dim3A_42 : f32 to vector<16xf32>
      %swap3A_44 = arith.index_cast %scan3A_18 : i32 to index
      %swap3A_45 = arith.constant 80 : index
      %swap3A_46 = tpu.vector_load %arg11[%swap3A_44, %swap3A_45] {strides = array<i32>} : memref<32x128xf32, #tpu.memory_space<vmem>>, vector<16xf32>,
      tpu.vector_store %arg11[%swap3A_44, %swap3A_45], %broadcast_in_dim3A_43 {strides = array<i32>} : memref<32x128xf32, #tpu.memory_space<vmem>>, vector<16xf32>,
      %broadcast_in_dim3A_47 = arith.constant 0.000000e+00 : f32
      %broadcast_in_dim3A_48 = vector.broadcast %broadcast_in_dim3A_47 : f32 to vector<16xf32>
      %swap3A_49 = arith.index_cast %scan3A_18 : i32 to index
      %swap3A_50 = arith.constant 96 : index
      %swap3A_51 = tpu.vector_load %arg11[%swap3A_49, %swap3A_50] {strides = array<i32>} : memref<32x128xf32, #tpu.memory_space<vmem>>, vector<16xf32>,
      tpu.vector_store %arg11[%swap3A_49, %swap3A_50], %broadcast_in_dim3A_48 {strides = array<i32>} : memref<32x128xf32, #tpu.memory_space<vmem>>, vector<16xf32>,
      %broadcast_in_dim3A_52 = arith.constant 0.000000e+00 : f32
      %broadcast_in_dim3A_53 = vector.broadcast %broadcast_in_dim3A_52 : f32 to vector<16xf32>
      %swap3A_54 = arith.index_cast %scan3A_18 : i32 to index
      %swap3A_55 = arith.constant 112 : index
      %swap3A_56 = tpu.vector_load %arg11[%swap3A_54, %swap3A_55] {strides = array<i32>} : memref<32x128xf32, #tpu.memory_space<vmem>>, vector<16xf32>,
      tpu.vector_store %arg11[%swap3A_54, %swap3A_55], %broadcast_in_dim3A_53 {strides = array<i32>} : memref<32x128xf32, #tpu.memory_space<vmem>>, vector<16xf32>,
    }
    %scan3A_5 = arith.constant 32 : i32
    %scan3A_6 = arith.constant 0 : i32
    %scan3A_7 = arith.constant 0 : i32
    %scan3A_8 = arith.constant 20 : i32
    %scan3A_9 = arith.addi %scan3A_7, %scan3A_8 : i32
    %scan3A_10 = arith.constant 1 : i32
    scf.for %scan3A_18 = %scan3A_7 to %scan3A_9 step %scan3A_10  : i32 {
      %mul3A_19 = arith.constant 640 : i32
      %mul3A_20 = arith.muli %arg1, %mul3A_19 : i32
      %mul3A_21 = arith.constant 32 : i32
      %mul3A_22 = arith.muli %scan3A_18, %mul3A_21 : i32
      %add3A_23 = arith.addi %mul3A_20, %mul3A_22 : i32
      "tpu.region"() ({
        %run_scoped3A = tpu.sem_alloc : memref<!tpu.dma_semaphore, #tpu.memory_space<semaphore_mem>>
        %dma_start3A = arith.constant 0 : i32
        %dma_start3A_24 = tpu.memref_slice %arg12[%add3A_23, %dma_start3A] : memref<10240x128xf32, #tpu.memory_space<vmem_shared>> -> memref<32x128xf32, #tpu.memory_space<vmem_shared>>
        %dma_start3A_25 = arith.constant 0 : i32
        %dma_start3A_26 = tpu.memref_slice %arg12[%add3A_23, %dma_start3A_25] : memref<10240x128xf32, #tpu.memory_space<vmem_shared>> -> memref<32x128xf32, #tpu.memory_space<vmem_shared>>
        tpu.enqueue_dma source(%arg11 : memref<32x128xf32, #tpu.memory_space<vmem>>) target(%dma_start3A_26 : memref<32x128xf32, #tpu.memory_space<vmem_shared>>) target_semaphore(%run_scoped3A : memref<!tpu.dma_semaphore, #tpu.memory_space<semaphore_mem>>)
        %dma_wait3A = arith.constant 0 : i32
        %dma_wait3A_27 = tpu.memref_slice %arg12[%add3A_23, %dma_wait3A] : memref<10240x128xf32, #tpu.memory_space<vmem_shared>> -> memref<32x128xf32, #tpu.memory_space<vmem_shared>>
        %dma_wait3A_28 = arith.constant 0 : i32
        %dma_wait3A_29 = tpu.memref_slice %arg12[%add3A_23, %dma_wait3A_28] : memref<10240x128xf32, #tpu.memory_space<vmem_shared>> -> memref<32x128xf32, #tpu.memory_space<vmem_shared>>
        tpu.wait_dma2 semaphore(%run_scoped3A : memref<!tpu.dma_semaphore, #tpu.memory_space<semaphore_mem>>) src(%arg11 : memref<32x128xf32, #tpu.memory_space<vmem>>) dst(%dma_wait3A_29 : memref<32x128xf32, #tpu.memory_space<vmem_shared>>)
        tpu.yield
      }) : () -> ()
    }
    %scan3A_11 = arith.constant 20 : i32
    %barrier3A = arith.constant 0 : index
    tpu.barrier barrier_id(%barrier3A)
    %scan3A_12 = arith.constant 0 : i32
    %scan3A_13 = arith.constant 0 : i32
    %scan3A_14 = arith.constant 12 : i32
    %scan3A_15 = arith.addi %scan3A_13, %scan3A_14 : i32
    %scan3A_16 = arith.constant 1 : i32
    scf.for %scan3A_18 = %scan3A_13 to %scan3A_15 step %scan3A_16  : i32 {
      %mul3A_19 = arith.constant 10240 : i32
      %mul3A_20 = arith.muli %scan3A_18, %mul3A_19 : i32
      %run_scoped3A = arith.constant 0 : i32
      "tpu.region"() ({
        %run_scoped3A_112 = tpu.sem_alloc : memref<!tpu.dma_semaphore, #tpu.memory_space<semaphore_mem>>
        %dma_start3A_113 = arith.constant 0 : i32
        %dma_start3A_114 = arith.constant 0 : i32
        %dma_start3A_115 = tpu.memref_slice %arg3[%add3A, %run_scoped3A, %dma_start3A_113, %dma_start3A_114] : memref<32x79x3x128xi32, #tpu.memory_space<hbm>> -> memref<1x1x3x128xi32, #tpu.memory_space<hbm>>
        %dma_start3A_116 = tpu.memref_squeeze %dma_start3A_115 : memref<1x1x3x128xi32, #tpu.memory_space<hbm>> -> memref<3x128xi32, #tpu.memory_space<hbm>>
        %dma_start3A_117 = arith.constant 0 : i32
        %dma_start3A_118 = arith.constant 0 : i32
        %dma_start3A_119 = tpu.memref_slice %arg3[%add3A, %run_scoped3A, %dma_start3A_117, %dma_start3A_118] : memref<32x79x3x128xi32, #tpu.memory_space<hbm>> -> memref<1x1x3x128xi32, #tpu.memory_space<hbm>>
        %dma_start3A_120 = tpu.memref_squeeze %dma_start3A_119 : memref<1x1x3x128xi32, #tpu.memory_space<hbm>> -> memref<3x128xi32, #tpu.memory_space<hbm>>
        tpu.enqueue_dma source(%dma_start3A_120 : memref<3x128xi32, #tpu.memory_space<hbm>>) target(%arg5 : memref<3x128xi32, #tpu.memory_space<vmem>>) target_semaphore(%run_scoped3A_112 : memref<!tpu.dma_semaphore, #tpu.memory_space<semaphore_mem>>)
        %dma_wait3A_121 = arith.constant 0 : i32
        %dma_wait3A_122 = arith.constant 0 : i32
        %dma_wait3A_123 = tpu.memref_slice %arg3[%add3A, %run_scoped3A, %dma_wait3A_121, %dma_wait3A_122] : memref<32x79x3x128xi32, #tpu.memory_space<hbm>> -> memref<1x1x3x128xi32, #tpu.memory_space<hbm>>
        %dma_wait3A_124 = tpu.memref_squeeze %dma_wait3A_123 : memref<1x1x3x128xi32, #tpu.memory_space<hbm>> -> memref<3x128xi32, #tpu.memory_space<hbm>>
        %dma_wait3A_125 = arith.constant 0 : i32
        %dma_wait3A_126 = arith.constant 0 : i32
        %dma_wait3A_127 = tpu.memref_slice %arg3[%add3A, %run_scoped3A, %dma_wait3A_125, %dma_wait3A_126] : memref<32x79x3x128xi32, #tpu.memory_space<hbm>> -> memref<1x1x3x128xi32, #tpu.memory_space<hbm>>
        %dma_wait3A_128 = tpu.memref_squeeze %dma_wait3A_127 : memref<1x1x3x128xi32, #tpu.memory_space<hbm>> -> memref<3x128xi32, #tpu.memory_space<hbm>>
        tpu.wait_dma2 semaphore(%run_scoped3A_112 : memref<!tpu.dma_semaphore, #tpu.memory_space<semaphore_mem>>) src(%dma_wait3A_128 : memref<3x128xi32, #tpu.memory_space<hbm>>) dst(%arg5 : memref<3x128xi32, #tpu.memory_space<vmem>>)
        tpu.yield
      }) : () -> ()
      %get3A = arith.constant 0 : i32
      %get3A_21 = arith.index_cast %get3A : i32 to index
      %get3A_22 = arith.constant 0 : index
      %get3A_23 = tpu.vector_load %arg5[%get3A_21, %get3A_22] {strides = array<i32>} : memref<3x128xi32, #tpu.memory_space<vmem>>, vector<16xi32>,
      %add3A_24 = vector.broadcast %mul3A_20 : i32 to vector<16xi32>
      %add3A_25 = arith.addi %get3A_23, %add3A_24 : vector<16xi32>
      %swap3A = arith.constant 0 : index
      %swap3A_26 = tpu.vector_load %arg7[%swap3A] {strides = array<i32>} : memref<128xi32, #tpu.memory_space<vmem>>, vector<16xi32>,
      tpu.vector_store %arg7[%swap3A], %add3A_25 {strides = array<i32>} : memref<128xi32, #tpu.memory_space<vmem>>, vector<16xi32>,
      %get3A_27 = arith.constant 0 : i32
      %get3A_28 = arith.index_cast %get3A_27 : i32 to index
      %get3A_29 = arith.constant 16 : index
      %get3A_30 = tpu.vector_load %arg5[%get3A_28, %get3A_29] {strides = array<i32>} : memref<3x128xi32, #tpu.memory_space<vmem>>, vector<16xi32>,
      %add3A_31 = vector.broadcast %mul3A_20 : i32 to vector<16xi32>
      %add3A_32 = arith.addi %get3A_30, %add3A_31 : vector<16xi32>
      %swap3A_33 = arith.constant 16 : index
      %swap3A_34 = tpu.vector_load %arg7[%swap3A_33] {strides = array<i32>} : memref<128xi32, #tpu.memory_space<vmem>>, vector<16xi32>,
      tpu.vector_store %arg7[%swap3A_33], %add3A_32 {strides = array<i32>} : memref<128xi32, #tpu.memory_space<vmem>>, vector<16xi32>,
      %get3A_35 = arith.constant 0 : i32
      %get3A_36 = arith.index_cast %get3A_35 : i32 to index
      %get3A_37 = arith.constant 32 : index
      %get3A_38 = tpu.vector_load %arg5[%get3A_36, %get3A_37] {strides = array<i32>} : memref<3x128xi32, #tpu.memory_space<vmem>>, vector<16xi32>,
      %add3A_39 = vector.broadcast %mul3A_20 : i32 to vector<16xi32>
      %add3A_40 = arith.addi %get3A_38, %add3A_39 : vector<16xi32>
      %swap3A_41 = arith.constant 32 : index
      %swap3A_42 = tpu.vector_load %arg7[%swap3A_41] {strides = array<i32>} : memref<128xi32, #tpu.memory_space<vmem>>, vector<16xi32>,
      tpu.vector_store %arg7[%swap3A_41], %add3A_40 {strides = array<i32>} : memref<128xi32, #tpu.memory_space<vmem>>, vector<16xi32>,
      %get3A_43 = arith.constant 0 : i32
      %get3A_44 = arith.index_cast %get3A_43 : i32 to index
      %get3A_45 = arith.constant 48 : index
      %get3A_46 = tpu.vector_load %arg5[%get3A_44, %get3A_45] {strides = array<i32>} : memref<3x128xi32, #tpu.memory_space<vmem>>, vector<16xi32>,
      %add3A_47 = vector.broadcast %mul3A_20 : i32 to vector<16xi32>
      %add3A_48 = arith.addi %get3A_46, %add3A_47 : vector<16xi32>
      %swap3A_49 = arith.constant 48 : index
      %swap3A_50 = tpu.vector_load %arg7[%swap3A_49] {strides = array<i32>} : memref<128xi32, #tpu.memory_space<vmem>>, vector<16xi32>,
      tpu.vector_store %arg7[%swap3A_49], %add3A_48 {strides = array<i32>} : memref<128xi32, #tpu.memory_space<vmem>>, vector<16xi32>,
      %get3A_51 = arith.constant 0 : i32
      %get3A_52 = arith.index_cast %get3A_51 : i32 to index
      %get3A_53 = arith.constant 64 : index
      %get3A_54 = tpu.vector_load %arg5[%get3A_52, %get3A_53] {strides = array<i32>} : memref<3x128xi32, #tpu.memory_space<vmem>>, vector<16xi32>,
      %add3A_55 = vector.broadcast %mul3A_20 : i32 to vector<16xi32>
      %add3A_56 = arith.addi %get3A_54, %add3A_55 : vector<16xi32>
      %swap3A_57 = arith.constant 64 : index
      %swap3A_58 = tpu.vector_load %arg7[%swap3A_57] {strides = array<i32>} : memref<128xi32, #tpu.memory_space<vmem>>, vector<16xi32>,
      tpu.vector_store %arg7[%swap3A_57], %add3A_56 {strides = array<i32>} : memref<128xi32, #tpu.memory_space<vmem>>, vector<16xi32>,
      %get3A_59 = arith.constant 0 : i32
      %get3A_60 = arith.index_cast %get3A_59 : i32 to index
      %get3A_61 = arith.constant 80 : index
      %get3A_62 = tpu.vector_load %arg5[%get3A_60, %get3A_61] {strides = array<i32>} : memref<3x128xi32, #tpu.memory_space<vmem>>, vector<16xi32>,
      %add3A_63 = vector.broadcast %mul3A_20 : i32 to vector<16xi32>
      %add3A_64 = arith.addi %get3A_62, %add3A_63 : vector<16xi32>
      %swap3A_65 = arith.constant 80 : index
      %swap3A_66 = tpu.vector_load %arg7[%swap3A_65] {strides = array<i32>} : memref<128xi32, #tpu.memory_space<vmem>>, vector<16xi32>,
      tpu.vector_store %arg7[%swap3A_65], %add3A_64 {strides = array<i32>} : memref<128xi32, #tpu.memory_space<vmem>>, vector<16xi32>,
      %get3A_67 = arith.constant 0 : i32
      %get3A_68 = arith.index_cast %get3A_67 : i32 to index
      %get3A_69 = arith.constant 96 : index
      %get3A_70 = tpu.vector_load %arg5[%get3A_68, %get3A_69] {strides = array<i32>} : memref<3x128xi32, #tpu.memory_space<vmem>>, vector<16xi32>,
      %add3A_71 = vector.broadcast %mul3A_20 : i32 to vector<16xi32>
      %add3A_72 = arith.addi %get3A_70, %add3A_71 : vector<16xi32>
      %swap3A_73 = arith.constant 96 : index
      %swap3A_74 = tpu.vector_load %arg7[%swap3A_73] {strides = array<i32>} : memref<128xi32, #tpu.memory_space<vmem>>, vector<16xi32>,
      tpu.vector_store %arg7[%swap3A_73], %add3A_72 {strides = array<i32>} : memref<128xi32, #tpu.memory_space<vmem>>, vector<16xi32>,
      %get3A_75 = arith.constant 0 : i32
      %get3A_76 = arith.index_cast %get3A_75 : i32 to index
      %get3A_77 = arith.constant 112 : index
      %get3A_78 = tpu.vector_load %arg5[%get3A_76, %get3A_77] {strides = array<i32>} : memref<3x128xi32, #tpu.memory_space<vmem>>, vector<16xi32>,
      %add3A_79 = vector.broadcast %mul3A_20 : i32 to vector<16xi32>
      %add3A_80 = arith.addi %get3A_78, %add3A_79 : vector<16xi32>
      %swap3A_81 = arith.constant 112 : index
      %swap3A_82 = tpu.vector_load %arg7[%swap3A_81] {strides = array<i32>} : memref<128xi32, #tpu.memory_space<vmem>>, vector<16xi32>,
      tpu.vector_store %arg7[%swap3A_81], %add3A_80 {strides = array<i32>} : memref<128xi32, #tpu.memory_space<vmem>>, vector<16xi32>,
      %dma_start3A = arith.constant 0 : i32
      %dma_start3A_83 = arith.constant 0 : i32
      %dma_start3A_84 = tpu.memref_slice %arg2[%dma_start3A, %dma_start3A_83] : memref<122880x128xf32, #tpu.memory_space<hbm>> -> memref<122880x128xf32, #tpu.memory_space<hbm>>
      tpu.enqueue_indirect_dma source(%dma_start3A_84 : memref<122880x128xf32, #tpu.memory_space<hbm>>) target(%arg9 : memref<128x128xf32, #tpu.memory_space<vmem>>) offsets(%arg7 : memref<128xi32, #tpu.memory_space<vmem>>) semaphore(%arg13 : memref<!tpu.dma_semaphore, #tpu.memory_space<semaphore_mem>>)
      %scan3A_85 = arith.constant 0 : i32
      %scan3A_86 = arith.constant 0 : i32
      %scan3A_87 = arith.constant 39 : i32
      %scan3A_88 = arith.addi %scan3A_86, %scan3A_87 : i32
      %scan3A_89 = arith.constant 1 : i32
      scf.for %scan3A_112 = %scan3A_86 to %scan3A_88 step %scan3A_89  : i32 {
        %mul3A_113 = arith.constant 2 : i32
        %mul3A_114 = arith.muli %mul3A_113, %scan3A_112 : i32
        %add3A_115 = arith.constant 1 : i32
        %add3A_116 = arith.addi %mul3A_114, %add3A_115 : i32
        "tpu.region"() ({
          %run_scoped3A_275 = tpu.sem_alloc : memref<!tpu.dma_semaphore, #tpu.memory_space<semaphore_mem>>
          %dma_start3A_276 = arith.constant 0 : i32
          %dma_start3A_277 = arith.constant 0 : i32
          %dma_start3A_278 = tpu.memref_slice %arg3[%add3A, %add3A_116, %dma_start3A_276, %dma_start3A_277] : memref<32x79x3x128xi32, #tpu.memory_space<hbm>> -> memref<1x1x3x128xi32, #tpu.memory_space<hbm>>
          %dma_start3A_279 = tpu.memref_squeeze %dma_start3A_278 : memref<1x1x3x128xi32, #tpu.memory_space<hbm>> -> memref<3x128xi32, #tpu.memory_space<hbm>>
          %dma_start3A_280 = arith.constant 0 : i32
          %dma_start3A_281 = arith.constant 0 : i32
          %dma_start3A_282 = tpu.memref_slice %arg3[%add3A, %add3A_116, %dma_start3A_280, %dma_start3A_281] : memref<32x79x3x128xi32, #tpu.memory_space<hbm>> -> memref<1x1x3x128xi32, #tpu.memory_space<hbm>>
          %dma_start3A_283 = tpu.memref_squeeze %dma_start3A_282 : memref<1x1x3x128xi32, #tpu.memory_space<hbm>> -> memref<3x128xi32, #tpu.memory_space<hbm>>
          tpu.enqueue_dma source(%dma_start3A_283 : memref<3x128xi32, #tpu.memory_space<hbm>>) target(%arg6 : memref<3x128xi32, #tpu.memory_space<vmem>>) target_semaphore(%run_scoped3A_275 : memref<!tpu.dma_semaphore, #tpu.memory_space<semaphore_mem>>)
          %dma_wait3A_284 = arith.constant 0 : i32
          %dma_wait3A_285 = arith.constant 0 : i32
          %dma_wait3A_286 = tpu.memref_slice %arg3[%add3A, %add3A_116, %dma_wait3A_284, %dma_wait3A_285] : memref<32x79x3x128xi32, #tpu.memory_space<hbm>> -> memref<1x1x3x128xi32, #tpu.memory_space<hbm>>
          %dma_wait3A_287 = tpu.memref_squeeze %dma_wait3A_286 : memref<1x1x3x128xi32, #tpu.memory_space<hbm>> -> memref<3x128xi32, #tpu.memory_space<hbm>>
          %dma_wait3A_288 = arith.constant 0 : i32
          %dma_wait3A_289 = arith.constant 0 : i32
          %dma_wait3A_290 = tpu.memref_slice %arg3[%add3A, %add3A_116, %dma_wait3A_288, %dma_wait3A_289] : memref<32x79x3x128xi32, #tpu.memory_space<hbm>> -> memref<1x1x3x128xi32, #tpu.memory_space<hbm>>
          %dma_wait3A_291 = tpu.memref_squeeze %dma_wait3A_290 : memref<1x1x3x128xi32, #tpu.memory_space<hbm>> -> memref<3x128xi32, #tpu.memory_space<hbm>>
          tpu.wait_dma2 semaphore(%run_scoped3A_275 : memref<!tpu.dma_semaphore, #tpu.memory_space<semaphore_mem>>) src(%dma_wait3A_291 : memref<3x128xi32, #tpu.memory_space<hbm>>) dst(%arg6 : memref<3x128xi32, #tpu.memory_space<vmem>>)
          tpu.yield
        }) : () -> ()
        %get3A_117 = arith.constant 0 : i32
        %get3A_118 = arith.index_cast %get3A_117 : i32 to index
        %get3A_119 = arith.constant 0 : index
        %get3A_120 = tpu.vector_load %arg6[%get3A_118, %get3A_119] {strides = array<i32>} : memref<3x128xi32, #tpu.memory_space<vmem>>, vector<16xi32>,
        %add3A_121 = vector.broadcast %mul3A_20 : i32 to vector<16xi32>
        %add3A_122 = arith.addi %get3A_120, %add3A_121 : vector<16xi32>
        %swap3A_123 = arith.constant 0 : index
        %swap3A_124 = tpu.vector_load %arg8[%swap3A_123] {strides = array<i32>} : memref<128xi32, #tpu.memory_space<vmem>>, vector<16xi32>,
        tpu.vector_store %arg8[%swap3A_123], %add3A_122 {strides = array<i32>} : memref<128xi32, #tpu.memory_space<vmem>>, vector<16xi32>,
        %get3A_125 = arith.constant 0 : i32
        %get3A_126 = arith.index_cast %get3A_125 : i32 to index
        %get3A_127 = arith.constant 16 : index
        %get3A_128 = tpu.vector_load %arg6[%get3A_126, %get3A_127] {strides = array<i32>} : memref<3x128xi32, #tpu.memory_space<vmem>>, vector<16xi32>,
        %add3A_129 = vector.broadcast %mul3A_20 : i32 to vector<16xi32>
        %add3A_130 = arith.addi %get3A_128, %add3A_129 : vector<16xi32>
        %swap3A_131 = arith.constant 16 : index
        %swap3A_132 = tpu.vector_load %arg8[%swap3A_131] {strides = array<i32>} : memref<128xi32, #tpu.memory_space<vmem>>, vector<16xi32>,
        tpu.vector_store %arg8[%swap3A_131], %add3A_130 {strides = array<i32>} : memref<128xi32, #tpu.memory_space<vmem>>, vector<16xi32>,
        %get3A_133 = arith.constant 0 : i32
        %get3A_134 = arith.index_cast %get3A_133 : i32 to index
        %get3A_135 = arith.constant 32 : index
        %get3A_136 = tpu.vector_load %arg6[%get3A_134, %get3A_135] {strides = array<i32>} : memref<3x128xi32, #tpu.memory_space<vmem>>, vector<16xi32>,
        %add3A_137 = vector.broadcast %mul3A_20 : i32 to vector<16xi32>
        %add3A_138 = arith.addi %get3A_136, %add3A_137 : vector<16xi32>
        %swap3A_139 = arith.constant 32 : index
        %swap3A_140 = tpu.vector_load %arg8[%swap3A_139] {strides = array<i32>} : memref<128xi32, #tpu.memory_space<vmem>>, vector<16xi32>,
        tpu.vector_store %arg8[%swap3A_139], %add3A_138 {strides = array<i32>} : memref<128xi32, #tpu.memory_space<vmem>>, vector<16xi32>,
        %get3A_141 = arith.constant 0 : i32
        %get3A_142 = arith.index_cast %get3A_141 : i32 to index
        %get3A_143 = arith.constant 48 : index
        %get3A_144 = tpu.vector_load %arg6[%get3A_142, %get3A_143] {strides = array<i32>} : memref<3x128xi32, #tpu.memory_space<vmem>>, vector<16xi32>,
        %add3A_145 = vector.broadcast %mul3A_20 : i32 to vector<16xi32>
        %add3A_146 = arith.addi %get3A_144, %add3A_145 : vector<16xi32>
        %swap3A_147 = arith.constant 48 : index
        %swap3A_148 = tpu.vector_load %arg8[%swap3A_147] {strides = array<i32>} : memref<128xi32, #tpu.memory_space<vmem>>, vector<16xi32>,
        tpu.vector_store %arg8[%swap3A_147], %add3A_146 {strides = array<i32>} : memref<128xi32, #tpu.memory_space<vmem>>, vector<16xi32>,
        %get3A_149 = arith.constant 0 : i32
        %get3A_150 = arith.index_cast %get3A_149 : i32 to index
        %get3A_151 = arith.constant 64 : index
        %get3A_152 = tpu.vector_load %arg6[%get3A_150, %get3A_151] {strides = array<i32>} : memref<3x128xi32, #tpu.memory_space<vmem>>, vector<16xi32>,
        %add3A_153 = vector.broadcast %mul3A_20 : i32 to vector<16xi32>
        %add3A_154 = arith.addi %get3A_152, %add3A_153 : vector<16xi32>
        %swap3A_155 = arith.constant 64 : index
        %swap3A_156 = tpu.vector_load %arg8[%swap3A_155] {strides = array<i32>} : memref<128xi32, #tpu.memory_space<vmem>>, vector<16xi32>,
        tpu.vector_store %arg8[%swap3A_155], %add3A_154 {strides = array<i32>} : memref<128xi32, #tpu.memory_space<vmem>>, vector<16xi32>,
        %get3A_157 = arith.constant 0 : i32
        %get3A_158 = arith.index_cast %get3A_157 : i32 to index
        %get3A_159 = arith.constant 80 : index
        %get3A_160 = tpu.vector_load %arg6[%get3A_158, %get3A_159] {strides = array<i32>} : memref<3x128xi32, #tpu.memory_space<vmem>>, vector<16xi32>,
        %add3A_161 = vector.broadcast %mul3A_20 : i32 to vector<16xi32>
        %add3A_162 = arith.addi %get3A_160, %add3A_161 : vector<16xi32>
        %swap3A_163 = arith.constant 80 : index
        %swap3A_164 = tpu.vector_load %arg8[%swap3A_163] {strides = array<i32>} : memref<128xi32, #tpu.memory_space<vmem>>, vector<16xi32>,
        tpu.vector_store %arg8[%swap3A_163], %add3A_162 {strides = array<i32>} : memref<128xi32, #tpu.memory_space<vmem>>, vector<16xi32>,
        %get3A_165 = arith.constant 0 : i32
        %get3A_166 = arith.index_cast %get3A_165 : i32 to index
        %get3A_167 = arith.constant 96 : index
        %get3A_168 = tpu.vector_load %arg6[%get3A_166, %get3A_167] {strides = array<i32>} : memref<3x128xi32, #tpu.memory_space<vmem>>, vector<16xi32>,
        %add3A_169 = vector.broadcast %mul3A_20 : i32 to vector<16xi32>
        %add3A_170 = arith.addi %get3A_168, %add3A_169 : vector<16xi32>
        %swap3A_171 = arith.constant 96 : index
        %swap3A_172 = tpu.vector_load %arg8[%swap3A_171] {strides = array<i32>} : memref<128xi32, #tpu.memory_space<vmem>>, vector<16xi32>,
        tpu.vector_store %arg8[%swap3A_171], %add3A_170 {strides = array<i32>} : memref<128xi32, #tpu.memory_space<vmem>>, vector<16xi32>,
        %get3A_173 = arith.constant 0 : i32
        %get3A_174 = arith.index_cast %get3A_173 : i32 to index
        %get3A_175 = arith.constant 112 : index
        %get3A_176 = tpu.vector_load %arg6[%get3A_174, %get3A_175] {strides = array<i32>} : memref<3x128xi32, #tpu.memory_space<vmem>>, vector<16xi32>,
        %add3A_177 = vector.broadcast %mul3A_20 : i32 to vector<16xi32>
        %add3A_178 = arith.addi %get3A_176, %add3A_177 : vector<16xi32>
        %swap3A_179 = arith.constant 112 : index
        %swap3A_180 = tpu.vector_load %arg8[%swap3A_179] {strides = array<i32>} : memref<128xi32, #tpu.memory_space<vmem>>, vector<16xi32>,
        tpu.vector_store %arg8[%swap3A_179], %add3A_178 {strides = array<i32>} : memref<128xi32, #tpu.memory_space<vmem>>, vector<16xi32>,
        %dma_start3A_181 = arith.constant 0 : i32
        %dma_start3A_182 = arith.constant 0 : i32
        %dma_start3A_183 = tpu.memref_slice %arg2[%dma_start3A_181, %dma_start3A_182] : memref<122880x128xf32, #tpu.memory_space<hbm>> -> memref<122880x128xf32, #tpu.memory_space<hbm>>
        tpu.enqueue_indirect_dma source(%dma_start3A_183 : memref<122880x128xf32, #tpu.memory_space<hbm>>) target(%arg10 : memref<128x128xf32, #tpu.memory_space<vmem>>) offsets(%arg8 : memref<128xi32, #tpu.memory_space<vmem>>) semaphore(%arg14 : memref<!tpu.dma_semaphore, #tpu.memory_space<semaphore_mem>>)
        %dma_wait3A_184 = arith.constant 0 : i32
        %dma_wait3A_185 = arith.constant 0 : i32
        %dma_wait3A_186 = tpu.memref_slice %arg2[%dma_wait3A_184, %dma_wait3A_185] : memref<122880x128xf32, #tpu.memory_space<hbm>> -> memref<122880x128xf32, #tpu.memory_space<hbm>>
        tpu.wait_indirect_dma semaphore(%arg13 : memref<!tpu.dma_semaphore, #tpu.memory_space<semaphore_mem>>) src(%dma_wait3A_186 : memref<122880x128xf32, #tpu.memory_space<hbm>>) dst(%arg9 : memref<128x128xf32, #tpu.memory_space<vmem>>)
        %scan3A_187 = arith.constant 0 : i32
        %scan3A_188 = arith.constant 0 : i32
        %scan3A_189 = arith.constant 32 : i32
        %scan3A_190 = arith.addi %scan3A_188, %scan3A_189 : i32
        %scan3A_191 = arith.constant 1 : i32
        scf.for %scan3A_275 = %scan3A_188 to %scan3A_190 step %scan3A_191  : i32 {
          %mul3A_276 = arith.constant 4 : i32
          %mul3A_277 = arith.muli %scan3A_275, %mul3A_276 : i32
          %add3A_278 = arith.constant 0 : i32
          %add3A_279 = arith.addi %mul3A_277, %add3A_278 : i32
          %broadcast_in_dim3A = vector.broadcast %add3A_279 : i32 to vector<16xi32>
          %gather3A = arith.constant 2 : i32
          %gather3A_280 = arith.constant 0 : i32
          %gather3A_281 = tpu.memref_slice %arg5[%gather3A, %gather3A_280] : memref<3x128xi32, #tpu.memory_space<vmem>> -> memref<1x128xi32, #tpu.memory_space<vmem>>
          %gather3A_282 = tpu.memref_squeeze %gather3A_281 : memref<1x128xi32, #tpu.memory_space<vmem>> -> memref<128xi32, #tpu.memory_space<vmem>>
          %gather3A_283 = tpu.vector_load_idx %gather3A_282[%broadcast_in_dim3A] : memref<128xi32, #tpu.memory_space<vmem>>[vector<16xi32>], vector<16xi32>,
          %bitcast3A = vector.bitcast %gather3A_283 : vector<16xi32> to vector<16xf32>
          %get3A_284 = arith.index_cast %add3A_279 : i32 to index
          %get3A_285 = arith.constant 0 : index
          %get3A_286 = tpu.vector_load %arg9[%get3A_284, %get3A_285] {strides = array<i32>} : memref<128x128xf32, #tpu.memory_space<vmem>>, vector<16xf32>,
          %mul3A_287 = arith.mulf %get3A_286, %bitcast3A : vector<16xf32>
          %swap3A_288 = arith.index_cast %add3A_279 : i32 to index
          %swap3A_289 = arith.constant 0 : index
          %swap3A_290 = tpu.vector_load %arg9[%swap3A_288, %swap3A_289] {strides = array<i32>} : memref<128x128xf32, #tpu.memory_space<vmem>>, vector<16xf32>,
          tpu.vector_store %arg9[%swap3A_288, %swap3A_289], %mul3A_287 {strides = array<i32>} : memref<128x128xf32, #tpu.memory_space<vmem>>, vector<16xf32>,
          %get3A_291 = arith.index_cast %add3A_279 : i32 to index
          %get3A_292 = arith.constant 16 : index
          %get3A_293 = tpu.vector_load %arg9[%get3A_291, %get3A_292] {strides = array<i32>} : memref<128x128xf32, #tpu.memory_space<vmem>>, vector<16xf32>,
          %mul3A_294 = arith.mulf %get3A_293, %bitcast3A : vector<16xf32>
          %swap3A_295 = arith.index_cast %add3A_279 : i32 to index
          %swap3A_296 = arith.constant 16 : index
          %swap3A_297 = tpu.vector_load %arg9[%swap3A_295, %swap3A_296] {strides = array<i32>} : memref<128x128xf32, #tpu.memory_space<vmem>>, vector<16xf32>,
          tpu.vector_store %arg9[%swap3A_295, %swap3A_296], %mul3A_294 {strides = array<i32>} : memref<128x128xf32, #tpu.memory_space<vmem>>, vector<16xf32>,
          %get3A_298 = arith.index_cast %add3A_279 : i32 to index
          %get3A_299 = arith.constant 32 : index
          %get3A_300 = tpu.vector_load %arg9[%get3A_298, %get3A_299] {strides = array<i32>} : memref<128x128xf32, #tpu.memory_space<vmem>>, vector<16xf32>,
          %mul3A_301 = arith.mulf %get3A_300, %bitcast3A : vector<16xf32>
          %swap3A_302 = arith.index_cast %add3A_279 : i32 to index
          %swap3A_303 = arith.constant 32 : index
          %swap3A_304 = tpu.vector_load %arg9[%swap3A_302, %swap3A_303] {strides = array<i32>} : memref<128x128xf32, #tpu.memory_space<vmem>>, vector<16xf32>,
          tpu.vector_store %arg9[%swap3A_302, %swap3A_303], %mul3A_301 {strides = array<i32>} : memref<128x128xf32, #tpu.memory_space<vmem>>, vector<16xf32>,
          %get3A_305 = arith.index_cast %add3A_279 : i32 to index
          %get3A_306 = arith.constant 48 : index
          %get3A_307 = tpu.vector_load %arg9[%get3A_305, %get3A_306] {strides = array<i32>} : memref<128x128xf32, #tpu.memory_space<vmem>>, vector<16xf32>,
          %mul3A_308 = arith.mulf %get3A_307, %bitcast3A : vector<16xf32>
          %swap3A_309 = arith.index_cast %add3A_279 : i32 to index
          %swap3A_310 = arith.constant 48 : index
          %swap3A_311 = tpu.vector_load %arg9[%swap3A_309, %swap3A_310] {strides = array<i32>} : memref<128x128xf32, #tpu.memory_space<vmem>>, vector<16xf32>,
          tpu.vector_store %arg9[%swap3A_309, %swap3A_310], %mul3A_308 {strides = array<i32>} : memref<128x128xf32, #tpu.memory_space<vmem>>, vector<16xf32>,
          %get3A_312 = arith.index_cast %add3A_279 : i32 to index
          %get3A_313 = arith.constant 64 : index
          %get3A_314 = tpu.vector_load %arg9[%get3A_312, %get3A_313] {strides = array<i32>} : memref<128x128xf32, #tpu.memory_space<vmem>>, vector<16xf32>,
          %mul3A_315 = arith.mulf %get3A_314, %bitcast3A : vector<16xf32>
          %swap3A_316 = arith.index_cast %add3A_279 : i32 to index
          %swap3A_317 = arith.constant 64 : index
          %swap3A_318 = tpu.vector_load %arg9[%swap3A_316, %swap3A_317] {strides = array<i32>} : memref<128x128xf32, #tpu.memory_space<vmem>>, vector<16xf32>,
          tpu.vector_store %arg9[%swap3A_316, %swap3A_317], %mul3A_315 {strides = array<i32>} : memref<128x128xf32, #tpu.memory_space<vmem>>, vector<16xf32>,
          %get3A_319 = arith.index_cast %add3A_279 : i32 to index
          %get3A_320 = arith.constant 80 : index
          %get3A_321 = tpu.vector_load %arg9[%get3A_319, %get3A_320] {strides = array<i32>} : memref<128x128xf32, #tpu.memory_space<vmem>>, vector<16xf32>,
          %mul3A_322 = arith.mulf %get3A_321, %bitcast3A : vector<16xf32>
          %swap3A_323 = arith.index_cast %add3A_279 : i32 to index
          %swap3A_324 = arith.constant 80 : index
          %swap3A_325 = tpu.vector_load %arg9[%swap3A_323, %swap3A_324] {strides = array<i32>} : memref<128x128xf32, #tpu.memory_space<vmem>>, vector<16xf32>,
          tpu.vector_store %arg9[%swap3A_323, %swap3A_324], %mul3A_322 {strides = array<i32>} : memref<128x128xf32, #tpu.memory_space<vmem>>, vector<16xf32>,
          %get3A_326 = arith.index_cast %add3A_279 : i32 to index
          %get3A_327 = arith.constant 96 : index
          %get3A_328 = tpu.vector_load %arg9[%get3A_326, %get3A_327] {strides = array<i32>} : memref<128x128xf32, #tpu.memory_space<vmem>>, vector<16xf32>,
          %mul3A_329 = arith.mulf %get3A_328, %bitcast3A : vector<16xf32>
          %swap3A_330 = arith.index_cast %add3A_279 : i32 to index
          %swap3A_331 = arith.constant 96 : index
          %swap3A_332 = tpu.vector_load %arg9[%swap3A_330, %swap3A_331] {strides = array<i32>} : memref<128x128xf32, #tpu.memory_space<vmem>>, vector<16xf32>,
          tpu.vector_store %arg9[%swap3A_330, %swap3A_331], %mul3A_329 {strides = array<i32>} : memref<128x128xf32, #tpu.memory_space<vmem>>, vector<16xf32>,
          %get3A_333 = arith.index_cast %add3A_279 : i32 to index
          %get3A_334 = arith.constant 112 : index
          %get3A_335 = tpu.vector_load %arg9[%get3A_333, %get3A_334] {strides = array<i32>} : memref<128x128xf32, #tpu.memory_space<vmem>>, vector<16xf32>,
          %mul3A_336 = arith.mulf %get3A_335, %bitcast3A : vector<16xf32>
          %swap3A_337 = arith.index_cast %add3A_279 : i32 to index
          %swap3A_338 = arith.constant 112 : index
          %swap3A_339 = tpu.vector_load %arg9[%swap3A_337, %swap3A_338] {strides = array<i32>} : memref<128x128xf32, #tpu.memory_space<vmem>>, vector<16xf32>,
          tpu.vector_store %arg9[%swap3A_337, %swap3A_338], %mul3A_336 {strides = array<i32>} : memref<128x128xf32, #tpu.memory_space<vmem>>, vector<16xf32>,
          %mul3A_340 = arith.constant 4 : i32
          %mul3A_341 = arith.muli %scan3A_275, %mul3A_340 : i32
          %add3A_342 = arith.constant 1 : i32
          %add3A_343 = arith.addi %mul3A_341, %add3A_342 : i32
          %broadcast_in_dim3A_344 = vector.broadcast %add3A_343 : i32 to vector<16xi32>
          %gather3A_345 = arith.constant 2 : i32
          %gather3A_346 = arith.constant 0 : i32
          %gather3A_347 = tpu.memref_slice %arg5[%gather3A_345, %gather3A_346] : memref<3x128xi32, #tpu.memory_space<vmem>> -> memref<1x128xi32, #tpu.memory_space<vmem>>
          %gather3A_348 = tpu.memref_squeeze %gather3A_347 : memref<1x128xi32, #tpu.memory_space<vmem>> -> memref<128xi32, #tpu.memory_space<vmem>>
          %gather3A_349 = tpu.vector_load_idx %gather3A_348[%broadcast_in_dim3A_344] : memref<128xi32, #tpu.memory_space<vmem>>[vector<16xi32>], vector<16xi32>,
          %bitcast3A_350 = vector.bitcast %gather3A_349 : vector<16xi32> to vector<16xf32>
          %get3A_351 = arith.index_cast %add3A_343 : i32 to index
          %get3A_352 = arith.constant 0 : index
          %get3A_353 = tpu.vector_load %arg9[%get3A_351, %get3A_352] {strides = array<i32>} : memref<128x128xf32, #tpu.memory_space<vmem>>, vector<16xf32>,
          %mul3A_354 = arith.mulf %get3A_353, %bitcast3A_350 : vector<16xf32>
          %swap3A_355 = arith.index_cast %add3A_343 : i32 to index
          %swap3A_356 = arith.constant 0 : index
          %swap3A_357 = tpu.vector_load %arg9[%swap3A_355, %swap3A_356] {strides = array<i32>} : memref<128x128xf32, #tpu.memory_space<vmem>>, vector<16xf32>,
          tpu.vector_store %arg9[%swap3A_355, %swap3A_356], %mul3A_354 {strides = array<i32>} : memref<128x128xf32, #tpu.memory_space<vmem>>, vector<16xf32>,
          %get3A_358 = arith.index_cast %add3A_343 : i32 to index
          %get3A_359 = arith.constant 16 : index
          %get3A_360 = tpu.vector_load %arg9[%get3A_358, %get3A_359] {strides = array<i32>} : memref<128x128xf32, #tpu.memory_space<vmem>>, vector<16xf32>,
          %mul3A_361 = arith.mulf %get3A_360, %bitcast3A_350 : vector<16xf32>
          %swap3A_362 = arith.index_cast %add3A_343 : i32 to index
          %swap3A_363 = arith.constant 16 : index
          %swap3A_364 = tpu.vector_load %arg9[%swap3A_362, %swap3A_363] {strides = array<i32>} : memref<128x128xf32, #tpu.memory_space<vmem>>, vector<16xf32>,
          tpu.vector_store %arg9[%swap3A_362, %swap3A_363], %mul3A_361 {strides = array<i32>} : memref<128x128xf32, #tpu.memory_space<vmem>>, vector<16xf32>,
          %get3A_365 = arith.index_cast %add3A_343 : i32 to index
          %get3A_366 = arith.constant 32 : index
          %get3A_367 = tpu.vector_load %arg9[%get3A_365, %get3A_366] {strides = array<i32>} : memref<128x128xf32, #tpu.memory_space<vmem>>, vector<16xf32>,
          %mul3A_368 = arith.mulf %get3A_367, %bitcast3A_350 : vector<16xf32>
          %swap3A_369 = arith.index_cast %add3A_343 : i32 to index
          %swap3A_370 = arith.constant 32 : index
          %swap3A_371 = tpu.vector_load %arg9[%swap3A_369, %swap3A_370] {strides = array<i32>} : memref<128x128xf32, #tpu.memory_space<vmem>>, vector<16xf32>,
          tpu.vector_store %arg9[%swap3A_369, %swap3A_370], %mul3A_368 {strides = array<i32>} : memref<128x128xf32, #tpu.memory_space<vmem>>, vector<16xf32>,
          %get3A_372 = arith.index_cast %add3A_343 : i32 to index
          %get3A_373 = arith.constant 48 : index
          %get3A_374 = tpu.vector_load %arg9[%get3A_372, %get3A_373] {strides = array<i32>} : memref<128x128xf32, #tpu.memory_space<vmem>>, vector<16xf32>,
          %mul3A_375 = arith.mulf %get3A_374, %bitcast3A_350 : vector<16xf32>
          %swap3A_376 = arith.index_cast %add3A_343 : i32 to index
          %swap3A_377 = arith.constant 48 : index
          %swap3A_378 = tpu.vector_load %arg9[%swap3A_376, %swap3A_377] {strides = array<i32>} : memref<128x128xf32, #tpu.memory_space<vmem>>, vector<16xf32>,
          tpu.vector_store %arg9[%swap3A_376, %swap3A_377], %mul3A_375 {strides = array<i32>} : memref<128x128xf32, #tpu.memory_space<vmem>>, vector<16xf32>,
          %get3A_379 = arith.index_cast %add3A_343 : i32 to index
          %get3A_380 = arith.constant 64 : index
          %get3A_381 = tpu.vector_load %arg9[%get3A_379, %get3A_380] {strides = array<i32>} : memref<128x128xf32, #tpu.memory_space<vmem>>, vector<16xf32>,
          %mul3A_382 = arith.mulf %get3A_381, %bitcast3A_350 : vector<16xf32>
          %swap3A_383 = arith.index_cast %add3A_343 : i32 to index
          %swap3A_384 = arith.constant 64 : index
          %swap3A_385 = tpu.vector_load %arg9[%swap3A_383, %swap3A_384] {strides = array<i32>} : memref<128x128xf32, #tpu.memory_space<vmem>>, vector<16xf32>,
          tpu.vector_store %arg9[%swap3A_383, %swap3A_384], %mul3A_382 {strides = array<i32>} : memref<128x128xf32, #tpu.memory_space<vmem>>, vector<16xf32>,
          %get3A_386 = arith.index_cast %add3A_343 : i32 to index
          %get3A_387 = arith.constant 80 : index
          %get3A_388 = tpu.vector_load %arg9[%get3A_386, %get3A_387] {strides = array<i32>} : memref<128x128xf32, #tpu.memory_space<vmem>>, vector<16xf32>,
          %mul3A_389 = arith.mulf %get3A_388, %bitcast3A_350 : vector<16xf32>
          %swap3A_390 = arith.index_cast %add3A_343 : i32 to index
          %swap3A_391 = arith.constant 80 : index
          %swap3A_392 = tpu.vector_load %arg9[%swap3A_390, %swap3A_391] {strides = array<i32>} : memref<128x128xf32, #tpu.memory_space<vmem>>, vector<16xf32>,
          tpu.vector_store %arg9[%swap3A_390, %swap3A_391], %mul3A_389 {strides = array<i32>} : memref<128x128xf32, #tpu.memory_space<vmem>>, vector<16xf32>,
          %get3A_393 = arith.index_cast %add3A_343 : i32 to index
          %get3A_394 = arith.constant 96 : index
          %get3A_395 = tpu.vector_load %arg9[%get3A_393, %get3A_394] {strides = array<i32>} : memref<128x128xf32, #tpu.memory_space<vmem>>, vector<16xf32>,
          %mul3A_396 = arith.mulf %get3A_395, %bitcast3A_350 : vector<16xf32>
          %swap3A_397 = arith.index_cast %add3A_343 : i32 to index
          %swap3A_398 = arith.constant 96 : index
          %swap3A_399 = tpu.vector_load %arg9[%swap3A_397, %swap3A_398] {strides = array<i32>} : memref<128x128xf32, #tpu.memory_space<vmem>>, vector<16xf32>,
          tpu.vector_store %arg9[%swap3A_397, %swap3A_398], %mul3A_396 {strides = array<i32>} : memref<128x128xf32, #tpu.memory_space<vmem>>, vector<16xf32>,
          %get3A_400 = arith.index_cast %add3A_343 : i32 to index
          %get3A_401 = arith.constant 112 : index
          %get3A_402 = tpu.vector_load %arg9[%get3A_400, %get3A_401] {strides = array<i32>} : memref<128x128xf32, #tpu.memory_space<vmem>>, vector<16xf32>,
          %mul3A_403 = arith.mulf %get3A_402, %bitcast3A_350 : vector<16xf32>
          %swap3A_404 = arith.index_cast %add3A_343 : i32 to index
          %swap3A_405 = arith.constant 112 : index
          %swap3A_406 = tpu.vector_load %arg9[%swap3A_404, %swap3A_405] {strides = array<i32>} : memref<128x128xf32, #tpu.memory_space<vmem>>, vector<16xf32>,
          tpu.vector_store %arg9[%swap3A_404, %swap3A_405], %mul3A_403 {strides = array<i32>} : memref<128x128xf32, #tpu.memory_space<vmem>>, vector<16xf32>,
          %mul3A_407 = arith.constant 4 : i32
          %mul3A_408 = arith.muli %scan3A_275, %mul3A_407 : i32
          %add3A_409 = arith.constant 2 : i32
          %add3A_410 = arith.addi %mul3A_408, %add3A_409 : i32
          %broadcast_in_dim3A_411 = vector.broadcast %add3A_410 : i32 to vector<16xi32>
          %gather3A_412 = arith.constant 2 : i32
          %gather3A_413 = arith.constant 0 : i32
          %gather3A_414 = tpu.memref_slice %arg5[%gather3A_412, %gather3A_413] : memref<3x128xi32, #tpu.memory_space<vmem>> -> memref<1x128xi32, #tpu.memory_space<vmem>>
          %gather3A_415 = tpu.memref_squeeze %gather3A_414 : memref<1x128xi32, #tpu.memory_space<vmem>> -> memref<128xi32, #tpu.memory_space<vmem>>
          %gather3A_416 = tpu.vector_load_idx %gather3A_415[%broadcast_in_dim3A_411] : memref<128xi32, #tpu.memory_space<vmem>>[vector<16xi32>], vector<16xi32>,
          %bitcast3A_417 = vector.bitcast %gather3A_416 : vector<16xi32> to vector<16xf32>
          %get3A_418 = arith.index_cast %add3A_410 : i32 to index
          %get3A_419 = arith.constant 0 : index
          %get3A_420 = tpu.vector_load %arg9[%get3A_418, %get3A_419] {strides = array<i32>} : memref<128x128xf32, #tpu.memory_space<vmem>>, vector<16xf32>,
          %mul3A_421 = arith.mulf %get3A_420, %bitcast3A_417 : vector<16xf32>
          %swap3A_422 = arith.index_cast %add3A_410 : i32 to index
          %swap3A_423 = arith.constant 0 : index
          %swap3A_424 = tpu.vector_load %arg9[%swap3A_422, %swap3A_423] {strides = array<i32>} : memref<128x128xf32, #tpu.memory_space<vmem>>, vector<16xf32>,
          tpu.vector_store %arg9[%swap3A_422, %swap3A_423], %mul3A_421 {strides = array<i32>} : memref<128x128xf32, #tpu.memory_space<vmem>>, vector<16xf32>,
          %get3A_425 = arith.index_cast %add3A_410 : i32 to index
          %get3A_426 = arith.constant 16 : index
          %get3A_427 = tpu.vector_load %arg9[%get3A_425, %get3A_426] {strides = array<i32>} : memref<128x128xf32, #tpu.memory_space<vmem>>, vector<16xf32>,
          %mul3A_428 = arith.mulf %get3A_427, %bitcast3A_417 : vector<16xf32>
          %swap3A_429 = arith.index_cast %add3A_410 : i32 to index
          %swap3A_430 = arith.constant 16 : index
          %swap3A_431 = tpu.vector_load %arg9[%swap3A_429, %swap3A_430] {strides = array<i32>} : memref<128x128xf32, #tpu.memory_space<vmem>>, vector<16xf32>,
          tpu.vector_store %arg9[%swap3A_429, %swap3A_430], %mul3A_428 {strides = array<i32>} : memref<128x128xf32, #tpu.memory_space<vmem>>, vector<16xf32>,
          %get3A_432 = arith.index_cast %add3A_410 : i32 to index
          %get3A_433 = arith.constant 32 : index
          %get3A_434 = tpu.vector_load %arg9[%get3A_432, %get3A_433] {strides = array<i32>} : memref<128x128xf32, #tpu.memory_space<vmem>>, vector<16xf32>,
          %mul3A_435 = arith.mulf %get3A_434, %bitcast3A_417 : vector<16xf32>
          %swap3A_436 = arith.index_cast %add3A_410 : i32 to index
          %swap3A_437 = arith.constant 32 : index
          %swap3A_438 = tpu.vector_load %arg9[%swap3A_436, %swap3A_437] {strides = array<i32>} : memref<128x128xf32, #tpu.memory_space<vmem>>, vector<16xf32>,
          tpu.vector_store %arg9[%swap3A_436, %swap3A_437], %mul3A_435 {strides = array<i32>} : memref<128x128xf32, #tpu.memory_space<vmem>>, vector<16xf32>,
          %get3A_439 = arith.index_cast %add3A_410 : i32 to index
          %get3A_440 = arith.constant 48 : index
          %get3A_441 = tpu.vector_load %arg9[%get3A_439, %get3A_440] {strides = array<i32>} : memref<128x128xf32, #tpu.memory_space<vmem>>, vector<16xf32>,
          %mul3A_442 = arith.mulf %get3A_441, %bitcast3A_417 : vector<16xf32>
          %swap3A_443 = arith.index_cast %add3A_410 : i32 to index
          %swap3A_444 = arith.constant 48 : index
          %swap3A_445 = tpu.vector_load %arg9[%swap3A_443, %swap3A_444] {strides = array<i32>} : memref<128x128xf32, #tpu.memory_space<vmem>>, vector<16xf32>,
          tpu.vector_store %arg9[%swap3A_443, %swap3A_444], %mul3A_442 {strides = array<i32>} : memref<128x128xf32, #tpu.memory_space<vmem>>, vector<16xf32>,
          %get3A_446 = arith.index_cast %add3A_410 : i32 to index
          %get3A_447 = arith.constant 64 : index
          %get3A_448 = tpu.vector_load %arg9[%get3A_446, %get3A_447] {strides = array<i32>} : memref<128x128xf32, #tpu.memory_space<vmem>>, vector<16xf32>,
          %mul3A_449 = arith.mulf %get3A_448, %bitcast3A_417 : vector<16xf32>
          %swap3A_450 = arith.index_cast %add3A_410 : i32 to index
          %swap3A_451 = arith.constant 64 : index
          %swap3A_452 = tpu.vector_load %arg9[%swap3A_450, %swap3A_451] {strides = array<i32>} : memref<128x128xf32, #tpu.memory_space<vmem>>, vector<16xf32>,
          tpu.vector_store %arg9[%swap3A_450, %swap3A_451], %mul3A_449 {strides = array<i32>} : memref<128x128xf32, #tpu.memory_space<vmem>>, vector<16xf32>,
          %get3A_453 = arith.index_cast %add3A_410 : i32 to index
          %get3A_454 = arith.constant 80 : index
          %get3A_455 = tpu.vector_load %arg9[%get3A_453, %get3A_454] {strides = array<i32>} : memref<128x128xf32, #tpu.memory_space<vmem>>, vector<16xf32>,
          %mul3A_456 = arith.mulf %get3A_455, %bitcast3A_417 : vector<16xf32>
          %swap3A_457 = arith.index_cast %add3A_410 : i32 to index
          %swap3A_458 = arith.constant 80 : index
          %swap3A_459 = tpu.vector_load %arg9[%swap3A_457, %swap3A_458] {strides = array<i32>} : memref<128x128xf32, #tpu.memory_space<vmem>>, vector<16xf32>,
          tpu.vector_store %arg9[%swap3A_457, %swap3A_458], %mul3A_456 {strides = array<i32>} : memref<128x128xf32, #tpu.memory_space<vmem>>, vector<16xf32>,
          %get3A_460 = arith.index_cast %add3A_410 : i32 to index
          %get3A_461 = arith.constant 96 : index
          %get3A_462 = tpu.vector_load %arg9[%get3A_460, %get3A_461] {strides = array<i32>} : memref<128x128xf32, #tpu.memory_space<vmem>>, vector<16xf32>,
          %mul3A_463 = arith.mulf %get3A_462, %bitcast3A_417 : vector<16xf32>
          %swap3A_464 = arith.index_cast %add3A_410 : i32 to index
          %swap3A_465 = arith.constant 96 : index
          %swap3A_466 = tpu.vector_load %arg9[%swap3A_464, %swap3A_465] {strides = array<i32>} : memref<128x128xf32, #tpu.memory_space<vmem>>, vector<16xf32>,
          tpu.vector_store %arg9[%swap3A_464, %swap3A_465], %mul3A_463 {strides = array<i32>} : memref<128x128xf32, #tpu.memory_space<vmem>>, vector<16xf32>,
          %get3A_467 = arith.index_cast %add3A_410 : i32 to index
          %get3A_468 = arith.constant 112 : index
          %get3A_469 = tpu.vector_load %arg9[%get3A_467, %get3A_468] {strides = array<i32>} : memref<128x128xf32, #tpu.memory_space<vmem>>, vector<16xf32>,
          %mul3A_470 = arith.mulf %get3A_469, %bitcast3A_417 : vector<16xf32>
          %swap3A_471 = arith.index_cast %add3A_410 : i32 to index
          %swap3A_472 = arith.constant 112 : index
          %swap3A_473 = tpu.vector_load %arg9[%swap3A_471, %swap3A_472] {strides = array<i32>} : memref<128x128xf32, #tpu.memory_space<vmem>>, vector<16xf32>,
          tpu.vector_store %arg9[%swap3A_471, %swap3A_472], %mul3A_470 {strides = array<i32>} : memref<128x128xf32, #tpu.memory_space<vmem>>, vector<16xf32>,
          %mul3A_474 = arith.constant 4 : i32
          %mul3A_475 = arith.muli %scan3A_275, %mul3A_474 : i32
          %add3A_476 = arith.constant 3 : i32
          %add3A_477 = arith.addi %mul3A_475, %add3A_476 : i32
          %broadcast_in_dim3A_478 = vector.broadcast %add3A_477 : i32 to vector<16xi32>
          %gather3A_479 = arith.constant 2 : i32
          %gather3A_480 = arith.constant 0 : i32
          %gather3A_481 = tpu.memref_slice %arg5[%gather3A_479, %gather3A_480] : memref<3x128xi32, #tpu.memory_space<vmem>> -> memref<1x128xi32, #tpu.memory_space<vmem>>
          %gather3A_482 = tpu.memref_squeeze %gather3A_481 : memref<1x128xi32, #tpu.memory_space<vmem>> -> memref<128xi32, #tpu.memory_space<vmem>>
          %gather3A_483 = tpu.vector_load_idx %gather3A_482[%broadcast_in_dim3A_478] : memref<128xi32, #tpu.memory_space<vmem>>[vector<16xi32>], vector<16xi32>,
          %bitcast3A_484 = vector.bitcast %gather3A_483 : vector<16xi32> to vector<16xf32>
          %get3A_485 = arith.index_cast %add3A_477 : i32 to index
          %get3A_486 = arith.constant 0 : index
          %get3A_487 = tpu.vector_load %arg9[%get3A_485, %get3A_486] {strides = array<i32>} : memref<128x128xf32, #tpu.memory_space<vmem>>, vector<16xf32>,
          %mul3A_488 = arith.mulf %get3A_487, %bitcast3A_484 : vector<16xf32>
          %swap3A_489 = arith.index_cast %add3A_477 : i32 to index
          %swap3A_490 = arith.constant 0 : index
          %swap3A_491 = tpu.vector_load %arg9[%swap3A_489, %swap3A_490] {strides = array<i32>} : memref<128x128xf32, #tpu.memory_space<vmem>>, vector<16xf32>,
          tpu.vector_store %arg9[%swap3A_489, %swap3A_490], %mul3A_488 {strides = array<i32>} : memref<128x128xf32, #tpu.memory_space<vmem>>, vector<16xf32>,
          %get3A_492 = arith.index_cast %add3A_477 : i32 to index
          %get3A_493 = arith.constant 16 : index
          %get3A_494 = tpu.vector_load %arg9[%get3A_492, %get3A_493] {strides = array<i32>} : memref<128x128xf32, #tpu.memory_space<vmem>>, vector<16xf32>,
          %mul3A_495 = arith.mulf %get3A_494, %bitcast3A_484 : vector<16xf32>
          %swap3A_496 = arith.index_cast %add3A_477 : i32 to index
          %swap3A_497 = arith.constant 16 : index
          %swap3A_498 = tpu.vector_load %arg9[%swap3A_496, %swap3A_497] {strides = array<i32>} : memref<128x128xf32, #tpu.memory_space<vmem>>, vector<16xf32>,
          tpu.vector_store %arg9[%swap3A_496, %swap3A_497], %mul3A_495 {strides = array<i32>} : memref<128x128xf32, #tpu.memory_space<vmem>>, vector<16xf32>,
          %get3A_499 = arith.index_cast %add3A_477 : i32 to index
          %get3A_500 = arith.constant 32 : index
          %get3A_501 = tpu.vector_load %arg9[%get3A_499, %get3A_500] {strides = array<i32>} : memref<128x128xf32, #tpu.memory_space<vmem>>, vector<16xf32>,
          %mul3A_502 = arith.mulf %get3A_501, %bitcast3A_484 : vector<16xf32>
          %swap3A_503 = arith.index_cast %add3A_477 : i32 to index
          %swap3A_504 = arith.constant 32 : index
          %swap3A_505 = tpu.vector_load %arg9[%swap3A_503, %swap3A_504] {strides = array<i32>} : memref<128x128xf32, #tpu.memory_space<vmem>>, vector<16xf32>,
          tpu.vector_store %arg9[%swap3A_503, %swap3A_504], %mul3A_502 {strides = array<i32>} : memref<128x128xf32, #tpu.memory_space<vmem>>, vector<16xf32>,
          %get3A_506 = arith.index_cast %add3A_477 : i32 to index
          %get3A_507 = arith.constant 48 : index
          %get3A_508 = tpu.vector_load %arg9[%get3A_506, %get3A_507] {strides = array<i32>} : memref<128x128xf32, #tpu.memory_space<vmem>>, vector<16xf32>,
          %mul3A_509 = arith.mulf %get3A_508, %bitcast3A_484 : vector<16xf32>
          %swap3A_510 = arith.index_cast %add3A_477 : i32 to index
          %swap3A_511 = arith.constant 48 : index
          %swap3A_512 = tpu.vector_load %arg9[%swap3A_510, %swap3A_511] {strides = array<i32>} : memref<128x128xf32, #tpu.memory_space<vmem>>, vector<16xf32>,
          tpu.vector_store %arg9[%swap3A_510, %swap3A_511], %mul3A_509 {strides = array<i32>} : memref<128x128xf32, #tpu.memory_space<vmem>>, vector<16xf32>,
          %get3A_513 = arith.index_cast %add3A_477 : i32 to index
          %get3A_514 = arith.constant 64 : index
          %get3A_515 = tpu.vector_load %arg9[%get3A_513, %get3A_514] {strides = array<i32>} : memref<128x128xf32, #tpu.memory_space<vmem>>, vector<16xf32>,
          %mul3A_516 = arith.mulf %get3A_515, %bitcast3A_484 : vector<16xf32>
          %swap3A_517 = arith.index_cast %add3A_477 : i32 to index
          %swap3A_518 = arith.constant 64 : index
          %swap3A_519 = tpu.vector_load %arg9[%swap3A_517, %swap3A_518] {strides = array<i32>} : memref<128x128xf32, #tpu.memory_space<vmem>>, vector<16xf32>,
          tpu.vector_store %arg9[%swap3A_517, %swap3A_518], %mul3A_516 {strides = array<i32>} : memref<128x128xf32, #tpu.memory_space<vmem>>, vector<16xf32>,
          %get3A_520 = arith.index_cast %add3A_477 : i32 to index
          %get3A_521 = arith.constant 80 : index
          %get3A_522 = tpu.vector_load %arg9[%get3A_520, %get3A_521] {strides = array<i32>} : memref<128x128xf32, #tpu.memory_space<vmem>>, vector<16xf32>,
          %mul3A_523 = arith.mulf %get3A_522, %bitcast3A_484 : vector<16xf32>
          %swap3A_524 = arith.index_cast %add3A_477 : i32 to index
          %swap3A_525 = arith.constant 80 : index
          %swap3A_526 = tpu.vector_load %arg9[%swap3A_524, %swap3A_525] {strides = array<i32>} : memref<128x128xf32, #tpu.memory_space<vmem>>, vector<16xf32>,
          tpu.vector_store %arg9[%swap3A_524, %swap3A_525], %mul3A_523 {strides = array<i32>} : memref<128x128xf32, #tpu.memory_space<vmem>>, vector<16xf32>,
          %get3A_527 = arith.index_cast %add3A_477 : i32 to index
          %get3A_528 = arith.constant 96 : index
          %get3A_529 = tpu.vector_load %arg9[%get3A_527, %get3A_528] {strides = array<i32>} : memref<128x128xf32, #tpu.memory_space<vmem>>, vector<16xf32>,
          %mul3A_530 = arith.mulf %get3A_529, %bitcast3A_484 : vector<16xf32>
          %swap3A_531 = arith.index_cast %add3A_477 : i32 to index
          %swap3A_532 = arith.constant 96 : index
          %swap3A_533 = tpu.vector_load %arg9[%swap3A_531, %swap3A_532] {strides = array<i32>} : memref<128x128xf32, #tpu.memory_space<vmem>>, vector<16xf32>,
          tpu.vector_store %arg9[%swap3A_531, %swap3A_532], %mul3A_530 {strides = array<i32>} : memref<128x128xf32, #tpu.memory_space<vmem>>, vector<16xf32>,
          %get3A_534 = arith.index_cast %add3A_477 : i32 to index
          %get3A_535 = arith.constant 112 : index
          %get3A_536 = tpu.vector_load %arg9[%get3A_534, %get3A_535] {strides = array<i32>} : memref<128x128xf32, #tpu.memory_space<vmem>>, vector<16xf32>,
          %mul3A_537 = arith.mulf %get3A_536, %bitcast3A_484 : vector<16xf32>
          %swap3A_538 = arith.index_cast %add3A_477 : i32 to index
          %swap3A_539 = arith.constant 112 : index
          %swap3A_540 = tpu.vector_load %arg9[%swap3A_538, %swap3A_539] {strides = array<i32>} : memref<128x128xf32, #tpu.memory_space<vmem>>, vector<16xf32>,
          tpu.vector_store %arg9[%swap3A_538, %swap3A_539], %mul3A_537 {strides = array<i32>} : memref<128x128xf32, #tpu.memory_space<vmem>>, vector<16xf32>,
        }
        %scan3A_192 = arith.constant 32 : i32
        %run_scoped3A_193 = arith.constant 1 : i32
        "tpu.region"() ({
          %run_scoped3A_275 = tpu.sem_alloc : memref<!tpu.dma_semaphore, #tpu.memory_space<semaphore_mem>>
          %dma_start3A_276 = arith.constant 0 : i32
          %dma_start3A_277 = tpu.memref_slice %arg5[%run_scoped3A_193, %dma_start3A_276] : memref<3x128xi32, #tpu.memory_space<vmem>> -> memref<1x128xi32, #tpu.memory_space<vmem>>
          %dma_start3A_278 = tpu.memref_squeeze %dma_start3A_277 : memref<1x128xi32, #tpu.memory_space<vmem>> -> memref<128xi32, #tpu.memory_space<vmem>>
          %dma_start3A_279 = arith.constant 0 : i32
          %dma_start3A_280 = arith.constant 0 : i32
          %dma_start3A_281 = tpu.memref_slice %arg12[%dma_start3A_279, %dma_start3A_280] : memref<10240x128xf32, #tpu.memory_space<vmem_shared>> -> memref<10240x128xf32, #tpu.memory_space<vmem_shared>>
          tpu.enqueue_indirect_dma source(%arg9 : memref<128x128xf32, #tpu.memory_space<vmem>>) target(%dma_start3A_281 : memref<10240x128xf32, #tpu.memory_space<vmem_shared>>) offsets(%dma_start3A_278 : memref<128xi32, #tpu.memory_space<vmem>>) semaphore(%run_scoped3A_275 : memref<!tpu.dma_semaphore, #tpu.memory_space<semaphore_mem>>) {add = true}
          %dma_wait3A_282 = arith.constant 0 : i32
          %dma_wait3A_283 = tpu.memref_slice %arg5[%run_scoped3A_193, %dma_wait3A_282] : memref<3x128xi32, #tpu.memory_space<vmem>> -> memref<1x128xi32, #tpu.memory_space<vmem>>
          %dma_wait3A_284 = tpu.memref_squeeze %dma_wait3A_283 : memref<1x128xi32, #tpu.memory_space<vmem>> -> memref<128xi32, #tpu.memory_space<vmem>>
          %dma_wait3A_285 = arith.constant 0 : i32
          %dma_wait3A_286 = arith.constant 0 : i32
          %dma_wait3A_287 = tpu.memref_slice %arg12[%dma_wait3A_285, %dma_wait3A_286] : memref<10240x128xf32, #tpu.memory_space<vmem_shared>> -> memref<10240x128xf32, #tpu.memory_space<vmem_shared>>
          tpu.wait_indirect_dma semaphore(%run_scoped3A_275 : memref<!tpu.dma_semaphore, #tpu.memory_space<semaphore_mem>>) src(%arg9 : memref<128x128xf32, #tpu.memory_space<vmem>>) dst(%dma_wait3A_287 : memref<10240x128xf32, #tpu.memory_space<vmem_shared>>)
          tpu.yield
        }) : () -> ()
        %mul3A_194 = arith.constant 2 : i32
        %mul3A_195 = arith.muli %mul3A_194, %scan3A_112 : i32
        %add3A_196 = arith.constant 2 : i32
        %add3A_197 = arith.addi %mul3A_195, %add3A_196 : i32
        "tpu.region"() ({
          %run_scoped3A_275 = tpu.sem_alloc : memref<!tpu.dma_semaphore, #tpu.memory_space<semaphore_mem>>
          %dma_start3A_276 = arith.constant 0 : i32
          %dma_start3A_277 = arith.constant 0 : i32
          %dma_start3A_278 = tpu.memref_slice %arg3[%add3A, %add3A_197, %dma_start3A_276, %dma_start3A_277] : memref<32x79x3x128xi32, #tpu.memory_space<hbm>> -> memref<1x1x3x128xi32, #tpu.memory_space<hbm>>
          %dma_start3A_279 = tpu.memref_squeeze %dma_start3A_278 : memref<1x1x3x128xi32, #tpu.memory_space<hbm>> -> memref<3x128xi32, #tpu.memory_space<hbm>>
          %dma_start3A_280 = arith.constant 0 : i32
          %dma_start3A_281 = arith.constant 0 : i32
          %dma_start3A_282 = tpu.memref_slice %arg3[%add3A, %add3A_197, %dma_start3A_280, %dma_start3A_281] : memref<32x79x3x128xi32, #tpu.memory_space<hbm>> -> memref<1x1x3x128xi32, #tpu.memory_space<hbm>>
          %dma_start3A_283 = tpu.memref_squeeze %dma_start3A_282 : memref<1x1x3x128xi32, #tpu.memory_space<hbm>> -> memref<3x128xi32, #tpu.memory_space<hbm>>
          tpu.enqueue_dma source(%dma_start3A_283 : memref<3x128xi32, #tpu.memory_space<hbm>>) target(%arg5 : memref<3x128xi32, #tpu.memory_space<vmem>>) target_semaphore(%run_scoped3A_275 : memref<!tpu.dma_semaphore, #tpu.memory_space<semaphore_mem>>)
          %dma_wait3A_284 = arith.constant 0 : i32
          %dma_wait3A_285 = arith.constant 0 : i32
          %dma_wait3A_286 = tpu.memref_slice %arg3[%add3A, %add3A_197, %dma_wait3A_284, %dma_wait3A_285] : memref<32x79x3x128xi32, #tpu.memory_space<hbm>> -> memref<1x1x3x128xi32, #tpu.memory_space<hbm>>
          %dma_wait3A_287 = tpu.memref_squeeze %dma_wait3A_286 : memref<1x1x3x128xi32, #tpu.memory_space<hbm>> -> memref<3x128xi32, #tpu.memory_space<hbm>>
          %dma_wait3A_288 = arith.constant 0 : i32
          %dma_wait3A_289 = arith.constant 0 : i32
          %dma_wait3A_290 = tpu.memref_slice %arg3[%add3A, %add3A_197, %dma_wait3A_288, %dma_wait3A_289] : memref<32x79x3x128xi32, #tpu.memory_space<hbm>> -> memref<1x1x3x128xi32, #tpu.memory_space<hbm>>
          %dma_wait3A_291 = tpu.memref_squeeze %dma_wait3A_290 : memref<1x1x3x128xi32, #tpu.memory_space<hbm>> -> memref<3x128xi32, #tpu.memory_space<hbm>>
          tpu.wait_dma2 semaphore(%run_scoped3A_275 : memref<!tpu.dma_semaphore, #tpu.memory_space<semaphore_mem>>) src(%dma_wait3A_291 : memref<3x128xi32, #tpu.memory_space<hbm>>) dst(%arg5 : memref<3x128xi32, #tpu.memory_space<vmem>>)
          tpu.yield
        }) : () -> ()
        %get3A_198 = arith.constant 0 : i32
        %get3A_199 = arith.index_cast %get3A_198 : i32 to index
        %get3A_200 = arith.constant 0 : index
        %get3A_201 = tpu.vector_load %arg5[%get3A_199, %get3A_200] {strides = array<i32>} : memref<3x128xi32, #tpu.memory_space<vmem>>, vector<16xi32>,
        %add3A_202 = vector.broadcast %mul3A_20 : i32 to vector<16xi32>
        %add3A_203 = arith.addi %get3A_201, %add3A_202 : vector<16xi32>
        %swap3A_204 = arith.constant 0 : index
        %swap3A_205 = tpu.vector_load %arg7[%swap3A_204] {strides = array<i32>} : memref<128xi32, #tpu.memory_space<vmem>>, vector<16xi32>,
        tpu.vector_store %arg7[%swap3A_204], %add3A_203 {strides = array<i32>} : memref<128xi32, #tpu.memory_space<vmem>>, vector<16xi32>,
        %get3A_206 = arith.constant 0 : i32
        %get3A_207 = arith.index_cast %get3A_206 : i32 to index
        %get3A_208 = arith.constant 16 : index
        %get3A_209 = tpu.vector_load %arg5[%get3A_207, %get3A_208] {strides = array<i32>} : memref<3x128xi32, #tpu.memory_space<vmem>>, vector<16xi32>,
        %add3A_210 = vector.broadcast %mul3A_20 : i32 to vector<16xi32>
        %add3A_211 = arith.addi %get3A_209, %add3A_210 : vector<16xi32>
        %swap3A_212 = arith.constant 16 : index
        %swap3A_213 = tpu.vector_load %arg7[%swap3A_212] {strides = array<i32>} : memref<128xi32, #tpu.memory_space<vmem>>, vector<16xi32>,
        tpu.vector_store %arg7[%swap3A_212], %add3A_211 {strides = array<i32>} : memref<128xi32, #tpu.memory_space<vmem>>, vector<16xi32>,
        %get3A_214 = arith.constant 0 : i32
        %get3A_215 = arith.index_cast %get3A_214 : i32 to index
        %get3A_216 = arith.constant 32 : index
        %get3A_217 = tpu.vector_load %arg5[%get3A_215, %get3A_216] {strides = array<i32>} : memref<3x128xi32, #tpu.memory_space<vmem>>, vector<16xi32>,
        %add3A_218 = vector.broadcast %mul3A_20 : i32 to vector<16xi32>
        %add3A_219 = arith.addi %get3A_217, %add3A_218 : vector<16xi32>
        %swap3A_220 = arith.constant 32 : index
        %swap3A_221 = tpu.vector_load %arg7[%swap3A_220] {strides = array<i32>} : memref<128xi32, #tpu.memory_space<vmem>>, vector<16xi32>,
        tpu.vector_store %arg7[%swap3A_220], %add3A_219 {strides = array<i32>} : memref<128xi32, #tpu.memory_space<vmem>>, vector<16xi32>,
        %get3A_222 = arith.constant 0 : i32
        %get3A_223 = arith.index_cast %get3A_222 : i32 to index
        %get3A_224 = arith.constant 48 : index
        %get3A_225 = tpu.vector_load %arg5[%get3A_223, %get3A_224] {strides = array<i32>} : memref<3x128xi32, #tpu.memory_space<vmem>>, vector<16xi32>,
        %add3A_226 = vector.broadcast %mul3A_20 : i32 to vector<16xi32>
        %add3A_227 = arith.addi %get3A_225, %add3A_226 : vector<16xi32>
        %swap3A_228 = arith.constant 48 : index
        %swap3A_229 = tpu.vector_load %arg7[%swap3A_228] {strides = array<i32>} : memref<128xi32, #tpu.memory_space<vmem>>, vector<16xi32>,
        tpu.vector_store %arg7[%swap3A_228], %add3A_227 {strides = array<i32>} : memref<128xi32, #tpu.memory_space<vmem>>, vector<16xi32>,
        %get3A_230 = arith.constant 0 : i32
        %get3A_231 = arith.index_cast %get3A_230 : i32 to index
        %get3A_232 = arith.constant 64 : index
        %get3A_233 = tpu.vector_load %arg5[%get3A_231, %get3A_232] {strides = array<i32>} : memref<3x128xi32, #tpu.memory_space<vmem>>, vector<16xi32>,
        %add3A_234 = vector.broadcast %mul3A_20 : i32 to vector<16xi32>
        %add3A_235 = arith.addi %get3A_233, %add3A_234 : vector<16xi32>
        %swap3A_236 = arith.constant 64 : index
        %swap3A_237 = tpu.vector_load %arg7[%swap3A_236] {strides = array<i32>} : memref<128xi32, #tpu.memory_space<vmem>>, vector<16xi32>,
        tpu.vector_store %arg7[%swap3A_236], %add3A_235 {strides = array<i32>} : memref<128xi32, #tpu.memory_space<vmem>>, vector<16xi32>,
        %get3A_238 = arith.constant 0 : i32
        %get3A_239 = arith.index_cast %get3A_238 : i32 to index
        %get3A_240 = arith.constant 80 : index
        %get3A_241 = tpu.vector_load %arg5[%get3A_239, %get3A_240] {strides = array<i32>} : memref<3x128xi32, #tpu.memory_space<vmem>>, vector<16xi32>,
        %add3A_242 = vector.broadcast %mul3A_20 : i32 to vector<16xi32>
        %add3A_243 = arith.addi %get3A_241, %add3A_242 : vector<16xi32>
        %swap3A_244 = arith.constant 80 : index
        %swap3A_245 = tpu.vector_load %arg7[%swap3A_244] {strides = array<i32>} : memref<128xi32, #tpu.memory_space<vmem>>, vector<16xi32>,
        tpu.vector_store %arg7[%swap3A_244], %add3A_243 {strides = array<i32>} : memref<128xi32, #tpu.memory_space<vmem>>, vector<16xi32>,
        %get3A_246 = arith.constant 0 : i32
        %get3A_247 = arith.index_cast %get3A_246 : i32 to index
        %get3A_248 = arith.constant 96 : index
        %get3A_249 = tpu.vector_load %arg5[%get3A_247, %get3A_248] {strides = array<i32>} : memref<3x128xi32, #tpu.memory_space<vmem>>, vector<16xi32>,
        %add3A_250 = vector.broadcast %mul3A_20 : i32 to vector<16xi32>
        %add3A_251 = arith.addi %get3A_249, %add3A_250 : vector<16xi32>
        %swap3A_252 = arith.constant 96 : index
        %swap3A_253 = tpu.vector_load %arg7[%swap3A_252] {strides = array<i32>} : memref<128xi32, #tpu.memory_space<vmem>>, vector<16xi32>,
        tpu.vector_store %arg7[%swap3A_252], %add3A_251 {strides = array<i32>} : memref<128xi32, #tpu.memory_space<vmem>>, vector<16xi32>,
        %get3A_254 = arith.constant 0 : i32
        %get3A_255 = arith.index_cast %get3A_254 : i32 to index
        %get3A_256 = arith.constant 112 : index
        %get3A_257 = tpu.vector_load %arg5[%get3A_255, %get3A_256] {strides = array<i32>} : memref<3x128xi32, #tpu.memory_space<vmem>>, vector<16xi32>,
        %add3A_258 = vector.broadcast %mul3A_20 : i32 to vector<16xi32>
        %add3A_259 = arith.addi %get3A_257, %add3A_258 : vector<16xi32>
        %swap3A_260 = arith.constant 112 : index
        %swap3A_261 = tpu.vector_load %arg7[%swap3A_260] {strides = array<i32>} : memref<128xi32, #tpu.memory_space<vmem>>, vector<16xi32>,
        tpu.vector_store %arg7[%swap3A_260], %add3A_259 {strides = array<i32>} : memref<128xi32, #tpu.memory_space<vmem>>, vector<16xi32>,
        %dma_start3A_262 = arith.constant 0 : i32
        %dma_start3A_263 = arith.constant 0 : i32
        %dma_start3A_264 = tpu.memref_slice %arg2[%dma_start3A_262, %dma_start3A_263] : memref<122880x128xf32, #tpu.memory_space<hbm>> -> memref<122880x128xf32, #tpu.memory_space<hbm>>
        tpu.enqueue_indirect_dma source(%dma_start3A_264 : memref<122880x128xf32, #tpu.memory_space<hbm>>) target(%arg9 : memref<128x128xf32, #tpu.memory_space<vmem>>) offsets(%arg7 : memref<128xi32, #tpu.memory_space<vmem>>) semaphore(%arg13 : memref<!tpu.dma_semaphore, #tpu.memory_space<semaphore_mem>>)
        %dma_wait3A_265 = arith.constant 0 : i32
        %dma_wait3A_266 = arith.constant 0 : i32
        %dma_wait3A_267 = tpu.memref_slice %arg2[%dma_wait3A_265, %dma_wait3A_266] : memref<122880x128xf32, #tpu.memory_space<hbm>> -> memref<122880x128xf32, #tpu.memory_space<hbm>>
        tpu.wait_indirect_dma semaphore(%arg14 : memref<!tpu.dma_semaphore, #tpu.memory_space<semaphore_mem>>) src(%dma_wait3A_267 : memref<122880x128xf32, #tpu.memory_space<hbm>>) dst(%arg10 : memref<128x128xf32, #tpu.memory_space<vmem>>)
        %scan3A_268 = arith.constant 0 : i32
        %scan3A_269 = arith.constant 0 : i32
        %scan3A_270 = arith.constant 32 : i32
        %scan3A_271 = arith.addi %scan3A_269, %scan3A_270 : i32
        %scan3A_272 = arith.constant 1 : i32
        scf.for %scan3A_275 = %scan3A_269 to %scan3A_271 step %scan3A_272  : i32 {
          %mul3A_276 = arith.constant 4 : i32
          %mul3A_277 = arith.muli %scan3A_275, %mul3A_276 : i32
          %add3A_278 = arith.constant 0 : i32
          %add3A_279 = arith.addi %mul3A_277, %add3A_278 : i32
          %broadcast_in_dim3A = vector.broadcast %add3A_279 : i32 to vector<16xi32>
          %gather3A = arith.constant 2 : i32
          %gather3A_280 = arith.constant 0 : i32
          %gather3A_281 = tpu.memref_slice %arg6[%gather3A, %gather3A_280] : memref<3x128xi32, #tpu.memory_space<vmem>> -> memref<1x128xi32, #tpu.memory_space<vmem>>
          %gather3A_282 = tpu.memref_squeeze %gather3A_281 : memref<1x128xi32, #tpu.memory_space<vmem>> -> memref<128xi32, #tpu.memory_space<vmem>>
          %gather3A_283 = tpu.vector_load_idx %gather3A_282[%broadcast_in_dim3A] : memref<128xi32, #tpu.memory_space<vmem>>[vector<16xi32>], vector<16xi32>,
          %bitcast3A = vector.bitcast %gather3A_283 : vector<16xi32> to vector<16xf32>
          %get3A_284 = arith.index_cast %add3A_279 : i32 to index
          %get3A_285 = arith.constant 0 : index
          %get3A_286 = tpu.vector_load %arg10[%get3A_284, %get3A_285] {strides = array<i32>} : memref<128x128xf32, #tpu.memory_space<vmem>>, vector<16xf32>,
          %mul3A_287 = arith.mulf %get3A_286, %bitcast3A : vector<16xf32>
          %swap3A_288 = arith.index_cast %add3A_279 : i32 to index
          %swap3A_289 = arith.constant 0 : index
          %swap3A_290 = tpu.vector_load %arg10[%swap3A_288, %swap3A_289] {strides = array<i32>} : memref<128x128xf32, #tpu.memory_space<vmem>>, vector<16xf32>,
          tpu.vector_store %arg10[%swap3A_288, %swap3A_289], %mul3A_287 {strides = array<i32>} : memref<128x128xf32, #tpu.memory_space<vmem>>, vector<16xf32>,
          %get3A_291 = arith.index_cast %add3A_279 : i32 to index
          %get3A_292 = arith.constant 16 : index
          %get3A_293 = tpu.vector_load %arg10[%get3A_291, %get3A_292] {strides = array<i32>} : memref<128x128xf32, #tpu.memory_space<vmem>>, vector<16xf32>,
          %mul3A_294 = arith.mulf %get3A_293, %bitcast3A : vector<16xf32>
          %swap3A_295 = arith.index_cast %add3A_279 : i32 to index
          %swap3A_296 = arith.constant 16 : index
          %swap3A_297 = tpu.vector_load %arg10[%swap3A_295, %swap3A_296] {strides = array<i32>} : memref<128x128xf32, #tpu.memory_space<vmem>>, vector<16xf32>,
          tpu.vector_store %arg10[%swap3A_295, %swap3A_296], %mul3A_294 {strides = array<i32>} : memref<128x128xf32, #tpu.memory_space<vmem>>, vector<16xf32>,
          %get3A_298 = arith.index_cast %add3A_279 : i32 to index
          %get3A_299 = arith.constant 32 : index
          %get3A_300 = tpu.vector_load %arg10[%get3A_298, %get3A_299] {strides = array<i32>} : memref<128x128xf32, #tpu.memory_space<vmem>>, vector<16xf32>,
          %mul3A_301 = arith.mulf %get3A_300, %bitcast3A : vector<16xf32>
          %swap3A_302 = arith.index_cast %add3A_279 : i32 to index
          %swap3A_303 = arith.constant 32 : index
          %swap3A_304 = tpu.vector_load %arg10[%swap3A_302, %swap3A_303] {strides = array<i32>} : memref<128x128xf32, #tpu.memory_space<vmem>>, vector<16xf32>,
          tpu.vector_store %arg10[%swap3A_302, %swap3A_303], %mul3A_301 {strides = array<i32>} : memref<128x128xf32, #tpu.memory_space<vmem>>, vector<16xf32>,
          %get3A_305 = arith.index_cast %add3A_279 : i32 to index
          %get3A_306 = arith.constant 48 : index
          %get3A_307 = tpu.vector_load %arg10[%get3A_305, %get3A_306] {strides = array<i32>} : memref<128x128xf32, #tpu.memory_space<vmem>>, vector<16xf32>,
          %mul3A_308 = arith.mulf %get3A_307, %bitcast3A : vector<16xf32>
          %swap3A_309 = arith.index_cast %add3A_279 : i32 to index
          %swap3A_310 = arith.constant 48 : index
          %swap3A_311 = tpu.vector_load %arg10[%swap3A_309, %swap3A_310] {strides = array<i32>} : memref<128x128xf32, #tpu.memory_space<vmem>>, vector<16xf32>,
          tpu.vector_store %arg10[%swap3A_309, %swap3A_310], %mul3A_308 {strides = array<i32>} : memref<128x128xf32, #tpu.memory_space<vmem>>, vector<16xf32>,
          %get3A_312 = arith.index_cast %add3A_279 : i32 to index
          %get3A_313 = arith.constant 64 : index
          %get3A_314 = tpu.vector_load %arg10[%get3A_312, %get3A_313] {strides = array<i32>} : memref<128x128xf32, #tpu.memory_space<vmem>>, vector<16xf32>,
          %mul3A_315 = arith.mulf %get3A_314, %bitcast3A : vector<16xf32>
          %swap3A_316 = arith.index_cast %add3A_279 : i32 to index
          %swap3A_317 = arith.constant 64 : index
          %swap3A_318 = tpu.vector_load %arg10[%swap3A_316, %swap3A_317] {strides = array<i32>} : memref<128x128xf32, #tpu.memory_space<vmem>>, vector<16xf32>,
          tpu.vector_store %arg10[%swap3A_316, %swap3A_317], %mul3A_315 {strides = array<i32>} : memref<128x128xf32, #tpu.memory_space<vmem>>, vector<16xf32>,
          %get3A_319 = arith.index_cast %add3A_279 : i32 to index
          %get3A_320 = arith.constant 80 : index
          %get3A_321 = tpu.vector_load %arg10[%get3A_319, %get3A_320] {strides = array<i32>} : memref<128x128xf32, #tpu.memory_space<vmem>>, vector<16xf32>,
          %mul3A_322 = arith.mulf %get3A_321, %bitcast3A : vector<16xf32>
          %swap3A_323 = arith.index_cast %add3A_279 : i32 to index
          %swap3A_324 = arith.constant 80 : index
          %swap3A_325 = tpu.vector_load %arg10[%swap3A_323, %swap3A_324] {strides = array<i32>} : memref<128x128xf32, #tpu.memory_space<vmem>>, vector<16xf32>,
          tpu.vector_store %arg10[%swap3A_323, %swap3A_324], %mul3A_322 {strides = array<i32>} : memref<128x128xf32, #tpu.memory_space<vmem>>, vector<16xf32>,
          %get3A_326 = arith.index_cast %add3A_279 : i32 to index
          %get3A_327 = arith.constant 96 : index
          %get3A_328 = tpu.vector_load %arg10[%get3A_326, %get3A_327] {strides = array<i32>} : memref<128x128xf32, #tpu.memory_space<vmem>>, vector<16xf32>,
          %mul3A_329 = arith.mulf %get3A_328, %bitcast3A : vector<16xf32>
          %swap3A_330 = arith.index_cast %add3A_279 : i32 to index
          %swap3A_331 = arith.constant 96 : index
          %swap3A_332 = tpu.vector_load %arg10[%swap3A_330, %swap3A_331] {strides = array<i32>} : memref<128x128xf32, #tpu.memory_space<vmem>>, vector<16xf32>,
          tpu.vector_store %arg10[%swap3A_330, %swap3A_331], %mul3A_329 {strides = array<i32>} : memref<128x128xf32, #tpu.memory_space<vmem>>, vector<16xf32>,
          %get3A_333 = arith.index_cast %add3A_279 : i32 to index
          %get3A_334 = arith.constant 112 : index
          %get3A_335 = tpu.vector_load %arg10[%get3A_333, %get3A_334] {strides = array<i32>} : memref<128x128xf32, #tpu.memory_space<vmem>>, vector<16xf32>,
          %mul3A_336 = arith.mulf %get3A_335, %bitcast3A : vector<16xf32>
          %swap3A_337 = arith.index_cast %add3A_279 : i32 to index
          %swap3A_338 = arith.constant 112 : index
          %swap3A_339 = tpu.vector_load %arg10[%swap3A_337, %swap3A_338] {strides = array<i32>} : memref<128x128xf32, #tpu.memory_space<vmem>>, vector<16xf32>,
          tpu.vector_store %arg10[%swap3A_337, %swap3A_338], %mul3A_336 {strides = array<i32>} : memref<128x128xf32, #tpu.memory_space<vmem>>, vector<16xf32>,
          %mul3A_340 = arith.constant 4 : i32
          %mul3A_341 = arith.muli %scan3A_275, %mul3A_340 : i32
          %add3A_342 = arith.constant 1 : i32
          %add3A_343 = arith.addi %mul3A_341, %add3A_342 : i32
          %broadcast_in_dim3A_344 = vector.broadcast %add3A_343 : i32 to vector<16xi32>
          %gather3A_345 = arith.constant 2 : i32
          %gather3A_346 = arith.constant 0 : i32
          %gather3A_347 = tpu.memref_slice %arg6[%gather3A_345, %gather3A_346] : memref<3x128xi32, #tpu.memory_space<vmem>> -> memref<1x128xi32, #tpu.memory_space<vmem>>
          %gather3A_348 = tpu.memref_squeeze %gather3A_347 : memref<1x128xi32, #tpu.memory_space<vmem>> -> memref<128xi32, #tpu.memory_space<vmem>>
          %gather3A_349 = tpu.vector_load_idx %gather3A_348[%broadcast_in_dim3A_344] : memref<128xi32, #tpu.memory_space<vmem>>[vector<16xi32>], vector<16xi32>,
          %bitcast3A_350 = vector.bitcast %gather3A_349 : vector<16xi32> to vector<16xf32>
          %get3A_351 = arith.index_cast %add3A_343 : i32 to index
          %get3A_352 = arith.constant 0 : index
          %get3A_353 = tpu.vector_load %arg10[%get3A_351, %get3A_352] {strides = array<i32>} : memref<128x128xf32, #tpu.memory_space<vmem>>, vector<16xf32>,
          %mul3A_354 = arith.mulf %get3A_353, %bitcast3A_350 : vector<16xf32>
          %swap3A_355 = arith.index_cast %add3A_343 : i32 to index
          %swap3A_356 = arith.constant 0 : index
          %swap3A_357 = tpu.vector_load %arg10[%swap3A_355, %swap3A_356] {strides = array<i32>} : memref<128x128xf32, #tpu.memory_space<vmem>>, vector<16xf32>,
          tpu.vector_store %arg10[%swap3A_355, %swap3A_356], %mul3A_354 {strides = array<i32>} : memref<128x128xf32, #tpu.memory_space<vmem>>, vector<16xf32>,
          %get3A_358 = arith.index_cast %add3A_343 : i32 to index
          %get3A_359 = arith.constant 16 : index
          %get3A_360 = tpu.vector_load %arg10[%get3A_358, %get3A_359] {strides = array<i32>} : memref<128x128xf32, #tpu.memory_space<vmem>>, vector<16xf32>,
          %mul3A_361 = arith.mulf %get3A_360, %bitcast3A_350 : vector<16xf32>
          %swap3A_362 = arith.index_cast %add3A_343 : i32 to index
          %swap3A_363 = arith.constant 16 : index
          %swap3A_364 = tpu.vector_load %arg10[%swap3A_362, %swap3A_363] {strides = array<i32>} : memref<128x128xf32, #tpu.memory_space<vmem>>, vector<16xf32>,
          tpu.vector_store %arg10[%swap3A_362, %swap3A_363], %mul3A_361 {strides = array<i32>} : memref<128x128xf32, #tpu.memory_space<vmem>>, vector<16xf32>,
          %get3A_365 = arith.index_cast %add3A_343 : i32 to index
          %get3A_366 = arith.constant 32 : index
          %get3A_367 = tpu.vector_load %arg10[%get3A_365, %get3A_366] {strides = array<i32>} : memref<128x128xf32, #tpu.memory_space<vmem>>, vector<16xf32>,
          %mul3A_368 = arith.mulf %get3A_367, %bitcast3A_350 : vector<16xf32>
          %swap3A_369 = arith.index_cast %add3A_343 : i32 to index
          %swap3A_370 = arith.constant 32 : index
          %swap3A_371 = tpu.vector_load %arg10[%swap3A_369, %swap3A_370] {strides = array<i32>} : memref<128x128xf32, #tpu.memory_space<vmem>>, vector<16xf32>,
          tpu.vector_store %arg10[%swap3A_369, %swap3A_370], %mul3A_368 {strides = array<i32>} : memref<128x128xf32, #tpu.memory_space<vmem>>, vector<16xf32>,
          %get3A_372 = arith.index_cast %add3A_343 : i32 to index
          %get3A_373 = arith.constant 48 : index
          %get3A_374 = tpu.vector_load %arg10[%get3A_372, %get3A_373] {strides = array<i32>} : memref<128x128xf32, #tpu.memory_space<vmem>>, vector<16xf32>,
          %mul3A_375 = arith.mulf %get3A_374, %bitcast3A_350 : vector<16xf32>
          %swap3A_376 = arith.index_cast %add3A_343 : i32 to index
          %swap3A_377 = arith.constant 48 : index
          %swap3A_378 = tpu.vector_load %arg10[%swap3A_376, %swap3A_377] {strides = array<i32>} : memref<128x128xf32, #tpu.memory_space<vmem>>, vector<16xf32>,
          tpu.vector_store %arg10[%swap3A_376, %swap3A_377], %mul3A_375 {strides = array<i32>} : memref<128x128xf32, #tpu.memory_space<vmem>>, vector<16xf32>,
          %get3A_379 = arith.index_cast %add3A_343 : i32 to index
          %get3A_380 = arith.constant 64 : index
          %get3A_381 = tpu.vector_load %arg10[%get3A_379, %get3A_380] {strides = array<i32>} : memref<128x128xf32, #tpu.memory_space<vmem>>, vector<16xf32>,
          %mul3A_382 = arith.mulf %get3A_381, %bitcast3A_350 : vector<16xf32>
          %swap3A_383 = arith.index_cast %add3A_343 : i32 to index
          %swap3A_384 = arith.constant 64 : index
          %swap3A_385 = tpu.vector_load %arg10[%swap3A_383, %swap3A_384] {strides = array<i32>} : memref<128x128xf32, #tpu.memory_space<vmem>>, vector<16xf32>,
          tpu.vector_store %arg10[%swap3A_383, %swap3A_384], %mul3A_382 {strides = array<i32>} : memref<128x128xf32, #tpu.memory_space<vmem>>, vector<16xf32>,
          %get3A_386 = arith.index_cast %add3A_343 : i32 to index
          %get3A_387 = arith.constant 80 : index
          %get3A_388 = tpu.vector_load %arg10[%get3A_386, %get3A_387] {strides = array<i32>} : memref<128x128xf32, #tpu.memory_space<vmem>>, vector<16xf32>,
          %mul3A_389 = arith.mulf %get3A_388, %bitcast3A_350 : vector<16xf32>
          %swap3A_390 = arith.index_cast %add3A_343 : i32 to index
          %swap3A_391 = arith.constant 80 : index
          %swap3A_392 = tpu.vector_load %arg10[%swap3A_390, %swap3A_391] {strides = array<i32>} : memref<128x128xf32, #tpu.memory_space<vmem>>, vector<16xf32>,
          tpu.vector_store %arg10[%swap3A_390, %swap3A_391], %mul3A_389 {strides = array<i32>} : memref<128x128xf32, #tpu.memory_space<vmem>>, vector<16xf32>,
          %get3A_393 = arith.index_cast %add3A_343 : i32 to index
          %get3A_394 = arith.constant 96 : index
          %get3A_395 = tpu.vector_load %arg10[%get3A_393, %get3A_394] {strides = array<i32>} : memref<128x128xf32, #tpu.memory_space<vmem>>, vector<16xf32>,
          %mul3A_396 = arith.mulf %get3A_395, %bitcast3A_350 : vector<16xf32>
          %swap3A_397 = arith.index_cast %add3A_343 : i32 to index
          %swap3A_398 = arith.constant 96 : index
          %swap3A_399 = tpu.vector_load %arg10[%swap3A_397, %swap3A_398] {strides = array<i32>} : memref<128x128xf32, #tpu.memory_space<vmem>>, vector<16xf32>,
          tpu.vector_store %arg10[%swap3A_397, %swap3A_398], %mul3A_396 {strides = array<i32>} : memref<128x128xf32, #tpu.memory_space<vmem>>, vector<16xf32>,
          %get3A_400 = arith.index_cast %add3A_343 : i32 to index
          %get3A_401 = arith.constant 112 : index
          %get3A_402 = tpu.vector_load %arg10[%get3A_400, %get3A_401] {strides = array<i32>} : memref<128x128xf32, #tpu.memory_space<vmem>>, vector<16xf32>,
          %mul3A_403 = arith.mulf %get3A_402, %bitcast3A_350 : vector<16xf32>
          %swap3A_404 = arith.index_cast %add3A_343 : i32 to index
          %swap3A_405 = arith.constant 112 : index
          %swap3A_406 = tpu.vector_load %arg10[%swap3A_404, %swap3A_405] {strides = array<i32>} : memref<128x128xf32, #tpu.memory_space<vmem>>, vector<16xf32>,
          tpu.vector_store %arg10[%swap3A_404, %swap3A_405], %mul3A_403 {strides = array<i32>} : memref<128x128xf32, #tpu.memory_space<vmem>>, vector<16xf32>,
          %mul3A_407 = arith.constant 4 : i32
          %mul3A_408 = arith.muli %scan3A_275, %mul3A_407 : i32
          %add3A_409 = arith.constant 2 : i32
          %add3A_410 = arith.addi %mul3A_408, %add3A_409 : i32
          %broadcast_in_dim3A_411 = vector.broadcast %add3A_410 : i32 to vector<16xi32>
          %gather3A_412 = arith.constant 2 : i32
          %gather3A_413 = arith.constant 0 : i32
          %gather3A_414 = tpu.memref_slice %arg6[%gather3A_412, %gather3A_413] : memref<3x128xi32, #tpu.memory_space<vmem>> -> memref<1x128xi32, #tpu.memory_space<vmem>>
          %gather3A_415 = tpu.memref_squeeze %gather3A_414 : memref<1x128xi32, #tpu.memory_space<vmem>> -> memref<128xi32, #tpu.memory_space<vmem>>
          %gather3A_416 = tpu.vector_load_idx %gather3A_415[%broadcast_in_dim3A_411] : memref<128xi32, #tpu.memory_space<vmem>>[vector<16xi32>], vector<16xi32>,
          %bitcast3A_417 = vector.bitcast %gather3A_416 : vector<16xi32> to vector<16xf32>
          %get3A_418 = arith.index_cast %add3A_410 : i32 to index
          %get3A_419 = arith.constant 0 : index
          %get3A_420 = tpu.vector_load %arg10[%get3A_418, %get3A_419] {strides = array<i32>} : memref<128x128xf32, #tpu.memory_space<vmem>>, vector<16xf32>,
          %mul3A_421 = arith.mulf %get3A_420, %bitcast3A_417 : vector<16xf32>
          %swap3A_422 = arith.index_cast %add3A_410 : i32 to index
          %swap3A_423 = arith.constant 0 : index
          %swap3A_424 = tpu.vector_load %arg10[%swap3A_422, %swap3A_423] {strides = array<i32>} : memref<128x128xf32, #tpu.memory_space<vmem>>, vector<16xf32>,
          tpu.vector_store %arg10[%swap3A_422, %swap3A_423], %mul3A_421 {strides = array<i32>} : memref<128x128xf32, #tpu.memory_space<vmem>>, vector<16xf32>,
          %get3A_425 = arith.index_cast %add3A_410 : i32 to index
          %get3A_426 = arith.constant 16 : index
          %get3A_427 = tpu.vector_load %arg10[%get3A_425, %get3A_426] {strides = array<i32>} : memref<128x128xf32, #tpu.memory_space<vmem>>, vector<16xf32>,
          %mul3A_428 = arith.mulf %get3A_427, %bitcast3A_417 : vector<16xf32>
          %swap3A_429 = arith.index_cast %add3A_410 : i32 to index
          %swap3A_430 = arith.constant 16 : index
          %swap3A_431 = tpu.vector_load %arg10[%swap3A_429, %swap3A_430] {strides = array<i32>} : memref<128x128xf32, #tpu.memory_space<vmem>>, vector<16xf32>,
          tpu.vector_store %arg10[%swap3A_429, %swap3A_430], %mul3A_428 {strides = array<i32>} : memref<128x128xf32, #tpu.memory_space<vmem>>, vector<16xf32>,
          %get3A_432 = arith.index_cast %add3A_410 : i32 to index
          %get3A_433 = arith.constant 32 : index
          %get3A_434 = tpu.vector_load %arg10[%get3A_432, %get3A_433] {strides = array<i32>} : memref<128x128xf32, #tpu.memory_space<vmem>>, vector<16xf32>,
          %mul3A_435 = arith.mulf %get3A_434, %bitcast3A_417 : vector<16xf32>
          %swap3A_436 = arith.index_cast %add3A_410 : i32 to index
          %swap3A_437 = arith.constant 32 : index
          %swap3A_438 = tpu.vector_load %arg10[%swap3A_436, %swap3A_437] {strides = array<i32>} : memref<128x128xf32, #tpu.memory_space<vmem>>, vector<16xf32>,
          tpu.vector_store %arg10[%swap3A_436, %swap3A_437], %mul3A_435 {strides = array<i32>} : memref<128x128xf32, #tpu.memory_space<vmem>>, vector<16xf32>,
          %get3A_439 = arith.index_cast %add3A_410 : i32 to index
          %get3A_440 = arith.constant 48 : index
          %get3A_441 = tpu.vector_load %arg10[%get3A_439, %get3A_440] {strides = array<i32>} : memref<128x128xf32, #tpu.memory_space<vmem>>, vector<16xf32>,
          %mul3A_442 = arith.mulf %get3A_441, %bitcast3A_417 : vector<16xf32>
          %swap3A_443 = arith.index_cast %add3A_410 : i32 to index
          %swap3A_444 = arith.constant 48 : index
          %swap3A_445 = tpu.vector_load %arg10[%swap3A_443, %swap3A_444] {strides = array<i32>} : memref<128x128xf32, #tpu.memory_space<vmem>>, vector<16xf32>,
          tpu.vector_store %arg10[%swap3A_443, %swap3A_444], %mul3A_442 {strides = array<i32>} : memref<128x128xf32, #tpu.memory_space<vmem>>, vector<16xf32>,
          %get3A_446 = arith.index_cast %add3A_410 : i32 to index
          %get3A_447 = arith.constant 64 : index
          %get3A_448 = tpu.vector_load %arg10[%get3A_446, %get3A_447] {strides = array<i32>} : memref<128x128xf32, #tpu.memory_space<vmem>>, vector<16xf32>,
          %mul3A_449 = arith.mulf %get3A_448, %bitcast3A_417 : vector<16xf32>
          %swap3A_450 = arith.index_cast %add3A_410 : i32 to index
          %swap3A_451 = arith.constant 64 : index
          %swap3A_452 = tpu.vector_load %arg10[%swap3A_450, %swap3A_451] {strides = array<i32>} : memref<128x128xf32, #tpu.memory_space<vmem>>, vector<16xf32>,
          tpu.vector_store %arg10[%swap3A_450, %swap3A_451], %mul3A_449 {strides = array<i32>} : memref<128x128xf32, #tpu.memory_space<vmem>>, vector<16xf32>,
          %get3A_453 = arith.index_cast %add3A_410 : i32 to index
          %get3A_454 = arith.constant 80 : index
          %get3A_455 = tpu.vector_load %arg10[%get3A_453, %get3A_454] {strides = array<i32>} : memref<128x128xf32, #tpu.memory_space<vmem>>, vector<16xf32>,
          %mul3A_456 = arith.mulf %get3A_455, %bitcast3A_417 : vector<16xf32>
          %swap3A_457 = arith.index_cast %add3A_410 : i32 to index
          %swap3A_458 = arith.constant 80 : index
          %swap3A_459 = tpu.vector_load %arg10[%swap3A_457, %swap3A_458] {strides = array<i32>} : memref<128x128xf32, #tpu.memory_space<vmem>>, vector<16xf32>,
          tpu.vector_store %arg10[%swap3A_457, %swap3A_458], %mul3A_456 {strides = array<i32>} : memref<128x128xf32, #tpu.memory_space<vmem>>, vector<16xf32>,
          %get3A_460 = arith.index_cast %add3A_410 : i32 to index
          %get3A_461 = arith.constant 96 : index
          %get3A_462 = tpu.vector_load %arg10[%get3A_460, %get3A_461] {strides = array<i32>} : memref<128x128xf32, #tpu.memory_space<vmem>>, vector<16xf32>,
          %mul3A_463 = arith.mulf %get3A_462, %bitcast3A_417 : vector<16xf32>
          %swap3A_464 = arith.index_cast %add3A_410 : i32 to index
          %swap3A_465 = arith.constant 96 : index
          %swap3A_466 = tpu.vector_load %arg10[%swap3A_464, %swap3A_465] {strides = array<i32>} : memref<128x128xf32, #tpu.memory_space<vmem>>, vector<16xf32>,
          tpu.vector_store %arg10[%swap3A_464, %swap3A_465], %mul3A_463 {strides = array<i32>} : memref<128x128xf32, #tpu.memory_space<vmem>>, vector<16xf32>,
          %get3A_467 = arith.index_cast %add3A_410 : i32 to index
          %get3A_468 = arith.constant 112 : index
          %get3A_469 = tpu.vector_load %arg10[%get3A_467, %get3A_468] {strides = array<i32>} : memref<128x128xf32, #tpu.memory_space<vmem>>, vector<16xf32>,
          %mul3A_470 = arith.mulf %get3A_469, %bitcast3A_417 : vector<16xf32>
          %swap3A_471 = arith.index_cast %add3A_410 : i32 to index
          %swap3A_472 = arith.constant 112 : index
          %swap3A_473 = tpu.vector_load %arg10[%swap3A_471, %swap3A_472] {strides = array<i32>} : memref<128x128xf32, #tpu.memory_space<vmem>>, vector<16xf32>,
          tpu.vector_store %arg10[%swap3A_471, %swap3A_472], %mul3A_470 {strides = array<i32>} : memref<128x128xf32, #tpu.memory_space<vmem>>, vector<16xf32>,
          %mul3A_474 = arith.constant 4 : i32
          %mul3A_475 = arith.muli %scan3A_275, %mul3A_474 : i32
          %add3A_476 = arith.constant 3 : i32
          %add3A_477 = arith.addi %mul3A_475, %add3A_476 : i32
          %broadcast_in_dim3A_478 = vector.broadcast %add3A_477 : i32 to vector<16xi32>
          %gather3A_479 = arith.constant 2 : i32
          %gather3A_480 = arith.constant 0 : i32
          %gather3A_481 = tpu.memref_slice %arg6[%gather3A_479, %gather3A_480] : memref<3x128xi32, #tpu.memory_space<vmem>> -> memref<1x128xi32, #tpu.memory_space<vmem>>
          %gather3A_482 = tpu.memref_squeeze %gather3A_481 : memref<1x128xi32, #tpu.memory_space<vmem>> -> memref<128xi32, #tpu.memory_space<vmem>>
          %gather3A_483 = tpu.vector_load_idx %gather3A_482[%broadcast_in_dim3A_478] : memref<128xi32, #tpu.memory_space<vmem>>[vector<16xi32>], vector<16xi32>,
          %bitcast3A_484 = vector.bitcast %gather3A_483 : vector<16xi32> to vector<16xf32>
          %get3A_485 = arith.index_cast %add3A_477 : i32 to index
          %get3A_486 = arith.constant 0 : index
          %get3A_487 = tpu.vector_load %arg10[%get3A_485, %get3A_486] {strides = array<i32>} : memref<128x128xf32, #tpu.memory_space<vmem>>, vector<16xf32>,
          %mul3A_488 = arith.mulf %get3A_487, %bitcast3A_484 : vector<16xf32>
          %swap3A_489 = arith.index_cast %add3A_477 : i32 to index
          %swap3A_490 = arith.constant 0 : index
          %swap3A_491 = tpu.vector_load %arg10[%swap3A_489, %swap3A_490] {strides = array<i32>} : memref<128x128xf32, #tpu.memory_space<vmem>>, vector<16xf32>,
          tpu.vector_store %arg10[%swap3A_489, %swap3A_490], %mul3A_488 {strides = array<i32>} : memref<128x128xf32, #tpu.memory_space<vmem>>, vector<16xf32>,
          %get3A_492 = arith.index_cast %add3A_477 : i32 to index
          %get3A_493 = arith.constant 16 : index
          %get3A_494 = tpu.vector_load %arg10[%get3A_492, %get3A_493] {strides = array<i32>} : memref<128x128xf32, #tpu.memory_space<vmem>>, vector<16xf32>,
          %mul3A_495 = arith.mulf %get3A_494, %bitcast3A_484 : vector<16xf32>
          %swap3A_496 = arith.index_cast %add3A_477 : i32 to index
          %swap3A_497 = arith.constant 16 : index
          %swap3A_498 = tpu.vector_load %arg10[%swap3A_496, %swap3A_497] {strides = array<i32>} : memref<128x128xf32, #tpu.memory_space<vmem>>, vector<16xf32>,
          tpu.vector_store %arg10[%swap3A_496, %swap3A_497], %mul3A_495 {strides = array<i32>} : memref<128x128xf32, #tpu.memory_space<vmem>>, vector<16xf32>,
          %get3A_499 = arith.index_cast %add3A_477 : i32 to index
          %get3A_500 = arith.constant 32 : index
          %get3A_501 = tpu.vector_load %arg10[%get3A_499, %get3A_500] {strides = array<i32>} : memref<128x128xf32, #tpu.memory_space<vmem>>, vector<16xf32>,
          %mul3A_502 = arith.mulf %get3A_501, %bitcast3A_484 : vector<16xf32>
          %swap3A_503 = arith.index_cast %add3A_477 : i32 to index
          %swap3A_504 = arith.constant 32 : index
          %swap3A_505 = tpu.vector_load %arg10[%swap3A_503, %swap3A_504] {strides = array<i32>} : memref<128x128xf32, #tpu.memory_space<vmem>>, vector<16xf32>,
          tpu.vector_store %arg10[%swap3A_503, %swap3A_504], %mul3A_502 {strides = array<i32>} : memref<128x128xf32, #tpu.memory_space<vmem>>, vector<16xf32>,
          %get3A_506 = arith.index_cast %add3A_477 : i32 to index
          %get3A_507 = arith.constant 48 : index
          %get3A_508 = tpu.vector_load %arg10[%get3A_506, %get3A_507] {strides = array<i32>} : memref<128x128xf32, #tpu.memory_space<vmem>>, vector<16xf32>,
          %mul3A_509 = arith.mulf %get3A_508, %bitcast3A_484 : vector<16xf32>
          %swap3A_510 = arith.index_cast %add3A_477 : i32 to index
          %swap3A_511 = arith.constant 48 : index
          %swap3A_512 = tpu.vector_load %arg10[%swap3A_510, %swap3A_511] {strides = array<i32>} : memref<128x128xf32, #tpu.memory_space<vmem>>, vector<16xf32>,
          tpu.vector_store %arg10[%swap3A_510, %swap3A_511], %mul3A_509 {strides = array<i32>} : memref<128x128xf32, #tpu.memory_space<vmem>>, vector<16xf32>,
          %get3A_513 = arith.index_cast %add3A_477 : i32 to index
          %get3A_514 = arith.constant 64 : index
          %get3A_515 = tpu.vector_load %arg10[%get3A_513, %get3A_514] {strides = array<i32>} : memref<128x128xf32, #tpu.memory_space<vmem>>, vector<16xf32>,
          %mul3A_516 = arith.mulf %get3A_515, %bitcast3A_484 : vector<16xf32>
          %swap3A_517 = arith.index_cast %add3A_477 : i32 to index
          %swap3A_518 = arith.constant 64 : index
          %swap3A_519 = tpu.vector_load %arg10[%swap3A_517, %swap3A_518] {strides = array<i32>} : memref<128x128xf32, #tpu.memory_space<vmem>>, vector<16xf32>,
          tpu.vector_store %arg10[%swap3A_517, %swap3A_518], %mul3A_516 {strides = array<i32>} : memref<128x128xf32, #tpu.memory_space<vmem>>, vector<16xf32>,
          %get3A_520 = arith.index_cast %add3A_477 : i32 to index
          %get3A_521 = arith.constant 80 : index
          %get3A_522 = tpu.vector_load %arg10[%get3A_520, %get3A_521] {strides = array<i32>} : memref<128x128xf32, #tpu.memory_space<vmem>>, vector<16xf32>,
          %mul3A_523 = arith.mulf %get3A_522, %bitcast3A_484 : vector<16xf32>
          %swap3A_524 = arith.index_cast %add3A_477 : i32 to index
          %swap3A_525 = arith.constant 80 : index
          %swap3A_526 = tpu.vector_load %arg10[%swap3A_524, %swap3A_525] {strides = array<i32>} : memref<128x128xf32, #tpu.memory_space<vmem>>, vector<16xf32>,
          tpu.vector_store %arg10[%swap3A_524, %swap3A_525], %mul3A_523 {strides = array<i32>} : memref<128x128xf32, #tpu.memory_space<vmem>>, vector<16xf32>,
          %get3A_527 = arith.index_cast %add3A_477 : i32 to index
          %get3A_528 = arith.constant 96 : index
          %get3A_529 = tpu.vector_load %arg10[%get3A_527, %get3A_528] {strides = array<i32>} : memref<128x128xf32, #tpu.memory_space<vmem>>, vector<16xf32>,
          %mul3A_530 = arith.mulf %get3A_529, %bitcast3A_484 : vector<16xf32>
          %swap3A_531 = arith.index_cast %add3A_477 : i32 to index
          %swap3A_532 = arith.constant 96 : index
          %swap3A_533 = tpu.vector_load %arg10[%swap3A_531, %swap3A_532] {strides = array<i32>} : memref<128x128xf32, #tpu.memory_space<vmem>>, vector<16xf32>,
          tpu.vector_store %arg10[%swap3A_531, %swap3A_532], %mul3A_530 {strides = array<i32>} : memref<128x128xf32, #tpu.memory_space<vmem>>, vector<16xf32>,
          %get3A_534 = arith.index_cast %add3A_477 : i32 to index
          %get3A_535 = arith.constant 112 : index
          %get3A_536 = tpu.vector_load %arg10[%get3A_534, %get3A_535] {strides = array<i32>} : memref<128x128xf32, #tpu.memory_space<vmem>>, vector<16xf32>,
          %mul3A_537 = arith.mulf %get3A_536, %bitcast3A_484 : vector<16xf32>
          %swap3A_538 = arith.index_cast %add3A_477 : i32 to index
          %swap3A_539 = arith.constant 112 : index
          %swap3A_540 = tpu.vector_load %arg10[%swap3A_538, %swap3A_539] {strides = array<i32>} : memref<128x128xf32, #tpu.memory_space<vmem>>, vector<16xf32>,
          tpu.vector_store %arg10[%swap3A_538, %swap3A_539], %mul3A_537 {strides = array<i32>} : memref<128x128xf32, #tpu.memory_space<vmem>>, vector<16xf32>,
        }
        %scan3A_273 = arith.constant 32 : i32
        %run_scoped3A_274 = arith.constant 1 : i32
        "tpu.region"() ({
          %run_scoped3A_275 = tpu.sem_alloc : memref<!tpu.dma_semaphore, #tpu.memory_space<semaphore_mem>>
          %dma_start3A_276 = arith.constant 0 : i32
          %dma_start3A_277 = tpu.memref_slice %arg6[%run_scoped3A_274, %dma_start3A_276] : memref<3x128xi32, #tpu.memory_space<vmem>> -> memref<1x128xi32, #tpu.memory_space<vmem>>
          %dma_start3A_278 = tpu.memref_squeeze %dma_start3A_277 : memref<1x128xi32, #tpu.memory_space<vmem>> -> memref<128xi32, #tpu.memory_space<vmem>>
          %dma_start3A_279 = arith.constant 0 : i32
          %dma_start3A_280 = arith.constant 0 : i32
          %dma_start3A_281 = tpu.memref_slice %arg12[%dma_start3A_279, %dma_start3A_280] : memref<10240x128xf32, #tpu.memory_space<vmem_shared>> -> memref<10240x128xf32, #tpu.memory_space<vmem_shared>>
          tpu.enqueue_indirect_dma source(%arg10 : memref<128x128xf32, #tpu.memory_space<vmem>>) target(%dma_start3A_281 : memref<10240x128xf32, #tpu.memory_space<vmem_shared>>) offsets(%dma_start3A_278 : memref<128xi32, #tpu.memory_space<vmem>>) semaphore(%run_scoped3A_275 : memref<!tpu.dma_semaphore, #tpu.memory_space<semaphore_mem>>) {add = true}
          %dma_wait3A_282 = arith.constant 0 : i32
          %dma_wait3A_283 = tpu.memref_slice %arg6[%run_scoped3A_274, %dma_wait3A_282] : memref<3x128xi32, #tpu.memory_space<vmem>> -> memref<1x128xi32, #tpu.memory_space<vmem>>
          %dma_wait3A_284 = tpu.memref_squeeze %dma_wait3A_283 : memref<1x128xi32, #tpu.memory_space<vmem>> -> memref<128xi32, #tpu.memory_space<vmem>>
          %dma_wait3A_285 = arith.constant 0 : i32
          %dma_wait3A_286 = arith.constant 0 : i32
          %dma_wait3A_287 = tpu.memref_slice %arg12[%dma_wait3A_285, %dma_wait3A_286] : memref<10240x128xf32, #tpu.memory_space<vmem_shared>> -> memref<10240x128xf32, #tpu.memory_space<vmem_shared>>
          tpu.wait_indirect_dma semaphore(%run_scoped3A_275 : memref<!tpu.dma_semaphore, #tpu.memory_space<semaphore_mem>>) src(%arg10 : memref<128x128xf32, #tpu.memory_space<vmem>>) dst(%dma_wait3A_287 : memref<10240x128xf32, #tpu.memory_space<vmem_shared>>)
          tpu.yield
        }) : () -> ()
      }
      %scan3A_90 = arith.constant 39 : i32
      %dma_wait3A = arith.constant 0 : i32
      %dma_wait3A_91 = arith.constant 0 : i32
      %dma_wait3A_92 = tpu.memref_slice %arg2[%dma_wait3A, %dma_wait3A_91] : memref<122880x128xf32, #tpu.memory_space<hbm>> -> memref<122880x128xf32, #tpu.memory_space<hbm>>
      tpu.wait_indirect_dma semaphore(%arg13 : memref<!tpu.dma_semaphore, #tpu.memory_space<semaphore_mem>>) src(%dma_wait3A_92 : memref<122880x128xf32, #tpu.memory_space<hbm>>) dst(%arg9 : memref<128x128xf32, #tpu.memory_space<vmem>>)
      %scan3A_93 = arith.constant 0 : i32
      %scan3A_94 = arith.constant 0 : i32
      %scan3A_95 = arith.constant 32 : i32
      %scan3A_96 = arith.addi %scan3A_94, %scan3A_95 : i32
      %scan3A_97 = arith.constant 1 : i32
      scf.for %scan3A_112 = %scan3A_94 to %scan3A_96 step %scan3A_97  : i32 {
        %mul3A_113 = arith.constant 4 : i32
        %mul3A_114 = arith.muli %scan3A_112, %mul3A_113 : i32
        %add3A_115 = arith.constant 0 : i32
        %add3A_116 = arith.addi %mul3A_114, %add3A_115 : i32
        %broadcast_in_dim3A = vector.broadcast %add3A_116 : i32 to vector<16xi32>
        %gather3A = arith.constant 2 : i32
        %gather3A_117 = arith.constant 0 : i32
        %gather3A_118 = tpu.memref_slice %arg5[%gather3A, %gather3A_117] : memref<3x128xi32, #tpu.memory_space<vmem>> -> memref<1x128xi32, #tpu.memory_space<vmem>>
        %gather3A_119 = tpu.memref_squeeze %gather3A_118 : memref<1x128xi32, #tpu.memory_space<vmem>> -> memref<128xi32, #tpu.memory_space<vmem>>
        %gather3A_120 = tpu.vector_load_idx %gather3A_119[%broadcast_in_dim3A] : memref<128xi32, #tpu.memory_space<vmem>>[vector<16xi32>], vector<16xi32>,
        %bitcast3A = vector.bitcast %gather3A_120 : vector<16xi32> to vector<16xf32>
        %get3A_121 = arith.index_cast %add3A_116 : i32 to index
        %get3A_122 = arith.constant 0 : index
        %get3A_123 = tpu.vector_load %arg9[%get3A_121, %get3A_122] {strides = array<i32>} : memref<128x128xf32, #tpu.memory_space<vmem>>, vector<16xf32>,
        %mul3A_124 = arith.mulf %get3A_123, %bitcast3A : vector<16xf32>
        %swap3A_125 = arith.index_cast %add3A_116 : i32 to index
        %swap3A_126 = arith.constant 0 : index
        %swap3A_127 = tpu.vector_load %arg9[%swap3A_125, %swap3A_126] {strides = array<i32>} : memref<128x128xf32, #tpu.memory_space<vmem>>, vector<16xf32>,
        tpu.vector_store %arg9[%swap3A_125, %swap3A_126], %mul3A_124 {strides = array<i32>} : memref<128x128xf32, #tpu.memory_space<vmem>>, vector<16xf32>,
        %get3A_128 = arith.index_cast %add3A_116 : i32 to index
        %get3A_129 = arith.constant 16 : index
        %get3A_130 = tpu.vector_load %arg9[%get3A_128, %get3A_129] {strides = array<i32>} : memref<128x128xf32, #tpu.memory_space<vmem>>, vector<16xf32>,
        %mul3A_131 = arith.mulf %get3A_130, %bitcast3A : vector<16xf32>
        %swap3A_132 = arith.index_cast %add3A_116 : i32 to index
        %swap3A_133 = arith.constant 16 : index
        %swap3A_134 = tpu.vector_load %arg9[%swap3A_132, %swap3A_133] {strides = array<i32>} : memref<128x128xf32, #tpu.memory_space<vmem>>, vector<16xf32>,
        tpu.vector_store %arg9[%swap3A_132, %swap3A_133], %mul3A_131 {strides = array<i32>} : memref<128x128xf32, #tpu.memory_space<vmem>>, vector<16xf32>,
        %get3A_135 = arith.index_cast %add3A_116 : i32 to index
        %get3A_136 = arith.constant 32 : index
        %get3A_137 = tpu.vector_load %arg9[%get3A_135, %get3A_136] {strides = array<i32>} : memref<128x128xf32, #tpu.memory_space<vmem>>, vector<16xf32>,
        %mul3A_138 = arith.mulf %get3A_137, %bitcast3A : vector<16xf32>
        %swap3A_139 = arith.index_cast %add3A_116 : i32 to index
        %swap3A_140 = arith.constant 32 : index
        %swap3A_141 = tpu.vector_load %arg9[%swap3A_139, %swap3A_140] {strides = array<i32>} : memref<128x128xf32, #tpu.memory_space<vmem>>, vector<16xf32>,
        tpu.vector_store %arg9[%swap3A_139, %swap3A_140], %mul3A_138 {strides = array<i32>} : memref<128x128xf32, #tpu.memory_space<vmem>>, vector<16xf32>,
        %get3A_142 = arith.index_cast %add3A_116 : i32 to index
        %get3A_143 = arith.constant 48 : index
        %get3A_144 = tpu.vector_load %arg9[%get3A_142, %get3A_143] {strides = array<i32>} : memref<128x128xf32, #tpu.memory_space<vmem>>, vector<16xf32>,
        %mul3A_145 = arith.mulf %get3A_144, %bitcast3A : vector<16xf32>
        %swap3A_146 = arith.index_cast %add3A_116 : i32 to index
        %swap3A_147 = arith.constant 48 : index
        %swap3A_148 = tpu.vector_load %arg9[%swap3A_146, %swap3A_147] {strides = array<i32>} : memref<128x128xf32, #tpu.memory_space<vmem>>, vector<16xf32>,
        tpu.vector_store %arg9[%swap3A_146, %swap3A_147], %mul3A_145 {strides = array<i32>} : memref<128x128xf32, #tpu.memory_space<vmem>>, vector<16xf32>,
        %get3A_149 = arith.index_cast %add3A_116 : i32 to index
        %get3A_150 = arith.constant 64 : index
        %get3A_151 = tpu.vector_load %arg9[%get3A_149, %get3A_150] {strides = array<i32>} : memref<128x128xf32, #tpu.memory_space<vmem>>, vector<16xf32>,
        %mul3A_152 = arith.mulf %get3A_151, %bitcast3A : vector<16xf32>
        %swap3A_153 = arith.index_cast %add3A_116 : i32 to index
        %swap3A_154 = arith.constant 64 : index
        %swap3A_155 = tpu.vector_load %arg9[%swap3A_153, %swap3A_154] {strides = array<i32>} : memref<128x128xf32, #tpu.memory_space<vmem>>, vector<16xf32>,
        tpu.vector_store %arg9[%swap3A_153, %swap3A_154], %mul3A_152 {strides = array<i32>} : memref<128x128xf32, #tpu.memory_space<vmem>>, vector<16xf32>,
        %get3A_156 = arith.index_cast %add3A_116 : i32 to index
        %get3A_157 = arith.constant 80 : index
        %get3A_158 = tpu.vector_load %arg9[%get3A_156, %get3A_157] {strides = array<i32>} : memref<128x128xf32, #tpu.memory_space<vmem>>, vector<16xf32>,
        %mul3A_159 = arith.mulf %get3A_158, %bitcast3A : vector<16xf32>
        %swap3A_160 = arith.index_cast %add3A_116 : i32 to index
        %swap3A_161 = arith.constant 80 : index
        %swap3A_162 = tpu.vector_load %arg9[%swap3A_160, %swap3A_161] {strides = array<i32>} : memref<128x128xf32, #tpu.memory_space<vmem>>, vector<16xf32>,
        tpu.vector_store %arg9[%swap3A_160, %swap3A_161], %mul3A_159 {strides = array<i32>} : memref<128x128xf32, #tpu.memory_space<vmem>>, vector<16xf32>,
        %get3A_163 = arith.index_cast %add3A_116 : i32 to index
        %get3A_164 = arith.constant 96 : index
        %get3A_165 = tpu.vector_load %arg9[%get3A_163, %get3A_164] {strides = array<i32>} : memref<128x128xf32, #tpu.memory_space<vmem>>, vector<16xf32>,
        %mul3A_166 = arith.mulf %get3A_165, %bitcast3A : vector<16xf32>
        %swap3A_167 = arith.index_cast %add3A_116 : i32 to index
        %swap3A_168 = arith.constant 96 : index
        %swap3A_169 = tpu.vector_load %arg9[%swap3A_167, %swap3A_168] {strides = array<i32>} : memref<128x128xf32, #tpu.memory_space<vmem>>, vector<16xf32>,
        tpu.vector_store %arg9[%swap3A_167, %swap3A_168], %mul3A_166 {strides = array<i32>} : memref<128x128xf32, #tpu.memory_space<vmem>>, vector<16xf32>,
        %get3A_170 = arith.index_cast %add3A_116 : i32 to index
        %get3A_171 = arith.constant 112 : index
        %get3A_172 = tpu.vector_load %arg9[%get3A_170, %get3A_171] {strides = array<i32>} : memref<128x128xf32, #tpu.memory_space<vmem>>, vector<16xf32>,
        %mul3A_173 = arith.mulf %get3A_172, %bitcast3A : vector<16xf32>
        %swap3A_174 = arith.index_cast %add3A_116 : i32 to index
        %swap3A_175 = arith.constant 112 : index
        %swap3A_176 = tpu.vector_load %arg9[%swap3A_174, %swap3A_175] {strides = array<i32>} : memref<128x128xf32, #tpu.memory_space<vmem>>, vector<16xf32>,
        tpu.vector_store %arg9[%swap3A_174, %swap3A_175], %mul3A_173 {strides = array<i32>} : memref<128x128xf32, #tpu.memory_space<vmem>>, vector<16xf32>,
        %mul3A_177 = arith.constant 4 : i32
        %mul3A_178 = arith.muli %scan3A_112, %mul3A_177 : i32
        %add3A_179 = arith.constant 1 : i32
        %add3A_180 = arith.addi %mul3A_178, %add3A_179 : i32
        %broadcast_in_dim3A_181 = vector.broadcast %add3A_180 : i32 to vector<16xi32>
        %gather3A_182 = arith.constant 2 : i32
        %gather3A_183 = arith.constant 0 : i32
        %gather3A_184 = tpu.memref_slice %arg5[%gather3A_182, %gather3A_183] : memref<3x128xi32, #tpu.memory_space<vmem>> -> memref<1x128xi32, #tpu.memory_space<vmem>>
        %gather3A_185 = tpu.memref_squeeze %gather3A_184 : memref<1x128xi32, #tpu.memory_space<vmem>> -> memref<128xi32, #tpu.memory_space<vmem>>
        %gather3A_186 = tpu.vector_load_idx %gather3A_185[%broadcast_in_dim3A_181] : memref<128xi32, #tpu.memory_space<vmem>>[vector<16xi32>], vector<16xi32>,
        %bitcast3A_187 = vector.bitcast %gather3A_186 : vector<16xi32> to vector<16xf32>
        %get3A_188 = arith.index_cast %add3A_180 : i32 to index
        %get3A_189 = arith.constant 0 : index
        %get3A_190 = tpu.vector_load %arg9[%get3A_188, %get3A_189] {strides = array<i32>} : memref<128x128xf32, #tpu.memory_space<vmem>>, vector<16xf32>,
        %mul3A_191 = arith.mulf %get3A_190, %bitcast3A_187 : vector<16xf32>
        %swap3A_192 = arith.index_cast %add3A_180 : i32 to index
        %swap3A_193 = arith.constant 0 : index
        %swap3A_194 = tpu.vector_load %arg9[%swap3A_192, %swap3A_193] {strides = array<i32>} : memref<128x128xf32, #tpu.memory_space<vmem>>, vector<16xf32>,
        tpu.vector_store %arg9[%swap3A_192, %swap3A_193], %mul3A_191 {strides = array<i32>} : memref<128x128xf32, #tpu.memory_space<vmem>>, vector<16xf32>,
        %get3A_195 = arith.index_cast %add3A_180 : i32 to index
        %get3A_196 = arith.constant 16 : index
        %get3A_197 = tpu.vector_load %arg9[%get3A_195, %get3A_196] {strides = array<i32>} : memref<128x128xf32, #tpu.memory_space<vmem>>, vector<16xf32>,
        %mul3A_198 = arith.mulf %get3A_197, %bitcast3A_187 : vector<16xf32>
        %swap3A_199 = arith.index_cast %add3A_180 : i32 to index
        %swap3A_200 = arith.constant 16 : index
        %swap3A_201 = tpu.vector_load %arg9[%swap3A_199, %swap3A_200] {strides = array<i32>} : memref<128x128xf32, #tpu.memory_space<vmem>>, vector<16xf32>,
        tpu.vector_store %arg9[%swap3A_199, %swap3A_200], %mul3A_198 {strides = array<i32>} : memref<128x128xf32, #tpu.memory_space<vmem>>, vector<16xf32>,
        %get3A_202 = arith.index_cast %add3A_180 : i32 to index
        %get3A_203 = arith.constant 32 : index
        %get3A_204 = tpu.vector_load %arg9[%get3A_202, %get3A_203] {strides = array<i32>} : memref<128x128xf32, #tpu.memory_space<vmem>>, vector<16xf32>,
        %mul3A_205 = arith.mulf %get3A_204, %bitcast3A_187 : vector<16xf32>
        %swap3A_206 = arith.index_cast %add3A_180 : i32 to index
        %swap3A_207 = arith.constant 32 : index
        %swap3A_208 = tpu.vector_load %arg9[%swap3A_206, %swap3A_207] {strides = array<i32>} : memref<128x128xf32, #tpu.memory_space<vmem>>, vector<16xf32>,
        tpu.vector_store %arg9[%swap3A_206, %swap3A_207], %mul3A_205 {strides = array<i32>} : memref<128x128xf32, #tpu.memory_space<vmem>>, vector<16xf32>,
        %get3A_209 = arith.index_cast %add3A_180 : i32 to index
        %get3A_210 = arith.constant 48 : index
        %get3A_211 = tpu.vector_load %arg9[%get3A_209, %get3A_210] {strides = array<i32>} : memref<128x128xf32, #tpu.memory_space<vmem>>, vector<16xf32>,
        %mul3A_212 = arith.mulf %get3A_211, %bitcast3A_187 : vector<16xf32>
        %swap3A_213 = arith.index_cast %add3A_180 : i32 to index
        %swap3A_214 = arith.constant 48 : index
        %swap3A_215 = tpu.vector_load %arg9[%swap3A_213, %swap3A_214] {strides = array<i32>} : memref<128x128xf32, #tpu.memory_space<vmem>>, vector<16xf32>,
        tpu.vector_store %arg9[%swap3A_213, %swap3A_214], %mul3A_212 {strides = array<i32>} : memref<128x128xf32, #tpu.memory_space<vmem>>, vector<16xf32>,
        %get3A_216 = arith.index_cast %add3A_180 : i32 to index
        %get3A_217 = arith.constant 64 : index
        %get3A_218 = tpu.vector_load %arg9[%get3A_216, %get3A_217] {strides = array<i32>} : memref<128x128xf32, #tpu.memory_space<vmem>>, vector<16xf32>,
        %mul3A_219 = arith.mulf %get3A_218, %bitcast3A_187 : vector<16xf32>
        %swap3A_220 = arith.index_cast %add3A_180 : i32 to index
        %swap3A_221 = arith.constant 64 : index
        %swap3A_222 = tpu.vector_load %arg9[%swap3A_220, %swap3A_221] {strides = array<i32>} : memref<128x128xf32, #tpu.memory_space<vmem>>, vector<16xf32>,
        tpu.vector_store %arg9[%swap3A_220, %swap3A_221], %mul3A_219 {strides = array<i32>} : memref<128x128xf32, #tpu.memory_space<vmem>>, vector<16xf32>,
        %get3A_223 = arith.index_cast %add3A_180 : i32 to index
        %get3A_224 = arith.constant 80 : index
        %get3A_225 = tpu.vector_load %arg9[%get3A_223, %get3A_224] {strides = array<i32>} : memref<128x128xf32, #tpu.memory_space<vmem>>, vector<16xf32>,
        %mul3A_226 = arith.mulf %get3A_225, %bitcast3A_187 : vector<16xf32>
        %swap3A_227 = arith.index_cast %add3A_180 : i32 to index
        %swap3A_228 = arith.constant 80 : index
        %swap3A_229 = tpu.vector_load %arg9[%swap3A_227, %swap3A_228] {strides = array<i32>} : memref<128x128xf32, #tpu.memory_space<vmem>>, vector<16xf32>,
        tpu.vector_store %arg9[%swap3A_227, %swap3A_228], %mul3A_226 {strides = array<i32>} : memref<128x128xf32, #tpu.memory_space<vmem>>, vector<16xf32>,
        %get3A_230 = arith.index_cast %add3A_180 : i32 to index
        %get3A_231 = arith.constant 96 : index
        %get3A_232 = tpu.vector_load %arg9[%get3A_230, %get3A_231] {strides = array<i32>} : memref<128x128xf32, #tpu.memory_space<vmem>>, vector<16xf32>,
        %mul3A_233 = arith.mulf %get3A_232, %bitcast3A_187 : vector<16xf32>
        %swap3A_234 = arith.index_cast %add3A_180 : i32 to index
        %swap3A_235 = arith.constant 96 : index
        %swap3A_236 = tpu.vector_load %arg9[%swap3A_234, %swap3A_235] {strides = array<i32>} : memref<128x128xf32, #tpu.memory_space<vmem>>, vector<16xf32>,
        tpu.vector_store %arg9[%swap3A_234, %swap3A_235], %mul3A_233 {strides = array<i32>} : memref<128x128xf32, #tpu.memory_space<vmem>>, vector<16xf32>,
        %get3A_237 = arith.index_cast %add3A_180 : i32 to index
        %get3A_238 = arith.constant 112 : index
        %get3A_239 = tpu.vector_load %arg9[%get3A_237, %get3A_238] {strides = array<i32>} : memref<128x128xf32, #tpu.memory_space<vmem>>, vector<16xf32>,
        %mul3A_240 = arith.mulf %get3A_239, %bitcast3A_187 : vector<16xf32>
        %swap3A_241 = arith.index_cast %add3A_180 : i32 to index
        %swap3A_242 = arith.constant 112 : index
        %swap3A_243 = tpu.vector_load %arg9[%swap3A_241, %swap3A_242] {strides = array<i32>} : memref<128x128xf32, #tpu.memory_space<vmem>>, vector<16xf32>,
        tpu.vector_store %arg9[%swap3A_241, %swap3A_242], %mul3A_240 {strides = array<i32>} : memref<128x128xf32, #tpu.memory_space<vmem>>, vector<16xf32>,
        %mul3A_244 = arith.constant 4 : i32
        %mul3A_245 = arith.muli %scan3A_112, %mul3A_244 : i32
        %add3A_246 = arith.constant 2 : i32
        %add3A_247 = arith.addi %mul3A_245, %add3A_246 : i32
        %broadcast_in_dim3A_248 = vector.broadcast %add3A_247 : i32 to vector<16xi32>
        %gather3A_249 = arith.constant 2 : i32
        %gather3A_250 = arith.constant 0 : i32
        %gather3A_251 = tpu.memref_slice %arg5[%gather3A_249, %gather3A_250] : memref<3x128xi32, #tpu.memory_space<vmem>> -> memref<1x128xi32, #tpu.memory_space<vmem>>
        %gather3A_252 = tpu.memref_squeeze %gather3A_251 : memref<1x128xi32, #tpu.memory_space<vmem>> -> memref<128xi32, #tpu.memory_space<vmem>>
        %gather3A_253 = tpu.vector_load_idx %gather3A_252[%broadcast_in_dim3A_248] : memref<128xi32, #tpu.memory_space<vmem>>[vector<16xi32>], vector<16xi32>,
        %bitcast3A_254 = vector.bitcast %gather3A_253 : vector<16xi32> to vector<16xf32>
        %get3A_255 = arith.index_cast %add3A_247 : i32 to index
        %get3A_256 = arith.constant 0 : index
        %get3A_257 = tpu.vector_load %arg9[%get3A_255, %get3A_256] {strides = array<i32>} : memref<128x128xf32, #tpu.memory_space<vmem>>, vector<16xf32>,
        %mul3A_258 = arith.mulf %get3A_257, %bitcast3A_254 : vector<16xf32>
        %swap3A_259 = arith.index_cast %add3A_247 : i32 to index
        %swap3A_260 = arith.constant 0 : index
        %swap3A_261 = tpu.vector_load %arg9[%swap3A_259, %swap3A_260] {strides = array<i32>} : memref<128x128xf32, #tpu.memory_space<vmem>>, vector<16xf32>,
        tpu.vector_store %arg9[%swap3A_259, %swap3A_260], %mul3A_258 {strides = array<i32>} : memref<128x128xf32, #tpu.memory_space<vmem>>, vector<16xf32>,
        %get3A_262 = arith.index_cast %add3A_247 : i32 to index
        %get3A_263 = arith.constant 16 : index
        %get3A_264 = tpu.vector_load %arg9[%get3A_262, %get3A_263] {strides = array<i32>} : memref<128x128xf32, #tpu.memory_space<vmem>>, vector<16xf32>,
        %mul3A_265 = arith.mulf %get3A_264, %bitcast3A_254 : vector<16xf32>
        %swap3A_266 = arith.index_cast %add3A_247 : i32 to index
        %swap3A_267 = arith.constant 16 : index
        %swap3A_268 = tpu.vector_load %arg9[%swap3A_266, %swap3A_267] {strides = array<i32>} : memref<128x128xf32, #tpu.memory_space<vmem>>, vector<16xf32>,
        tpu.vector_store %arg9[%swap3A_266, %swap3A_267], %mul3A_265 {strides = array<i32>} : memref<128x128xf32, #tpu.memory_space<vmem>>, vector<16xf32>,
        %get3A_269 = arith.index_cast %add3A_247 : i32 to index
        %get3A_270 = arith.constant 32 : index
        %get3A_271 = tpu.vector_load %arg9[%get3A_269, %get3A_270] {strides = array<i32>} : memref<128x128xf32, #tpu.memory_space<vmem>>, vector<16xf32>,
        %mul3A_272 = arith.mulf %get3A_271, %bitcast3A_254 : vector<16xf32>
        %swap3A_273 = arith.index_cast %add3A_247 : i32 to index
        %swap3A_274 = arith.constant 32 : index
        %swap3A_275 = tpu.vector_load %arg9[%swap3A_273, %swap3A_274] {strides = array<i32>} : memref<128x128xf32, #tpu.memory_space<vmem>>, vector<16xf32>,
        tpu.vector_store %arg9[%swap3A_273, %swap3A_274], %mul3A_272 {strides = array<i32>} : memref<128x128xf32, #tpu.memory_space<vmem>>, vector<16xf32>,
        %get3A_276 = arith.index_cast %add3A_247 : i32 to index
        %get3A_277 = arith.constant 48 : index
        %get3A_278 = tpu.vector_load %arg9[%get3A_276, %get3A_277] {strides = array<i32>} : memref<128x128xf32, #tpu.memory_space<vmem>>, vector<16xf32>,
        %mul3A_279 = arith.mulf %get3A_278, %bitcast3A_254 : vector<16xf32>
        %swap3A_280 = arith.index_cast %add3A_247 : i32 to index
        %swap3A_281 = arith.constant 48 : index
        %swap3A_282 = tpu.vector_load %arg9[%swap3A_280, %swap3A_281] {strides = array<i32>} : memref<128x128xf32, #tpu.memory_space<vmem>>, vector<16xf32>,
        tpu.vector_store %arg9[%swap3A_280, %swap3A_281], %mul3A_279 {strides = array<i32>} : memref<128x128xf32, #tpu.memory_space<vmem>>, vector<16xf32>,
        %get3A_283 = arith.index_cast %add3A_247 : i32 to index
        %get3A_284 = arith.constant 64 : index
        %get3A_285 = tpu.vector_load %arg9[%get3A_283, %get3A_284] {strides = array<i32>} : memref<128x128xf32, #tpu.memory_space<vmem>>, vector<16xf32>,
        %mul3A_286 = arith.mulf %get3A_285, %bitcast3A_254 : vector<16xf32>
        %swap3A_287 = arith.index_cast %add3A_247 : i32 to index
        %swap3A_288 = arith.constant 64 : index
        %swap3A_289 = tpu.vector_load %arg9[%swap3A_287, %swap3A_288] {strides = array<i32>} : memref<128x128xf32, #tpu.memory_space<vmem>>, vector<16xf32>,
        tpu.vector_store %arg9[%swap3A_287, %swap3A_288], %mul3A_286 {strides = array<i32>} : memref<128x128xf32, #tpu.memory_space<vmem>>, vector<16xf32>,
        %get3A_290 = arith.index_cast %add3A_247 : i32 to index
        %get3A_291 = arith.constant 80 : index
        %get3A_292 = tpu.vector_load %arg9[%get3A_290, %get3A_291] {strides = array<i32>} : memref<128x128xf32, #tpu.memory_space<vmem>>, vector<16xf32>,
        %mul3A_293 = arith.mulf %get3A_292, %bitcast3A_254 : vector<16xf32>
        %swap3A_294 = arith.index_cast %add3A_247 : i32 to index
        %swap3A_295 = arith.constant 80 : index
        %swap3A_296 = tpu.vector_load %arg9[%swap3A_294, %swap3A_295] {strides = array<i32>} : memref<128x128xf32, #tpu.memory_space<vmem>>, vector<16xf32>,
        tpu.vector_store %arg9[%swap3A_294, %swap3A_295], %mul3A_293 {strides = array<i32>} : memref<128x128xf32, #tpu.memory_space<vmem>>, vector<16xf32>,
        %get3A_297 = arith.index_cast %add3A_247 : i32 to index
        %get3A_298 = arith.constant 96 : index
        %get3A_299 = tpu.vector_load %arg9[%get3A_297, %get3A_298] {strides = array<i32>} : memref<128x128xf32, #tpu.memory_space<vmem>>, vector<16xf32>,
        %mul3A_300 = arith.mulf %get3A_299, %bitcast3A_254 : vector<16xf32>
        %swap3A_301 = arith.index_cast %add3A_247 : i32 to index
        %swap3A_302 = arith.constant 96 : index
        %swap3A_303 = tpu.vector_load %arg9[%swap3A_301, %swap3A_302] {strides = array<i32>} : memref<128x128xf32, #tpu.memory_space<vmem>>, vector<16xf32>,
        tpu.vector_store %arg9[%swap3A_301, %swap3A_302], %mul3A_300 {strides = array<i32>} : memref<128x128xf32, #tpu.memory_space<vmem>>, vector<16xf32>,
        %get3A_304 = arith.index_cast %add3A_247 : i32 to index
        %get3A_305 = arith.constant 112 : index
        %get3A_306 = tpu.vector_load %arg9[%get3A_304, %get3A_305] {strides = array<i32>} : memref<128x128xf32, #tpu.memory_space<vmem>>, vector<16xf32>,
        %mul3A_307 = arith.mulf %get3A_306, %bitcast3A_254 : vector<16xf32>
        %swap3A_308 = arith.index_cast %add3A_247 : i32 to index
        %swap3A_309 = arith.constant 112 : index
        %swap3A_310 = tpu.vector_load %arg9[%swap3A_308, %swap3A_309] {strides = array<i32>} : memref<128x128xf32, #tpu.memory_space<vmem>>, vector<16xf32>,
        tpu.vector_store %arg9[%swap3A_308, %swap3A_309], %mul3A_307 {strides = array<i32>} : memref<128x128xf32, #tpu.memory_space<vmem>>, vector<16xf32>,
        %mul3A_311 = arith.constant 4 : i32
        %mul3A_312 = arith.muli %scan3A_112, %mul3A_311 : i32
        %add3A_313 = arith.constant 3 : i32
        %add3A_314 = arith.addi %mul3A_312, %add3A_313 : i32
        %broadcast_in_dim3A_315 = vector.broadcast %add3A_314 : i32 to vector<16xi32>
        %gather3A_316 = arith.constant 2 : i32
        %gather3A_317 = arith.constant 0 : i32
        %gather3A_318 = tpu.memref_slice %arg5[%gather3A_316, %gather3A_317] : memref<3x128xi32, #tpu.memory_space<vmem>> -> memref<1x128xi32, #tpu.memory_space<vmem>>
        %gather3A_319 = tpu.memref_squeeze %gather3A_318 : memref<1x128xi32, #tpu.memory_space<vmem>> -> memref<128xi32, #tpu.memory_space<vmem>>
        %gather3A_320 = tpu.vector_load_idx %gather3A_319[%broadcast_in_dim3A_315] : memref<128xi32, #tpu.memory_space<vmem>>[vector<16xi32>], vector<16xi32>,
        %bitcast3A_321 = vector.bitcast %gather3A_320 : vector<16xi32> to vector<16xf32>
        %get3A_322 = arith.index_cast %add3A_314 : i32 to index
        %get3A_323 = arith.constant 0 : index
        %get3A_324 = tpu.vector_load %arg9[%get3A_322, %get3A_323] {strides = array<i32>} : memref<128x128xf32, #tpu.memory_space<vmem>>, vector<16xf32>,
        %mul3A_325 = arith.mulf %get3A_324, %bitcast3A_321 : vector<16xf32>
        %swap3A_326 = arith.index_cast %add3A_314 : i32 to index
        %swap3A_327 = arith.constant 0 : index
        %swap3A_328 = tpu.vector_load %arg9[%swap3A_326, %swap3A_327] {strides = array<i32>} : memref<128x128xf32, #tpu.memory_space<vmem>>, vector<16xf32>,
        tpu.vector_store %arg9[%swap3A_326, %swap3A_327], %mul3A_325 {strides = array<i32>} : memref<128x128xf32, #tpu.memory_space<vmem>>, vector<16xf32>,
        %get3A_329 = arith.index_cast %add3A_314 : i32 to index
        %get3A_330 = arith.constant 16 : index
        %get3A_331 = tpu.vector_load %arg9[%get3A_329, %get3A_330] {strides = array<i32>} : memref<128x128xf32, #tpu.memory_space<vmem>>, vector<16xf32>,
        %mul3A_332 = arith.mulf %get3A_331, %bitcast3A_321 : vector<16xf32>
        %swap3A_333 = arith.index_cast %add3A_314 : i32 to index
        %swap3A_334 = arith.constant 16 : index
        %swap3A_335 = tpu.vector_load %arg9[%swap3A_333, %swap3A_334] {strides = array<i32>} : memref<128x128xf32, #tpu.memory_space<vmem>>, vector<16xf32>,
        tpu.vector_store %arg9[%swap3A_333, %swap3A_334], %mul3A_332 {strides = array<i32>} : memref<128x128xf32, #tpu.memory_space<vmem>>, vector<16xf32>,
        %get3A_336 = arith.index_cast %add3A_314 : i32 to index
        %get3A_337 = arith.constant 32 : index
        %get3A_338 = tpu.vector_load %arg9[%get3A_336, %get3A_337] {strides = array<i32>} : memref<128x128xf32, #tpu.memory_space<vmem>>, vector<16xf32>,
        %mul3A_339 = arith.mulf %get3A_338, %bitcast3A_321 : vector<16xf32>
        %swap3A_340 = arith.index_cast %add3A_314 : i32 to index
        %swap3A_341 = arith.constant 32 : index
        %swap3A_342 = tpu.vector_load %arg9[%swap3A_340, %swap3A_341] {strides = array<i32>} : memref<128x128xf32, #tpu.memory_space<vmem>>, vector<16xf32>,
        tpu.vector_store %arg9[%swap3A_340, %swap3A_341], %mul3A_339 {strides = array<i32>} : memref<128x128xf32, #tpu.memory_space<vmem>>, vector<16xf32>,
        %get3A_343 = arith.index_cast %add3A_314 : i32 to index
        %get3A_344 = arith.constant 48 : index
        %get3A_345 = tpu.vector_load %arg9[%get3A_343, %get3A_344] {strides = array<i32>} : memref<128x128xf32, #tpu.memory_space<vmem>>, vector<16xf32>,
        %mul3A_346 = arith.mulf %get3A_345, %bitcast3A_321 : vector<16xf32>
        %swap3A_347 = arith.index_cast %add3A_314 : i32 to index
        %swap3A_348 = arith.constant 48 : index
        %swap3A_349 = tpu.vector_load %arg9[%swap3A_347, %swap3A_348] {strides = array<i32>} : memref<128x128xf32, #tpu.memory_space<vmem>>, vector<16xf32>,
        tpu.vector_store %arg9[%swap3A_347, %swap3A_348], %mul3A_346 {strides = array<i32>} : memref<128x128xf32, #tpu.memory_space<vmem>>, vector<16xf32>,
        %get3A_350 = arith.index_cast %add3A_314 : i32 to index
        %get3A_351 = arith.constant 64 : index
        %get3A_352 = tpu.vector_load %arg9[%get3A_350, %get3A_351] {strides = array<i32>} : memref<128x128xf32, #tpu.memory_space<vmem>>, vector<16xf32>,
        %mul3A_353 = arith.mulf %get3A_352, %bitcast3A_321 : vector<16xf32>
        %swap3A_354 = arith.index_cast %add3A_314 : i32 to index
        %swap3A_355 = arith.constant 64 : index
        %swap3A_356 = tpu.vector_load %arg9[%swap3A_354, %swap3A_355] {strides = array<i32>} : memref<128x128xf32, #tpu.memory_space<vmem>>, vector<16xf32>,
        tpu.vector_store %arg9[%swap3A_354, %swap3A_355], %mul3A_353 {strides = array<i32>} : memref<128x128xf32, #tpu.memory_space<vmem>>, vector<16xf32>,
        %get3A_357 = arith.index_cast %add3A_314 : i32 to index
        %get3A_358 = arith.constant 80 : index
        %get3A_359 = tpu.vector_load %arg9[%get3A_357, %get3A_358] {strides = array<i32>} : memref<128x128xf32, #tpu.memory_space<vmem>>, vector<16xf32>,
        %mul3A_360 = arith.mulf %get3A_359, %bitcast3A_321 : vector<16xf32>
        %swap3A_361 = arith.index_cast %add3A_314 : i32 to index
        %swap3A_362 = arith.constant 80 : index
        %swap3A_363 = tpu.vector_load %arg9[%swap3A_361, %swap3A_362] {strides = array<i32>} : memref<128x128xf32, #tpu.memory_space<vmem>>, vector<16xf32>,
        tpu.vector_store %arg9[%swap3A_361, %swap3A_362], %mul3A_360 {strides = array<i32>} : memref<128x128xf32, #tpu.memory_space<vmem>>, vector<16xf32>,
        %get3A_364 = arith.index_cast %add3A_314 : i32 to index
        %get3A_365 = arith.constant 96 : index
        %get3A_366 = tpu.vector_load %arg9[%get3A_364, %get3A_365] {strides = array<i32>} : memref<128x128xf32, #tpu.memory_space<vmem>>, vector<16xf32>,
        %mul3A_367 = arith.mulf %get3A_366, %bitcast3A_321 : vector<16xf32>
        %swap3A_368 = arith.index_cast %add3A_314 : i32 to index
        %swap3A_369 = arith.constant 96 : index
        %swap3A_370 = tpu.vector_load %arg9[%swap3A_368, %swap3A_369] {strides = array<i32>} : memref<128x128xf32, #tpu.memory_space<vmem>>, vector<16xf32>,
        tpu.vector_store %arg9[%swap3A_368, %swap3A_369], %mul3A_367 {strides = array<i32>} : memref<128x128xf32, #tpu.memory_space<vmem>>, vector<16xf32>,
        %get3A_371 = arith.index_cast %add3A_314 : i32 to index
        %get3A_372 = arith.constant 112 : index
        %get3A_373 = tpu.vector_load %arg9[%get3A_371, %get3A_372] {strides = array<i32>} : memref<128x128xf32, #tpu.memory_space<vmem>>, vector<16xf32>,
        %mul3A_374 = arith.mulf %get3A_373, %bitcast3A_321 : vector<16xf32>
        %swap3A_375 = arith.index_cast %add3A_314 : i32 to index
        %swap3A_376 = arith.constant 112 : index
        %swap3A_377 = tpu.vector_load %arg9[%swap3A_375, %swap3A_376] {strides = array<i32>} : memref<128x128xf32, #tpu.memory_space<vmem>>, vector<16xf32>,
        tpu.vector_store %arg9[%swap3A_375, %swap3A_376], %mul3A_374 {strides = array<i32>} : memref<128x128xf32, #tpu.memory_space<vmem>>, vector<16xf32>,
      }
      %scan3A_98 = arith.constant 32 : i32
      %run_scoped3A_99 = arith.constant 1 : i32
      "tpu.region"() ({
        %run_scoped3A_112 = tpu.sem_alloc : memref<!tpu.dma_semaphore, #tpu.memory_space<semaphore_mem>>
        %dma_start3A_113 = arith.constant 0 : i32
        %dma_start3A_114 = tpu.memref_slice %arg5[%run_scoped3A_99, %dma_start3A_113] : memref<3x128xi32, #tpu.memory_space<vmem>> -> memref<1x128xi32, #tpu.memory_space<vmem>>
        %dma_start3A_115 = tpu.memref_squeeze %dma_start3A_114 : memref<1x128xi32, #tpu.memory_space<vmem>> -> memref<128xi32, #tpu.memory_space<vmem>>
        %dma_start3A_116 = arith.constant 0 : i32
        %dma_start3A_117 = arith.constant 0 : i32
        %dma_start3A_118 = tpu.memref_slice %arg12[%dma_start3A_116, %dma_start3A_117] : memref<10240x128xf32, #tpu.memory_space<vmem_shared>> -> memref<10240x128xf32, #tpu.memory_space<vmem_shared>>
        tpu.enqueue_indirect_dma source(%arg9 : memref<128x128xf32, #tpu.memory_space<vmem>>) target(%dma_start3A_118 : memref<10240x128xf32, #tpu.memory_space<vmem_shared>>) offsets(%dma_start3A_115 : memref<128xi32, #tpu.memory_space<vmem>>) semaphore(%run_scoped3A_112 : memref<!tpu.dma_semaphore, #tpu.memory_space<semaphore_mem>>) {add = true}
        %dma_wait3A_119 = arith.constant 0 : i32
        %dma_wait3A_120 = tpu.memref_slice %arg5[%run_scoped3A_99, %dma_wait3A_119] : memref<3x128xi32, #tpu.memory_space<vmem>> -> memref<1x128xi32, #tpu.memory_space<vmem>>
        %dma_wait3A_121 = tpu.memref_squeeze %dma_wait3A_120 : memref<1x128xi32, #tpu.memory_space<vmem>> -> memref<128xi32, #tpu.memory_space<vmem>>
        %dma_wait3A_122 = arith.constant 0 : i32
        %dma_wait3A_123 = arith.constant 0 : i32
        %dma_wait3A_124 = tpu.memref_slice %arg12[%dma_wait3A_122, %dma_wait3A_123] : memref<10240x128xf32, #tpu.memory_space<vmem_shared>> -> memref<10240x128xf32, #tpu.memory_space<vmem_shared>>
        tpu.wait_indirect_dma semaphore(%run_scoped3A_112 : memref<!tpu.dma_semaphore, #tpu.memory_space<semaphore_mem>>) src(%arg9 : memref<128x128xf32, #tpu.memory_space<vmem>>) dst(%dma_wait3A_124 : memref<10240x128xf32, #tpu.memory_space<vmem_shared>>)
        tpu.yield
      }) : () -> ()
      %barrier3A_100 = arith.constant 0 : index
      tpu.barrier barrier_id(%barrier3A_100)
      %mul3A_101 = arith.constant 640 : i32
      %mul3A_102 = arith.muli %arg1, %mul3A_101 : i32
      %mul3A_103 = arith.constant 640 : i32
      %mul3A_104 = arith.muli %arg1, %mul3A_103 : i32
      "tpu.region"() ({
        %run_scoped3A_112 = tpu.sem_alloc : memref<!tpu.dma_semaphore, #tpu.memory_space<semaphore_mem>>
        %dma_start3A_113 = arith.constant 0 : i32
        %dma_start3A_114 = tpu.memref_slice %arg4[%arg0, %scan3A_18, %mul3A_104, %dma_start3A_113] : memref<2x12x10240x128xf32, #tpu.memory_space<hbm>> -> memref<1x1x640x128xf32, #tpu.memory_space<hbm>>
        %dma_start3A_115 = tpu.memref_squeeze %dma_start3A_114 : memref<1x1x640x128xf32, #tpu.memory_space<hbm>> -> memref<640x128xf32, #tpu.memory_space<hbm>>
        %dma_start3A_116 = arith.constant 0 : i32
        %dma_start3A_117 = tpu.memref_slice %arg12[%mul3A_102, %dma_start3A_116] : memref<10240x128xf32, #tpu.memory_space<vmem_shared>> -> memref<640x128xf32, #tpu.memory_space<vmem_shared>>
        tpu.enqueue_dma source(%dma_start3A_117 : memref<640x128xf32, #tpu.memory_space<vmem_shared>>) target(%dma_start3A_115 : memref<640x128xf32, #tpu.memory_space<hbm>>) target_semaphore(%run_scoped3A_112 : memref<!tpu.dma_semaphore, #tpu.memory_space<semaphore_mem>>)
        %dma_wait3A_118 = arith.constant 0 : i32
        %dma_wait3A_119 = tpu.memref_slice %arg4[%arg0, %scan3A_18, %mul3A_104, %dma_wait3A_118] : memref<2x12x10240x128xf32, #tpu.memory_space<hbm>> -> memref<1x1x640x128xf32, #tpu.memory_space<hbm>>
        %dma_wait3A_120 = tpu.memref_squeeze %dma_wait3A_119 : memref<1x1x640x128xf32, #tpu.memory_space<hbm>> -> memref<640x128xf32, #tpu.memory_space<hbm>>
        %dma_wait3A_121 = arith.constant 0 : i32
        %dma_wait3A_122 = tpu.memref_slice %arg12[%mul3A_102, %dma_wait3A_121] : memref<10240x128xf32, #tpu.memory_space<vmem_shared>> -> memref<640x128xf32, #tpu.memory_space<vmem_shared>>
        tpu.wait_dma2 semaphore(%run_scoped3A_112 : memref<!tpu.dma_semaphore, #tpu.memory_space<semaphore_mem>>) src(%dma_wait3A_122 : memref<640x128xf32, #tpu.memory_space<vmem_shared>>) dst(%dma_wait3A_120 : memref<640x128xf32, #tpu.memory_space<hbm>>)
        tpu.yield
      }) : () -> ()
      %scan3A_105 = arith.constant 0 : i32
      %scan3A_106 = arith.constant 0 : i32
      %scan3A_107 = arith.constant 20 : i32
      %scan3A_108 = arith.addi %scan3A_106, %scan3A_107 : i32
      %scan3A_109 = arith.constant 1 : i32
      scf.for %scan3A_112 = %scan3A_106 to %scan3A_108 step %scan3A_109  : i32 {
        %mul3A_113 = arith.constant 640 : i32
        %mul3A_114 = arith.muli %arg1, %mul3A_113 : i32
        %mul3A_115 = arith.constant 32 : i32
        %mul3A_116 = arith.muli %scan3A_112, %mul3A_115 : i32
        %add3A_117 = arith.addi %mul3A_114, %mul3A_116 : i32
        "tpu.region"() ({
          %run_scoped3A_118 = tpu.sem_alloc : memref<!tpu.dma_semaphore, #tpu.memory_space<semaphore_mem>>
          %dma_start3A_119 = arith.constant 0 : i32
          %dma_start3A_120 = tpu.memref_slice %arg12[%add3A_117, %dma_start3A_119] : memref<10240x128xf32, #tpu.memory_space<vmem_shared>> -> memref<32x128xf32, #tpu.memory_space<vmem_shared>>
          %dma_start3A_121 = arith.constant 0 : i32
          %dma_start3A_122 = tpu.memref_slice %arg12[%add3A_117, %dma_start3A_121] : memref<10240x128xf32, #tpu.memory_space<vmem_shared>> -> memref<32x128xf32, #tpu.memory_space<vmem_shared>>
          tpu.enqueue_dma source(%arg11 : memref<32x128xf32, #tpu.memory_space<vmem>>) target(%dma_start3A_122 : memref<32x128xf32, #tpu.memory_space<vmem_shared>>) target_semaphore(%run_scoped3A_118 : memref<!tpu.dma_semaphore, #tpu.memory_space<semaphore_mem>>)
          %dma_wait3A_123 = arith.constant 0 : i32
          %dma_wait3A_124 = tpu.memref_slice %arg12[%add3A_117, %dma_wait3A_123] : memref<10240x128xf32, #tpu.memory_space<vmem_shared>> -> memref<32x128xf32, #tpu.memory_space<vmem_shared>>
          %dma_wait3A_125 = arith.constant 0 : i32
          %dma_wait3A_126 = tpu.memref_slice %arg12[%add3A_117, %dma_wait3A_125] : memref<10240x128xf32, #tpu.memory_space<vmem_shared>> -> memref<32x128xf32, #tpu.memory_space<vmem_shared>>
          tpu.wait_dma2 semaphore(%run_scoped3A_118 : memref<!tpu.dma_semaphore, #tpu.memory_space<semaphore_mem>>) src(%arg11 : memref<32x128xf32, #tpu.memory_space<vmem>>) dst(%dma_wait3A_126 : memref<32x128xf32, #tpu.memory_space<vmem_shared>>)
          tpu.yield
        }) : () -> ()
      }
      %scan3A_110 = arith.constant 20 : i32
      %barrier3A_111 = arith.constant 0 : index
      tpu.barrier barrier_id(%barrier3A_111)
    }
    %scan3A_17 = arith.constant 12 : i32
    return
  }
}

#map = affine_map<(d0, d1) -> (0, 0, 0)>
#map1 = affine_map<(d0, d1) -> (0)>
module attributes {stable_mosaic.version = 14 : i64} {
  func.func @_deg_body(%arg0: i32, %arg1: i32, %arg2: memref<32x79x128xi32, #tpu.memory_space<hbm>>, %arg3: memref<323584xf32, #tpu.memory_space<hbm>>, %arg4: memref<2x10240x16xf32, #tpu.memory_space<hbm>>, %arg5: memref<79x128xi32, #tpu.memory_space<vmem>>, %arg6: memref<10112xf32, #tpu.memory_space<vmem>>, %arg7: memref<128x16xf32, #tpu.memory_space<vmem>>, %arg8: memref<10240x16xf32, #tpu.memory_space<vmem_shared>>, %arg9: memref<!tpu.dma_semaphore, #tpu.memory_space<semaphore_mem>>) attributes {dimension_semantics = [#tpu.dimension_semantics<core_parallel>, #tpu.dimension_semantics<subcore_parallel>], iteration_bounds = array<i64: 2, 16>, scalar_prefetch = 0 : i64, scratch_operands = 5 : i64, tpu.core_type = #tpu.core_type<sc_vector_subcore>, window_params = [{transform_indices = #map}, {transform_indices = #map1}, {transform_indices = #map}]} {
    %mul3A = arith.constant 16 : i32
    %mul3A_0 = arith.muli %arg0, %mul3A : i32
    %add3A = arith.addi %mul3A_0, %arg1 : i32
    "tpu.region"() ({
      %run_scoped3A = tpu.sem_alloc : memref<!tpu.dma_semaphore, #tpu.memory_space<semaphore_mem>>
      %dma_start3A = arith.constant 0 : i32
      %dma_start3A_25 = arith.constant 0 : i32
      %dma_start3A_26 = tpu.memref_slice %arg2[%add3A, %dma_start3A, %dma_start3A_25] : memref<32x79x128xi32, #tpu.memory_space<hbm>> -> memref<1x79x128xi32, #tpu.memory_space<hbm>>
      %dma_start3A_27 = tpu.memref_squeeze %dma_start3A_26 : memref<1x79x128xi32, #tpu.memory_space<hbm>> -> memref<79x128xi32, #tpu.memory_space<hbm>>
      %dma_start3A_28 = arith.constant 0 : i32
      %dma_start3A_29 = arith.constant 0 : i32
      %dma_start3A_30 = tpu.memref_slice %arg2[%add3A, %dma_start3A_28, %dma_start3A_29] : memref<32x79x128xi32, #tpu.memory_space<hbm>> -> memref<1x79x128xi32, #tpu.memory_space<hbm>>
      %dma_start3A_31 = tpu.memref_squeeze %dma_start3A_30 : memref<1x79x128xi32, #tpu.memory_space<hbm>> -> memref<79x128xi32, #tpu.memory_space<hbm>>
      tpu.enqueue_dma source(%dma_start3A_31 : memref<79x128xi32, #tpu.memory_space<hbm>>) target(%arg5 : memref<79x128xi32, #tpu.memory_space<vmem>>) target_semaphore(%run_scoped3A : memref<!tpu.dma_semaphore, #tpu.memory_space<semaphore_mem>>)
      %dma_wait3A = arith.constant 0 : i32
      %dma_wait3A_32 = arith.constant 0 : i32
      %dma_wait3A_33 = tpu.memref_slice %arg2[%add3A, %dma_wait3A, %dma_wait3A_32] : memref<32x79x128xi32, #tpu.memory_space<hbm>> -> memref<1x79x128xi32, #tpu.memory_space<hbm>>
      %dma_wait3A_34 = tpu.memref_squeeze %dma_wait3A_33 : memref<1x79x128xi32, #tpu.memory_space<hbm>> -> memref<79x128xi32, #tpu.memory_space<hbm>>
      %dma_wait3A_35 = arith.constant 0 : i32
      %dma_wait3A_36 = arith.constant 0 : i32
      %dma_wait3A_37 = tpu.memref_slice %arg2[%add3A, %dma_wait3A_35, %dma_wait3A_36] : memref<32x79x128xi32, #tpu.memory_space<hbm>> -> memref<1x79x128xi32, #tpu.memory_space<hbm>>
      %dma_wait3A_38 = tpu.memref_squeeze %dma_wait3A_37 : memref<1x79x128xi32, #tpu.memory_space<hbm>> -> memref<79x128xi32, #tpu.memory_space<hbm>>
      tpu.wait_dma2 semaphore(%run_scoped3A : memref<!tpu.dma_semaphore, #tpu.memory_space<semaphore_mem>>) src(%dma_wait3A_38 : memref<79x128xi32, #tpu.memory_space<hbm>>) dst(%arg5 : memref<79x128xi32, #tpu.memory_space<vmem>>)
      tpu.yield
    }) : () -> ()
    %mul3A_1 = arith.constant 10112 : i32
    %mul3A_2 = arith.muli %add3A, %mul3A_1 : i32
    "tpu.region"() ({
      %run_scoped3A = tpu.sem_alloc : memref<!tpu.dma_semaphore, #tpu.memory_space<semaphore_mem>>
      %dma_start3A = tpu.memref_slice %arg3[%mul3A_2] : memref<323584xf32, #tpu.memory_space<hbm>> -> memref<10112xf32, #tpu.memory_space<hbm>>
      %dma_start3A_25 = tpu.memref_slice %arg3[%mul3A_2] : memref<323584xf32, #tpu.memory_space<hbm>> -> memref<10112xf32, #tpu.memory_space<hbm>>
      tpu.enqueue_dma source(%dma_start3A_25 : memref<10112xf32, #tpu.memory_space<hbm>>) target(%arg6 : memref<10112xf32, #tpu.memory_space<vmem>>) target_semaphore(%run_scoped3A : memref<!tpu.dma_semaphore, #tpu.memory_space<semaphore_mem>>)
      %dma_wait3A = tpu.memref_slice %arg3[%mul3A_2] : memref<323584xf32, #tpu.memory_space<hbm>> -> memref<10112xf32, #tpu.memory_space<hbm>>
      %dma_wait3A_26 = tpu.memref_slice %arg3[%mul3A_2] : memref<323584xf32, #tpu.memory_space<hbm>> -> memref<10112xf32, #tpu.memory_space<hbm>>
      tpu.wait_dma2 semaphore(%run_scoped3A : memref<!tpu.dma_semaphore, #tpu.memory_space<semaphore_mem>>) src(%dma_wait3A_26 : memref<10112xf32, #tpu.memory_space<hbm>>) dst(%arg6 : memref<10112xf32, #tpu.memory_space<vmem>>)
      tpu.yield
    }) : () -> ()
    %scan3A = arith.constant 0 : i32
    %scan3A_3 = arith.constant 0 : i32
    %scan3A_4 = arith.constant 128 : i32
    %scan3A_5 = arith.addi %scan3A_3, %scan3A_4 : i32
    %scan3A_6 = arith.constant 1 : i32
    scf.for %scan3A_25 = %scan3A_3 to %scan3A_5 step %scan3A_6  : i32 {
      %broadcast_in_dim3A = arith.constant 0.000000e+00 : f32
      %broadcast_in_dim3A_26 = vector.broadcast %broadcast_in_dim3A : f32 to vector<16xf32>
      %swap3A = arith.index_cast %scan3A_25 : i32 to index
      %swap3A_27 = arith.constant 0 : index
      %swap3A_28 = tpu.vector_load %arg7[%swap3A, %swap3A_27] {strides = array<i32>} : memref<128x16xf32, #tpu.memory_space<vmem>>, vector<16xf32>,
      tpu.vector_store %arg7[%swap3A, %swap3A_27], %broadcast_in_dim3A_26 {strides = array<i32>} : memref<128x16xf32, #tpu.memory_space<vmem>>, vector<16xf32>,
    }
    %scan3A_7 = arith.constant 128 : i32
    %scan3A_8 = arith.constant 0 : i32
    %scan3A_9 = arith.constant 0 : i32
    %scan3A_10 = arith.constant 5 : i32
    %scan3A_11 = arith.addi %scan3A_9, %scan3A_10 : i32
    %scan3A_12 = arith.constant 1 : i32
    scf.for %scan3A_25 = %scan3A_9 to %scan3A_11 step %scan3A_12  : i32 {
      %mul3A_26 = arith.constant 640 : i32
      %mul3A_27 = arith.muli %arg1, %mul3A_26 : i32
      %mul3A_28 = arith.constant 128 : i32
      %mul3A_29 = arith.muli %scan3A_25, %mul3A_28 : i32
      %add3A_30 = arith.addi %mul3A_27, %mul3A_29 : i32
      "tpu.region"() ({
        %run_scoped3A = tpu.sem_alloc : memref<!tpu.dma_semaphore, #tpu.memory_space<semaphore_mem>>
        %dma_start3A = arith.constant 0 : i32
        %dma_start3A_31 = tpu.memref_slice %arg8[%add3A_30, %dma_start3A] : memref<10240x16xf32, #tpu.memory_space<vmem_shared>> -> memref<128x16xf32, #tpu.memory_space<vmem_shared>>
        %dma_start3A_32 = arith.constant 0 : i32
        %dma_start3A_33 = tpu.memref_slice %arg8[%add3A_30, %dma_start3A_32] : memref<10240x16xf32, #tpu.memory_space<vmem_shared>> -> memref<128x16xf32, #tpu.memory_space<vmem_shared>>
        tpu.enqueue_dma source(%arg7 : memref<128x16xf32, #tpu.memory_space<vmem>>) target(%dma_start3A_33 : memref<128x16xf32, #tpu.memory_space<vmem_shared>>) target_semaphore(%run_scoped3A : memref<!tpu.dma_semaphore, #tpu.memory_space<semaphore_mem>>)
        %dma_wait3A = arith.constant 0 : i32
        %dma_wait3A_34 = tpu.memref_slice %arg8[%add3A_30, %dma_wait3A] : memref<10240x16xf32, #tpu.memory_space<vmem_shared>> -> memref<128x16xf32, #tpu.memory_space<vmem_shared>>
        %dma_wait3A_35 = arith.constant 0 : i32
        %dma_wait3A_36 = tpu.memref_slice %arg8[%add3A_30, %dma_wait3A_35] : memref<10240x16xf32, #tpu.memory_space<vmem_shared>> -> memref<128x16xf32, #tpu.memory_space<vmem_shared>>
        tpu.wait_dma2 semaphore(%run_scoped3A : memref<!tpu.dma_semaphore, #tpu.memory_space<semaphore_mem>>) src(%arg7 : memref<128x16xf32, #tpu.memory_space<vmem>>) dst(%dma_wait3A_36 : memref<128x16xf32, #tpu.memory_space<vmem_shared>>)
        tpu.yield
      }) : () -> ()
    }
    %scan3A_13 = arith.constant 5 : i32
    %barrier3A = arith.constant 0 : index
    tpu.barrier barrier_id(%barrier3A)
    %scan3A_14 = arith.constant 0 : i32
    %scan3A_15 = arith.constant 0 : i32
    %scan3A_16 = arith.constant 79 : i32
    %scan3A_17 = arith.addi %scan3A_15, %scan3A_16 : i32
    %scan3A_18 = arith.constant 1 : i32
    scf.for %scan3A_25 = %scan3A_15 to %scan3A_17 step %scan3A_18  : i32 {
      %scan3A_26 = arith.constant 0 : i32
      %scan3A_27 = arith.constant 0 : i32
      %scan3A_28 = arith.constant 128 : i32
      %scan3A_29 = arith.addi %scan3A_27, %scan3A_28 : i32
      %scan3A_30 = arith.constant 1 : i32
      scf.for %scan3A_32 = %scan3A_27 to %scan3A_29 step %scan3A_30  : i32 {
        %mul3A_33 = arith.constant 128 : i32
        %mul3A_34 = arith.muli %scan3A_25, %mul3A_33 : i32
        %add3A_35 = arith.addi %mul3A_34, %scan3A_32 : i32
        %broadcast_in_dim3A = vector.broadcast %add3A_35 : i32 to vector<16xi32>
        %gather3A = tpu.vector_load_idx %arg6[%broadcast_in_dim3A] : memref<10112xf32, #tpu.memory_space<vmem>>[vector<16xi32>], vector<16xf32>,
        %swap3A = arith.index_cast %scan3A_32 : i32 to index
        %swap3A_36 = arith.constant 0 : index
        %swap3A_37 = tpu.vector_load %arg7[%swap3A, %swap3A_36] {strides = array<i32>} : memref<128x16xf32, #tpu.memory_space<vmem>>, vector<16xf32>,
        tpu.vector_store %arg7[%swap3A, %swap3A_36], %gather3A {strides = array<i32>} : memref<128x16xf32, #tpu.memory_space<vmem>>, vector<16xf32>,
      }
      %scan3A_31 = arith.constant 128 : i32
      "tpu.region"() ({
        %run_scoped3A = tpu.sem_alloc : memref<!tpu.dma_semaphore, #tpu.memory_space<semaphore_mem>>
        %dma_start3A = arith.constant 0 : i32
        %dma_start3A_32 = tpu.memref_slice %arg5[%scan3A_25, %dma_start3A] : memref<79x128xi32, #tpu.memory_space<vmem>> -> memref<1x128xi32, #tpu.memory_space<vmem>>
        %dma_start3A_33 = tpu.memref_squeeze %dma_start3A_32 : memref<1x128xi32, #tpu.memory_space<vmem>> -> memref<128xi32, #tpu.memory_space<vmem>>
        %dma_start3A_34 = arith.constant 0 : i32
        %dma_start3A_35 = arith.constant 0 : i32
        %dma_start3A_36 = tpu.memref_slice %arg8[%dma_start3A_34, %dma_start3A_35] : memref<10240x16xf32, #tpu.memory_space<vmem_shared>> -> memref<10240x16xf32, #tpu.memory_space<vmem_shared>>
        tpu.enqueue_indirect_dma source(%arg7 : memref<128x16xf32, #tpu.memory_space<vmem>>) target(%dma_start3A_36 : memref<10240x16xf32, #tpu.memory_space<vmem_shared>>) offsets(%dma_start3A_33 : memref<128xi32, #tpu.memory_space<vmem>>) semaphore(%run_scoped3A : memref<!tpu.dma_semaphore, #tpu.memory_space<semaphore_mem>>) {add = true}
        %dma_wait3A = arith.constant 0 : i32
        %dma_wait3A_37 = tpu.memref_slice %arg5[%scan3A_25, %dma_wait3A] : memref<79x128xi32, #tpu.memory_space<vmem>> -> memref<1x128xi32, #tpu.memory_space<vmem>>
        %dma_wait3A_38 = tpu.memref_squeeze %dma_wait3A_37 : memref<1x128xi32, #tpu.memory_space<vmem>> -> memref<128xi32, #tpu.memory_space<vmem>>
        %dma_wait3A_39 = arith.constant 0 : i32
        %dma_wait3A_40 = arith.constant 0 : i32
        %dma_wait3A_41 = tpu.memref_slice %arg8[%dma_wait3A_39, %dma_wait3A_40] : memref<10240x16xf32, #tpu.memory_space<vmem_shared>> -> memref<10240x16xf32, #tpu.memory_space<vmem_shared>>
        tpu.wait_indirect_dma semaphore(%run_scoped3A : memref<!tpu.dma_semaphore, #tpu.memory_space<semaphore_mem>>) src(%arg7 : memref<128x16xf32, #tpu.memory_space<vmem>>) dst(%dma_wait3A_41 : memref<10240x16xf32, #tpu.memory_space<vmem_shared>>)
        tpu.yield
      }) : () -> ()
    }
    %scan3A_19 = arith.constant 79 : i32
    %barrier3A_20 = arith.constant 0 : index
    tpu.barrier barrier_id(%barrier3A_20)
    %mul3A_21 = arith.constant 640 : i32
    %mul3A_22 = arith.muli %arg1, %mul3A_21 : i32
    %mul3A_23 = arith.constant 640 : i32
    %mul3A_24 = arith.muli %arg1, %mul3A_23 : i32
    "tpu.region"() ({
      %run_scoped3A = tpu.sem_alloc : memref<!tpu.dma_semaphore, #tpu.memory_space<semaphore_mem>>
      %dma_start3A = arith.constant 0 : i32
      %dma_start3A_25 = tpu.memref_slice %arg4[%arg0, %mul3A_24, %dma_start3A] : memref<2x10240x16xf32, #tpu.memory_space<hbm>> -> memref<1x640x16xf32, #tpu.memory_space<hbm>>
      %dma_start3A_26 = tpu.memref_squeeze %dma_start3A_25 : memref<1x640x16xf32, #tpu.memory_space<hbm>> -> memref<640x16xf32, #tpu.memory_space<hbm>>
      %dma_start3A_27 = arith.constant 0 : i32
      %dma_start3A_28 = tpu.memref_slice %arg8[%mul3A_22, %dma_start3A_27] : memref<10240x16xf32, #tpu.memory_space<vmem_shared>> -> memref<640x16xf32, #tpu.memory_space<vmem_shared>>
      tpu.enqueue_dma source(%dma_start3A_28 : memref<640x16xf32, #tpu.memory_space<vmem_shared>>) target(%dma_start3A_26 : memref<640x16xf32, #tpu.memory_space<hbm>>) target_semaphore(%run_scoped3A : memref<!tpu.dma_semaphore, #tpu.memory_space<semaphore_mem>>)
      %dma_wait3A = arith.constant 0 : i32
      %dma_wait3A_29 = tpu.memref_slice %arg4[%arg0, %mul3A_24, %dma_wait3A] : memref<2x10240x16xf32, #tpu.memory_space<hbm>> -> memref<1x640x16xf32, #tpu.memory_space<hbm>>
      %dma_wait3A_30 = tpu.memref_squeeze %dma_wait3A_29 : memref<1x640x16xf32, #tpu.memory_space<hbm>> -> memref<640x16xf32, #tpu.memory_space<hbm>>
      %dma_wait3A_31 = arith.constant 0 : i32
      %dma_wait3A_32 = tpu.memref_slice %arg8[%mul3A_22, %dma_wait3A_31] : memref<10240x16xf32, #tpu.memory_space<vmem_shared>> -> memref<640x16xf32, #tpu.memory_space<vmem_shared>>
      tpu.wait_dma2 semaphore(%run_scoped3A : memref<!tpu.dma_semaphore, #tpu.memory_space<semaphore_mem>>) src(%dma_wait3A_32 : memref<640x16xf32, #tpu.memory_space<vmem_shared>>) dst(%dma_wait3A_30 : memref<640x16xf32, #tpu.memory_space<hbm>>)
      tpu.yield
    }) : () -> ()
    return
  }
}

module attributes {stable_mosaic.version = 14 : i64} {
  func.func @_softmax_body(%arg0: memref<2500x128xf32, #tpu.memory_space<vmem>>, %arg1: memref<2500x128xf32, #tpu.memory_space<vmem>>) attributes {dimension_semantics = [], scalar_prefetch = 0 : i64, scratch_operands = 0 : i64, tpu.core_type = #tpu.core_type<tc>} {
    %get3A = arith.constant 0 : index
    %get3A_0 = arith.constant 0 : index
    %get3A_1 = vector.load %arg0[%get3A, %get3A_0] : memref<2500x128xf32, #tpu.memory_space<vmem>>, vector<2500x128xf32>
    %reduce_max3A = vector.shape_cast %get3A_1 : vector<2500x128xf32> to vector<1x2500x128xf32>
    %reduce_max3A_2 = arith.constant dense<0xFF800000> : vector<1xf32>
    %reduce_max3A_3 = vector.multi_reduction <maximumf>, %reduce_max3A, %reduce_max3A_2 [1, 2] : vector<1x2500x128xf32> to vector<1xf32>
    %reduce_max3A_4 = vector.shape_cast %reduce_max3A_3 : vector<1xf32> to vector<1x1x1xf32>
    %reduce_max3A_5 = vector.extract %reduce_max3A_4[0, 0, 0] : f32 from vector<1x1x1xf32>
    %sub3A = vector.broadcast %reduce_max3A_5 : f32 to vector<2500x128xf32>
    %sub3A_6 = arith.subf %get3A_1, %sub3A : vector<2500x128xf32>
    %exp3A = math.exp %sub3A_6 : vector<2500x128xf32>
    %reduce_sum3A = vector.shape_cast %exp3A : vector<2500x128xf32> to vector<1x2500x128xf32>
    %reduce_sum3A_7 = arith.constant dense<0.000000e+00> : vector<1xf32>
    %reduce_sum3A_8 = vector.multi_reduction <add>, %reduce_sum3A, %reduce_sum3A_7 [1, 2] : vector<1x2500x128xf32> to vector<1xf32>
    %reduce_sum3A_9 = vector.shape_cast %reduce_sum3A_8 : vector<1xf32> to vector<1x1x1xf32>
    %reduce_sum3A_10 = vector.extract %reduce_sum3A_9[0, 0, 0] : f32 from vector<1x1x1xf32>
    %div3A = vector.broadcast %reduce_sum3A_10 : f32 to vector<2500x128xf32>
    %div3A_11 = arith.divf %exp3A, %div3A : vector<2500x128xf32>
    %swap3A = arith.constant 0 : index
    %swap3A_12 = arith.constant 0 : index
    %swap3A_13 = vector.load %arg1[%swap3A, %swap3A_12] : memref<2500x128xf32, #tpu.memory_space<vmem>>, vector<2500x128xf32>
    tpu.vector_store %arg1[%swap3A, %swap3A_12], %div3A_11 {strides = array<i32>} : memref<2500x128xf32, #tpu.memory_space<vmem>>, vector<2500x128xf32>,
    return
  }
}

module attributes {stable_mosaic.version = 14 : i64} {
  func.func @_dis_body(%arg0: memref<2x10240x16xf32, #tpu.memory_space<vmem>>, %arg1: memref<80x128xf32, #tpu.memory_space<vmem>>) attributes {dimension_semantics = [], scalar_prefetch = 0 : i64, scratch_operands = 0 : i64, tpu.core_type = #tpu.core_type<tc>} {
    %get3A = arith.constant 0 : index
    %get3A_0 = arith.constant 0 : index
    %get3A_1 = arith.constant 0 : index
    %get3A_2 = vector.load %arg0[%get3A, %get3A_0, %get3A_1] : memref<2x10240x16xf32, #tpu.memory_space<vmem>>, vector<1x10240x1xf32>
    %get3A_3 = vector.shape_cast %get3A_2 : vector<1x10240x1xf32> to vector<10240xf32>
    %get3A_4 = arith.constant 1 : index
    %get3A_5 = arith.constant 0 : index
    %get3A_6 = arith.constant 0 : index
    %get3A_7 = vector.load %arg0[%get3A_4, %get3A_5, %get3A_6] : memref<2x10240x16xf32, #tpu.memory_space<vmem>>, vector<1x10240x1xf32>
    %get3A_8 = vector.shape_cast %get3A_7 : vector<1x10240x1xf32> to vector<10240xf32>
    %add3A = arith.addf %get3A_3, %get3A_8 : vector<10240xf32>
    %reshape3A = vector.shape_cast %add3A : vector<10240xf32> to vector<80x128xf32>
    %add3A_9 = arith.constant 1.000000e+00 : f32
    %add3A_10 = vector.broadcast %add3A_9 : f32 to vector<80x128xf32>
    %add3A_11 = arith.addf %reshape3A, %add3A_10 : vector<80x128xf32>
    %rsqrt3A = math.rsqrt %add3A_11 : vector<80x128xf32>
    %swap3A = arith.constant 0 : index
    %swap3A_12 = arith.constant 0 : index
    %swap3A_13 = vector.load %arg1[%swap3A, %swap3A_12] : memref<80x128xf32, #tpu.memory_space<vmem>>, vector<80x128xf32>
    tpu.vector_store %arg1[%swap3A, %swap3A_12], %rsqrt3A {strides = array<i32>} : memref<80x128xf32, #tpu.memory_space<vmem>>, vector<80x128xf32>,
    return
  }
}

module attributes {stable_mosaic.version = 14 : i64} {
  func.func @_stage1_body(%arg0: i32, %arg1: memref<12x256x128xf32, #tpu.memory_space<vmem>>, %arg2: memref<128x128x3xf32, #tpu.memory_space<vmem>>, %arg3: memref<128xf32, #tpu.memory_space<vmem>>, %arg4: memref<128xf32, #tpu.memory_space<vmem>>, %arg5: memref<128xf32, #tpu.memory_space<vmem>>, %arg6: memref<1x1x256xf32, #tpu.memory_space<vmem>>, %arg7: memref<12x256x128xf32, #tpu.memory_space<vmem>>) attributes {dimension_semantics = [#tpu.dimension_semantics<arbitrary>], iteration_bounds = array<i64: 40>, scalar_prefetch = 0 : i64, scratch_operands = 0 : i64, tpu.core_type = #tpu.core_type<tc>, window_params = [{transform_indices = @transform_0, window_bounds = array<i64: 12, 256, 128>}, {pipeline_mode = #tpu.pipeline_mode<synchronous>, transform_indices = @transform_1, window_bounds = array<i64: 128, 128, 3>}, {pipeline_mode = #tpu.pipeline_mode<synchronous>, transform_indices = @transform_2, window_bounds = array<i64: 128>}, {pipeline_mode = #tpu.pipeline_mode<synchronous>, transform_indices = @transform_3, window_bounds = array<i64: 128>}, {pipeline_mode = #tpu.pipeline_mode<synchronous>, transform_indices = @transform_4, window_bounds = array<i64: 128>}, {transform_indices = @transform_5, window_bounds = array<i64: 1, 1, 256>}, {transform_indices = @transform_6, window_bounds = array<i64: 12, 256, 128>}]} {
    %get3A = arith.constant 0 : index
    %get3A_0 = arith.constant 0 : index
    %get3A_1 = arith.constant 0 : index
    %get3A_2 = vector.load %arg1[%get3A, %get3A_0, %get3A_1] : memref<12x256x128xf32, #tpu.memory_space<vmem>>, vector<12x256x128xf32>
    %get3A_3 = arith.constant 0 : index
    %get3A_4 = arith.constant 0 : index
    %get3A_5 = arith.constant 0 : index
    %get3A_6 = vector.load %arg2[%get3A_3, %get3A_4, %get3A_5] : memref<128x128x3xf32, #tpu.memory_space<vmem>>, vector<128x128x3xf32>
    %reshape3A = vector.shape_cast %get3A_2 : vector<12x256x128xf32> to vector<3072x128xf32>
    %slice3A = vector.extract_strided_slice %get3A_6 {offsets = [0, 0, 1], sizes = [128, 128, 1], strides = [1, 1, 1]} : vector<128x128x3xf32> to vector<128x128x1xf32>
    %squeeze3A = vector.shape_cast %slice3A : vector<128x128x1xf32> to vector<128x128xf32>
    %dot_general3A = arith.constant dense<0.000000e+00> : vector<3072x128xf32>
    %dot_general3A_7 = tpu.matmul %reshape3A, %squeeze3A, %dot_general3A {dimension_numbers = #tpu.dot_dimension_numbers<[1], [1], [0], [0], [0, 0, 1, 0], [], []>, precision = #tpu.contract_precision<fp32>, transpose_lhs_hint = false} : vector<3072x128xf32>, vector<128x128xf32>, vector<3072x128xf32> -> vector<3072x128xf32>
    %reshape3A_8 = vector.shape_cast %dot_general3A_7 : vector<3072x128xf32> to vector<12x256x128xf32>
    %slice3A_9 = vector.extract_strided_slice %get3A_6 {offsets = [0, 0, 0], sizes = [128, 128, 1], strides = [1, 1, 1]} : vector<128x128x3xf32> to vector<128x128x1xf32>
    %squeeze3A_10 = vector.shape_cast %slice3A_9 : vector<128x128x1xf32> to vector<128x128xf32>
    %dot_general3A_11 = arith.constant dense<0.000000e+00> : vector<3072x128xf32>
    %dot_general3A_12 = tpu.matmul %reshape3A, %squeeze3A_10, %dot_general3A_11 {dimension_numbers = #tpu.dot_dimension_numbers<[1], [1], [0], [0], [0, 0, 1, 0], [], []>, precision = #tpu.contract_precision<fp32>, transpose_lhs_hint = false} : vector<3072x128xf32>, vector<128x128xf32>, vector<3072x128xf32> -> vector<3072x128xf32>
    %reshape3A_13 = vector.shape_cast %dot_general3A_12 : vector<3072x128xf32> to vector<12x256x128xf32>
    %slice3A_14 = vector.extract_strided_slice %get3A_6 {offsets = [0, 0, 2], sizes = [128, 128, 1], strides = [1, 1, 1]} : vector<128x128x3xf32> to vector<128x128x1xf32>
    %squeeze3A_15 = vector.shape_cast %slice3A_14 : vector<128x128x1xf32> to vector<128x128xf32>
    %dot_general3A_16 = arith.constant dense<0.000000e+00> : vector<3072x128xf32>
    %dot_general3A_17 = tpu.matmul %reshape3A, %squeeze3A_15, %dot_general3A_16 {dimension_numbers = #tpu.dot_dimension_numbers<[1], [1], [0], [0], [0, 0, 1, 0], [], []>, precision = #tpu.contract_precision<fp32>, transpose_lhs_hint = false} : vector<3072x128xf32>, vector<128x128xf32>, vector<3072x128xf32> -> vector<3072x128xf32>
    %reshape3A_18 = vector.shape_cast %dot_general3A_17 : vector<3072x128xf32> to vector<12x256x128xf32>
    %broadcast_in_dim3A = arith.constant 0.000000e+00 : f32
    %broadcast_in_dim3A_19 = vector.broadcast %broadcast_in_dim3A : f32 to vector<1x256x128xf32>
    %slice3A_20 = vector.extract_strided_slice %reshape3A_13 {offsets = [0, 0, 0], sizes = [11, 256, 128], strides = [1, 1, 1]} : vector<12x256x128xf32> to vector<11x256x128xf32>
    %concatenate3A = tpu.concatenate %broadcast_in_dim3A_19, %slice3A_20 in 0 : vector<1x256x128xf32>, vector<11x256x128xf32> -> vector<12x256x128xf32>
    %add3A = arith.addf %reshape3A_8, %concatenate3A : vector<12x256x128xf32>
    %slice3A_21 = vector.extract_strided_slice %reshape3A_18 {offsets = [1, 0, 0], sizes = [11, 256, 128], strides = [1, 1, 1]} : vector<12x256x128xf32> to vector<11x256x128xf32>
    %concatenate3A_22 = tpu.concatenate %slice3A_21, %broadcast_in_dim3A_19 in 0 : vector<11x256x128xf32>, vector<1x256x128xf32> -> vector<12x256x128xf32>
    %add3A_23 = arith.addf %add3A, %concatenate3A_22 : vector<12x256x128xf32>
    %get3A_24 = arith.constant 0 : index
    %get3A_25 = vector.load %arg3[%get3A_24] : memref<128xf32, #tpu.memory_space<vmem>>, vector<128xf32>
    %broadcast_in_dim3A_26 = vector.shape_cast %get3A_25 : vector<128xf32> to vector<1x1x128xf32>
    %add3A_27 = vector.broadcast %broadcast_in_dim3A_26 : vector<1x1x128xf32> to vector<12x256x128xf32>
    %add3A_28 = arith.addf %add3A_23, %add3A_27 : vector<12x256x128xf32>
    %jit3A = arith.constant -1.000000e+01 : f32
    %jit3A_29 = arith.constant 1.000000e+01 : f32
    %max3A = vector.broadcast %jit3A : f32 to vector<12x256x128xf32>
    %max3A_30 = arith.maximumf %max3A, %add3A_28 : vector<12x256x128xf32>
    %min3A = vector.broadcast %jit3A_29 : f32 to vector<12x256x128xf32>
    %min3A_31 = arith.minimumf %min3A, %max3A_30 : vector<12x256x128xf32>
    %reduce_sum3A = arith.constant dense<0.000000e+00> : vector<256x128xf32>
    %reduce_sum3A_32 = vector.multi_reduction <add>, %min3A_31, %reduce_sum3A [0] : vector<12x256x128xf32> to vector<256x128xf32>
    %broadcast_in_dim3A_33 = vector.shape_cast %reduce_sum3A_32 : vector<256x128xf32> to vector<1x256x128xf32>
    %div3A = arith.constant 1.200000e+01 : f32
    %div3A_34 = vector.broadcast %div3A : f32 to vector<1x256x128xf32>
    %div3A_35 = arith.divf %broadcast_in_dim3A_33, %div3A_34 : vector<1x256x128xf32>
    %sub3A = vector.broadcast %div3A_35 : vector<1x256x128xf32> to vector<12x256x128xf32>
    %sub3A_36 = arith.subf %min3A_31, %sub3A : vector<12x256x128xf32>
    %integer_pow3A = arith.mulf %sub3A_36, %sub3A_36 : vector<12x256x128xf32>
    %reduce_sum3A_37 = arith.constant dense<0.000000e+00> : vector<256x128xf32>
    %reduce_sum3A_38 = vector.multi_reduction <add>, %integer_pow3A, %reduce_sum3A_37 [0] : vector<12x256x128xf32> to vector<256x128xf32>
    %broadcast_in_dim3A_39 = vector.shape_cast %reduce_sum3A_38 : vector<256x128xf32> to vector<1x256x128xf32>
    %div3A_40 = arith.constant 1.200000e+01 : f32
    %div3A_41 = vector.broadcast %div3A_40 : f32 to vector<1x256x128xf32>
    %div3A_42 = arith.divf %broadcast_in_dim3A_39, %div3A_41 : vector<1x256x128xf32>
    %sub3A_43 = vector.broadcast %div3A_35 : vector<1x256x128xf32> to vector<12x256x128xf32>
    %sub3A_44 = arith.subf %min3A_31, %sub3A_43 : vector<12x256x128xf32>
    %add3A_45 = arith.constant 9.99999974E-6 : f32
    %add3A_46 = vector.broadcast %add3A_45 : f32 to vector<1x256x128xf32>
    %add3A_47 = arith.addf %div3A_42, %add3A_46 : vector<1x256x128xf32>
    %rsqrt3A = math.rsqrt %add3A_47 : vector<1x256x128xf32>
    %mul3A = vector.broadcast %rsqrt3A : vector<1x256x128xf32> to vector<12x256x128xf32>
    %mul3A_48 = arith.mulf %sub3A_44, %mul3A : vector<12x256x128xf32>
    %get3A_49 = arith.constant 0 : index
    %get3A_50 = vector.load %arg4[%get3A_49] : memref<128xf32, #tpu.memory_space<vmem>>, vector<128xf32>
    %broadcast_in_dim3A_51 = vector.shape_cast %get3A_50 : vector<128xf32> to vector<1x1x128xf32>
    %mul3A_52 = vector.broadcast %broadcast_in_dim3A_51 : vector<1x1x128xf32> to vector<12x256x128xf32>
    %mul3A_53 = arith.mulf %mul3A_52, %mul3A_48 : vector<12x256x128xf32>
    %get3A_54 = arith.constant 0 : index
    %get3A_55 = vector.load %arg5[%get3A_54] : memref<128xf32, #tpu.memory_space<vmem>>, vector<128xf32>
    %broadcast_in_dim3A_56 = vector.shape_cast %get3A_55 : vector<128xf32> to vector<1x1x128xf32>
    %add3A_57 = vector.broadcast %broadcast_in_dim3A_56 : vector<1x1x128xf32> to vector<12x256x128xf32>
    %add3A_58 = arith.addf %mul3A_53, %add3A_57 : vector<12x256x128xf32>
    %max3A_59 = arith.constant 0.000000e+00 : f32
    %max3A_60 = vector.broadcast %max3A_59 : f32 to vector<12x256x128xf32>
    %max3A_61 = arith.maximumf %add3A_58, %max3A_60 : vector<12x256x128xf32>
    %get3A_62 = arith.constant 0 : index
    %get3A_63 = arith.constant 0 : index
    %get3A_64 = arith.constant 0 : index
    %get3A_65 = vector.load %arg6[%get3A_62, %get3A_63, %get3A_64] : memref<1x1x256xf32, #tpu.memory_space<vmem>>, vector<1x1x256xf32>
    %get3A_66 = vector.shape_cast %get3A_65 : vector<1x1x256xf32> to vector<256xf32>
    %broadcast_in_dim3A_67 = vector.shape_cast %get3A_66 : vector<256xf32> to vector<1x256x1xf32>
    %mul3A_68 = vector.broadcast %broadcast_in_dim3A_67 : vector<1x256x1xf32> to vector<12x256x128xf32>
    %mul3A_69 = arith.mulf %max3A_61, %mul3A_68 : vector<12x256x128xf32>
    %swap3A = arith.constant 0 : index
    %swap3A_70 = arith.constant 0 : index
    %swap3A_71 = arith.constant 0 : index
    %swap3A_72 = vector.load %arg7[%swap3A, %swap3A_70, %swap3A_71] : memref<12x256x128xf32, #tpu.memory_space<vmem>>, vector<12x256x128xf32>
    tpu.vector_store %arg7[%swap3A, %swap3A_70, %swap3A_71], %mul3A_69 {strides = array<i32>} : memref<12x256x128xf32, #tpu.memory_space<vmem>>, vector<12x256x128xf32>,
    return
  }
  func.func @transform_0(%arg0: i32) -> (i32, i32, i32) {
    %c0_i32 = arith.constant 0 : i32
    %c0_i32_0 = arith.constant 0 : i32
    %c0_i32_1 = arith.constant 0 : i32
    return %c0_i32, %arg0, %c0_i32_0 : i32, i32, i32
  }
  func.func @transform_1(%arg0: i32) -> (i32, i32, i32) {
    %c0_i32 = arith.constant 0 : i32
    %c0_i32_0 = arith.constant 0 : i32
    %c0_i32_1 = arith.constant 0 : i32
    %c0_i32_2 = arith.constant 0 : i32
    return %c0_i32, %c0_i32_0, %c0_i32_1 : i32, i32, i32
  }
  func.func @transform_2(%arg0: i32) -> i32 {
    %c0_i32 = arith.constant 0 : i32
    %c0_i32_0 = arith.constant 0 : i32
    return %c0_i32 : i32
  }
  func.func @transform_3(%arg0: i32) -> i32 {
    %c0_i32 = arith.constant 0 : i32
    %c0_i32_0 = arith.constant 0 : i32
    return %c0_i32 : i32
  }
  func.func @transform_4(%arg0: i32) -> i32 {
    %c0_i32 = arith.constant 0 : i32
    %c0_i32_0 = arith.constant 0 : i32
    return %c0_i32 : i32
  }
  func.func @transform_5(%arg0: i32) -> (i32, i32, i32) {
    %c0_i32 = arith.constant 0 : i32
    %c0_i32_0 = arith.constant 0 : i32
    %c0_i32_1 = arith.constant 0 : i32
    return %arg0, %c0_i32, %c0_i32_0 : i32, i32, i32
  }
  func.func @transform_6(%arg0: i32) -> (i32, i32, i32) {
    %c0_i32 = arith.constant 0 : i32
    %c0_i32_0 = arith.constant 0 : i32
    %c0_i32_1 = arith.constant 0 : i32
    return %c0_i32, %arg0, %c0_i32_0 : i32, i32, i32
  }
}

module attributes {stable_mosaic.version = 14 : i64} {
  func.func @_out_body(%arg0: i32, %arg1: i32, %arg2: memref<2x1x512x128xf32, #tpu.memory_space<vmem>>, %arg3: memref<1x512x128xf32, #tpu.memory_space<vmem>>, %arg4: memref<1x1x512xf32, #tpu.memory_space<vmem>>, %arg5: memref<128x128xf32, #tpu.memory_space<vmem>>, %arg6: memref<128xf32, #tpu.memory_space<vmem>>, %arg7: memref<1x512x128xf32, #tpu.memory_space<vmem>>) attributes {dimension_semantics = [#tpu.dimension_semantics<arbitrary>, #tpu.dimension_semantics<arbitrary>], iteration_bounds = array<i64: 12, 20>, scalar_prefetch = 0 : i64, scratch_operands = 0 : i64, tpu.core_type = #tpu.core_type<tc>, window_params = [{transform_indices = @transform_0, window_bounds = array<i64: 2, 1, 512, 128>}, {transform_indices = @transform_1, window_bounds = array<i64: 1, 512, 128>}, {transform_indices = @transform_2, window_bounds = array<i64: 1, 1, 512>}, {pipeline_mode = #tpu.pipeline_mode<synchronous>, transform_indices = @transform_3, window_bounds = array<i64: 128, 128>}, {pipeline_mode = #tpu.pipeline_mode<synchronous>, transform_indices = @transform_4, window_bounds = array<i64: 128>}, {transform_indices = @transform_5, window_bounds = array<i64: 1, 512, 128>}]} {
    %get3A = arith.constant 0 : index
    %get3A_0 = arith.constant 0 : index
    %get3A_1 = arith.constant 0 : index
    %get3A_2 = arith.constant 0 : index
    %get3A_3 = vector.load %arg2[%get3A, %get3A_0, %get3A_1, %get3A_2] : memref<2x1x512x128xf32, #tpu.memory_space<vmem>>, vector<1x1x512x128xf32>
    %get3A_4 = vector.shape_cast %get3A_3 : vector<1x1x512x128xf32> to vector<512x128xf32>
    %get3A_5 = arith.constant 1 : index
    %get3A_6 = arith.constant 0 : index
    %get3A_7 = arith.constant 0 : index
    %get3A_8 = arith.constant 0 : index
    %get3A_9 = vector.load %arg2[%get3A_5, %get3A_6, %get3A_7, %get3A_8] : memref<2x1x512x128xf32, #tpu.memory_space<vmem>>, vector<1x1x512x128xf32>
    %get3A_10 = vector.shape_cast %get3A_9 : vector<1x1x512x128xf32> to vector<512x128xf32>
    %add3A = arith.addf %get3A_4, %get3A_10 : vector<512x128xf32>
    %get3A_11 = arith.constant 0 : index
    %get3A_12 = arith.constant 0 : index
    %get3A_13 = arith.constant 0 : index
    %get3A_14 = vector.load %arg4[%get3A_11, %get3A_12, %get3A_13] : memref<1x1x512xf32, #tpu.memory_space<vmem>>, vector<1x1x512xf32>
    %get3A_15 = vector.shape_cast %get3A_14 : vector<1x1x512xf32> to vector<512xf32>
    %get3A_16 = arith.constant 0 : index
    %get3A_17 = arith.constant 0 : index
    %get3A_18 = arith.constant 0 : index
    %get3A_19 = vector.load %arg3[%get3A_16, %get3A_17, %get3A_18] : memref<1x512x128xf32, #tpu.memory_space<vmem>>, vector<1x512x128xf32>
    %get3A_20 = vector.shape_cast %get3A_19 : vector<1x512x128xf32> to vector<512x128xf32>
    %add3A_21 = arith.addf %add3A, %get3A_20 : vector<512x128xf32>
    %broadcast_in_dim3A = vector.shape_cast %get3A_15 : vector<512xf32> to vector<512x1xf32>
    %mul3A = vector.broadcast %broadcast_in_dim3A : vector<512x1xf32> to vector<512x128xf32>
    %mul3A_22 = arith.mulf %add3A_21, %mul3A : vector<512x128xf32>
    %get3A_23 = arith.constant 0 : index
    %get3A_24 = arith.constant 0 : index
    %get3A_25 = vector.load %arg5[%get3A_23, %get3A_24] : memref<128x128xf32, #tpu.memory_space<vmem>>, vector<128x128xf32>
    %dot_general3A = arith.constant dense<0.000000e+00> : vector<512x128xf32>
    %dot_general3A_26 = tpu.matmul %mul3A_22, %get3A_25, %dot_general3A {dimension_numbers = #tpu.dot_dimension_numbers<[1], [1], [0], [0], [0, 0, 1, 0], [], []>, precision = #tpu.contract_precision<fp32>, transpose_lhs_hint = false} : vector<512x128xf32>, vector<128x128xf32>, vector<512x128xf32> -> vector<512x128xf32>
    %get3A_27 = arith.constant 0 : index
    %get3A_28 = vector.load %arg6[%get3A_27] : memref<128xf32, #tpu.memory_space<vmem>>, vector<128xf32>
    %broadcast_in_dim3A_29 = vector.shape_cast %get3A_28 : vector<128xf32> to vector<1x128xf32>
    %add3A_30 = vector.broadcast %broadcast_in_dim3A_29 : vector<1x128xf32> to vector<512x128xf32>
    %add3A_31 = arith.addf %dot_general3A_26, %add3A_30 : vector<512x128xf32>
    %max3A = arith.constant 0.000000e+00 : f32
    %max3A_32 = vector.broadcast %max3A : f32 to vector<512x128xf32>
    %max3A_33 = arith.maximumf %add3A_31, %max3A_32 : vector<512x128xf32>
    %min3A = arith.constant 1.000000e+01 : f32
    %min3A_34 = vector.broadcast %min3A : f32 to vector<512x128xf32>
    %min3A_35 = arith.minimumf %max3A_33, %min3A_34 : vector<512x128xf32>
    %swap3A = arith.constant 0 : index
    %swap3A_36 = arith.constant 0 : index
    %swap3A_37 = arith.constant 0 : index
    %swap3A_38 = vector.load %arg7[%swap3A, %swap3A_36, %swap3A_37] : memref<1x512x128xf32, #tpu.memory_space<vmem>>, vector<1x512x128xf32>
    %swap3A_39 = vector.shape_cast %swap3A_38 : vector<1x512x128xf32> to vector<512x128xf32>
    %swap3A_40 = vector.shape_cast %min3A_35 : vector<512x128xf32> to vector<1x512x128xf32>
    tpu.vector_store %arg7[%swap3A, %swap3A_36, %swap3A_37], %swap3A_40 {strides = array<i32>} : memref<1x512x128xf32, #tpu.memory_space<vmem>>, vector<1x512x128xf32>,
    return
  }
  func.func @transform_0(%arg0: i32, %arg1: i32) -> (i32, i32, i32, i32) {
    %c0_i32 = arith.constant 0 : i32
    %c0_i32_0 = arith.constant 0 : i32
    %c0_i32_1 = arith.constant 0 : i32
    return %c0_i32, %arg0, %arg1, %c0_i32_0 : i32, i32, i32, i32
  }
  func.func @transform_1(%arg0: i32, %arg1: i32) -> (i32, i32, i32) {
    %c0_i32 = arith.constant 0 : i32
    %c0_i32_0 = arith.constant 0 : i32
    return %arg0, %arg1, %c0_i32 : i32, i32, i32
  }
  func.func @transform_2(%arg0: i32, %arg1: i32) -> (i32, i32, i32) {
    %c0_i32 = arith.constant 0 : i32
    %c0_i32_0 = arith.constant 0 : i32
    %c0_i32_1 = arith.constant 0 : i32
    return %arg1, %c0_i32, %c0_i32_0 : i32, i32, i32
  }
  func.func @transform_3(%arg0: i32, %arg1: i32) -> (i32, i32) {
    %c0_i32 = arith.constant 0 : i32
    %c0_i32_0 = arith.constant 0 : i32
    %c0_i32_1 = arith.constant 0 : i32
    return %c0_i32, %c0_i32_0 : i32, i32
  }
  func.func @transform_4(%arg0: i32, %arg1: i32) -> i32 {
    %c0_i32 = arith.constant 0 : i32
    %c0_i32_0 = arith.constant 0 : i32
    return %c0_i32 : i32
  }
  func.func @transform_5(%arg0: i32, %arg1: i32) -> (i32, i32, i32) {
    %c0_i32 = arith.constant 0 : i32
    %c0_i32_0 = arith.constant 0 : i32
    return %arg0, %arg1, %c0_i32 : i32, i32, i32
  }
}

</mosaic_0001>

<sc_bundles>
// kernel: kernel.11.cloned.1.call-start
scs
__scs_entry_jumppad:
0x0: {  	(pc) =	sbr.rel $0x88, $3  }
0x1: {  	(tag) =	ssettag $0x0;
	lr =	simm.s32 $0x1  }
0x2: {  	[smem:$0x3F98] =	sst lr;
	_ =	strace $0xD0000000  }
0x3: {  	_ = 	snop  }
0x4: {  	_ = 	snop  }
0x5: {  	_ = 	snop  }
0x6: {  	_ = 	snop  }
0x7: {  	_ = 	snop  }
__scs_overlays_trampoline_lowered:
0x8: {  	[smem:$0x3FA7] =	sst s0  }
0x9: {  	[smem:$0x3FA8] =	sst s1  }
0xa: {  	[smem:$0x3FA9] =	sst s2  }
0xb: {  	[smem:$0x3FAA] =	sst s3  }
0xc: {  	[smem:$0x3FAB] =	sst s4  }
0xd: {  	[smem:$0x3FAC] =	sst s5  }
0xe: {  	[smem:$0x3FAD] =	sst s6  }
0xf: {  	[smem:$0x3FAE] =	sst s7  }
0x10: {  	[smem:$0x3FAF] =	sst s8  }
0x11: {  	[smem:$0x3FB0] =	sst s9;
	s0 =	simm.s32 @!p0 $0x0  }
0x12: {  	s1 =	sld [smem:$0x3F96];
	s0 =	simm.s32 @p0 $0x1  }
0x13: {  	[smem:$0x3FB1] =	sst s0;
	s0 =	simm.s32 @!p1 $0x0  }
0x14: {  	s2 =	sld [smem:$0x3F95];
	s0 =	simm.s32 @p1 $0x1  }
0x15: {  	[smem:$0x3FB2] =	sst s0;
	s0 =	simm.s32 @!p2 $0x0  }
0x16: {  	s3 =	sld [smem:$0x3FDB];
	s0 =	simm.s32 @p2 $0x1  }
0x17: {  	s4 =	simm.s32 $0x1BF5;
	[smem:$0x3FB4] =	sst s0  }
0x18: {  	s0 =	sld [smem:$0x3F97];
	_ =	swait.ge [sflag:s4], $0x0  }
0x19: {  	s7 =	sld [smem:$0x3F98]  }
0x1a: {  	s8 =	sadd.s32 $0xFFFFE003, lr  }
0x1b: {  	s9 =	sadd.s32 $0xFFFFFEF7, lr;
	s5 =	simm.s32 $0xFFFFFFFF;
	p2 =	slt.u32 s8, $0xFFFFF086  }
0x1c: {  	p1 =	slt.u32 s9, $0xF7A;
	s5 =	simm.s32 @!p2 $0x0  }
0x1d: {  	s5 =	simm.s32 @p1 $0x1;
	p0 =	seq.s32 s7, s2  }
0x1e: {  	s7 =	smul.u32 @!p0 $0xF7A, s2;
	p2 =	seq.s32 @!p0 s5, $0x0  }
0x1f: {  	s9 =	smul.u32 $0xF7A, s1;
	s8 =	simm.s32 @!p0 $0x1BF5;
	p2 =	por !p2, p0  }
0x20: {  	[sflag:s8] =	ssyncset.s32 @!p0 $0xFFFFF086;
	s6 =	sadd.s32 @!p0 s3, s7;
	s7 =	simm.s32 @!p0 $0x108  }
0x21: {  	s3 =	sadd.s32 s3, s9;
	s6 =	sadd.s32 @!p0 $0x88, s6;
	s7 =	simm.s32 @p2 $0x1082  }
0x22: {  	[simem:s7], [sflag:s8] =	dma.local @!p0 [hbm:s6], $0xF7A  }
0x23: {  	s9 =	sor.u32 $0xD0000000, s2;
	s6 =	simm.s32 $0x108;
	_ =	swait.ge @!p0 [sflag:s8], $0x0  }
0x24: {  	s3 =	sadd.s32 $0x88, s3;
	s6 =	simm.s32 @!p1 $0x1082;
	[sflag:s4] =	ssyncset.s32 $0xFFFFF086  }
0x25: {  	[simem:s6], [sflag:s4] =	dma.local [hbm:s3], $0xF7A  }
0x26: {  	[smem:$0x3F98] =	sst s1;
	(tag) =	ssettag s2;
	_ =	strace s9  }
0x27: {  	s1 =	sld [smem:$0x3FA8]  }
0x28: {  	s2 =	sld [smem:$0x3FA9]  }
0x29: {  	s4 =	sld [smem:$0x3FAB]  }
0x2a: {  	p0 =	seq.s32 s5, $0x0;
	s5 =	sld [smem:$0x3FAC]  }
0x2b: {  	s6 =	sld [smem:$0x3FAD]  }
0x2c: {  	s7 =	sld [smem:$0x3FAE]  }
0x2d: {  	s3 =	simm.s32 $0x108;
	s8 =	sld [smem:$0x3FAF]  }
0x2e: {  	s3 =	simm.s32 @!p0 $0x1082;
	s9 =	sld [smem:$0x3FB0]  }
0x2f: {  	lr =	sadd.s32 s0, s3;
	s0 =	sld [smem:$0x3FA7]  }
0x30: {  	s3 =	sld [smem:$0x3FAA]  }
0x31: {  	[smem:$0x3FB3] =	sst s10  }
0x32: {  	s10 =	sld [smem:$0x3FB1];
	_ =	sdelay $0x3  }
0x33: {  	p0 =	seq.s32 s10, $0x1;
	s10 =	sld [smem:$0x3FB3];
	_ =	sdelay $0x3  }
0x34: {  	[smem:$0x3FB3] =	sst s10  }
0x35: {  	s10 =	sld [smem:$0x3FB2];
	_ =	sdelay $0x3  }
0x36: {  	p1 =	seq.s32 s10, $0x1;
	s10 =	sld [smem:$0x3FB3];
	_ =	sdelay $0x3  }
0x37: {  	[smem:$0x3FB3] =	sst s10  }
0x38: {  	s10 =	sld [smem:$0x3FB4]  }
0x39: {  	_ = 	snop;
	(pc) =	sbr.ind lr, $3  }
0x3a: {  	_ = 	snop  }
0x3b: {  	_ = 	snop  }
0x3c: {  	p2 =	seq.s32 s10, $0x1;
	s10 =	sld [smem:$0x3FB3]  }
0x3d: {  	_ =	shalt  }
0x3e: {  	_ =	shalt  }
0x3f: {  	_ =	shalt  }
0x40: {  	_ =	shalt  }
0x41: {  	_ =	shalt  }
0x42: {  	_ =	shalt  }
0x43: {  	_ =	shalt  }
0x44: {  	_ =	shalt  }
0x45: {  	_ =	shalt  }
0x46: {  	_ =	shalt  }
0x47: {  	_ =	shalt  }
0x48: {  	_ =	shalt  }
0x49: {  	_ =	shalt  }
0x4a: {  	_ =	shalt  }
0x4b: {  	_ =	shalt  }
0x4c: {  	_ =	shalt  }
0x4d: {  	_ =	shalt  }
0x4e: {  	_ =	shalt  }
0x4f: {  	_ =	shalt  }
0x50: {  	_ =	shalt  }
0x51: {  	_ =	shalt  }
0x52: {  	_ =	shalt  }
0x53: {  	_ =	shalt  }
0x54: {  	_ =	shalt  }
0x55: {  	_ =	shalt  }
0x56: {  	_ =	shalt  }
0x57: {  	_ =	shalt  }
0x58: {  	_ =	shalt  }
0x59: {  	_ =	shalt  }
0x5a: {  	_ =	shalt  }
0x5b: {  	_ =	shalt  }
0x5c: {  	_ =	shalt  }
0x5d: {  	_ =	shalt  }
0x5e: {  	_ =	shalt  }
0x5f: {  	_ =	shalt  }
0x60: {  	_ =	shalt  }
0x61: {  	_ =	shalt  }
0x62: {  	_ =	shalt  }
0x63: {  	_ =	shalt  }
0x64: {  	_ =	shalt  }
0x65: {  	_ =	shalt  }
0x66: {  	_ =	shalt  }
0x67: {  	_ =	shalt  }
0x68: {  	_ =	shalt  }
0x69: {  	_ =	shalt  }
0x6a: {  	_ =	shalt  }
0x6b: {  	_ =	shalt  }
0x6c: {  	_ =	shalt  }
0x6d: {  	_ =	shalt  }
0x6e: {  	_ =	shalt  }
0x6f: {  	_ =	shalt  }
0x70: {  	_ =	shalt  }
0x71: {  	_ =	shalt  }
0x72: {  	_ =	shalt  }
0x73: {  	_ =	shalt  }
0x74: {  	_ =	shalt  }
0x75: {  	_ =	shalt  }
0x76: {  	_ =	shalt  }
0x77: {  	_ =	shalt  }
0x78: {  	_ =	shalt  }
0x79: {  	_ =	shalt  }
0x7a: {  	_ =	shalt  }
0x7b: {  	_ =	shalt  }
0x7c: {  	_ =	shalt  }
0x7d: {  	_ =	shalt  }
0x7e: {  	_ =	shalt  }
0x7f: {  	_ =	shalt  }
0x80: {  	_ =	shalt  }
0x81: {  	_ =	shalt  }
0x82: {  	_ =	shalt  }
0x83: {  	_ =	shalt  }
0x84: {  	_ =	shalt  }
0x85: {  	_ =	shalt  }
0x86: {  	_ =	shalt  }
0x87: {  	_ =	shalt  }
.Lfunc_end0:
.L_simem_size_0:
called_computation.1_lowered:
.L_overlay_start_0:
0x88: {  	s2 =	sld [smem:$0x3FD9]  }
0x89: {  	s3 =	sld [smem:$0x3FFE];
	_ =	sdelay $0x1  }
0x8a: {  	s1 =	srdreg.scid  }
0x8b: {  	s0 =	sand.u32 $0x1, s1  }
0x8c: {  	s16 =	sshll.u32 s0, $0xA;
	s2 =	sadd.s32 s3, s2  }
0x8d: {  	s2 =	sadd.s32 s2, s16  }
0x8e: {  	[smem:$0x3FBF] =	sst s2  }
0x8f: {  	_ = 	snop  }
0x90: {  	(tm) =	ssettm $0x1  }
0x91: {  	s17 =	sld [smem:$0x3FFB];
	_ =	sdelay $0x3  }
0x92: {  	_ =	strace s17  }
0x93: {  	s2 =	sld [smem:$0x3FFC];
	_ =	sdelay $0x3  }
0x94: {  	_ =	strace s2  }
0x95: {  	s2 =	sld [smem:$0x3FFD];
	_ =	sdelay $0x3  }
0x96: {  	_ =	strace s2  }
0x97: {  	_ =	strace $0x8FFFFFFF  }
0x98: {  	s18 =	sld [smem:$0x3FDB];
	_ =	sdelay $0x1  }
0x99: {  	s19 =	simm.s32 $_scs_section_size  }
0x9a: {  	s4 =	simm.s32 $_size__tile_overlayer_lowered;
	s5 =	simm.s32 $_tile_overlayer_lowered  }
0x9b: {  	s22 =	simm.s32 $0x1BFF;
	s21 =	sshll.u32 s5, $0x1;
	s2 =	sadd.s32 s19, s18  }
0x9c: {  	s6 =	simm.s32 $0x0;
	s20 =	sshll.u32 s4, $0x1;
	s4 =	sadd.s32 s21, s2  }
0x9d: {  	[timem:s6], [sflag:s22] =	dma.local [hbm:s4], s20  }
0x9e: {  	_ =	swait.ge [sflag:s22], s20  }
0x9f: {  	s3 =	ssub.s32 $0x0, s20;
	[sflag:s22] =	ssyncset.done $0x0  }
0xa0: {  	[sflag:s22] =	ssyncadd.s32 s3;
	_ =	sdelay $0x1  }
0xa1: {  	s23 =	simm.s32 $0x1B8B  }
0xa2: {  	_ =	swait.ge [sflag:s23], $0x1  }
0xa3: {  	[sflag:s23] =	ssyncset.done $0x0  }
0xa4: {  	s25 =	simm.s32 $0x1B8E;
	s24 =	sld [smem:$0x3FFE];
	[sflag:s23] =	ssyncadd.s32 $0xFFFFFFFF  }
0xa5: {  	s26 =	simm.s32 $execute0_lowered;
	[smem:$0x3FD2] =	sst s25  }
0xa6: {  	s4 =	sshll.u32 s26, $0x1;
	_ =	strace $0x80000049;
	[dreg:$0x1] =	wrdreg $0xFFFFFFFF  }
0xa7: {  	s28 =	simm.s32 $_size_execute0_lowered;
	s2 =	sadd.s32 s2, s4;
	[dreg:$0x0] =	wrdreg $0x0  }
0xa8: {  	s4 =	sshll.u32 s28, $0x1;
	[dreg:$0x2] =	wrdreg s2  }
0xa9: {  	[dreg:$0x3] =	wrdreg s4  }
0xaa: {  	[dreg:$0x4] =	wrdreg $0xC0  }
0xab: {  	_ =	task [dreg:s6], $0x5FFFF  }
0xac: {  	[dreg:$0x1] =	wrdreg $0xFFFFFFFF  }
0xad: {  	[dreg:$0x0] =	wrdreg $0x60  }
0xae: {  	[dreg:$0x2] =	wrdreg s24  }
0xaf: {  	[dreg:$0x3] =	wrdreg $0x95000  }
0xb0: {  	[dreg:$0x4] =	wrdreg $0x9  }
0xb1: {  	_ =	task.clear_ibuf [dreg:s6], $0x5FFFF;
	_ =	strace $0x90000049  }
0xb2: {  	s29 =	simm.s32 $0x9;
	_ =	strace $0x8000004B  }
0xb3: {  	_ =	swait.ge [sflag:s29], $0x1  }
0xb4: {  	[sflag:s29] =	ssyncadd.s32 $0xFFFFFFFF  }
0xb5: {  	_ =	strace $0x9000004B  }
0xb6: {  	_ =	sfence  }
0xb7: {  	s30 =	sld [smem:$0x0];
	_ =	sdelay $0x2  }
0xb8: {  	s31 =	sshll.u32 s1, $0xD;
	s1 =	sshrl.u32 s1, $0x2  }
0xb9: {  	s3 =	sand.u32 $0x4000, s31;
	s1 =	sadd.s32 s1, s30  }
0xba: {  	s0 =	sor.u32 s3, s0;
	s1 =	sshll.u32 s1, $0x11  }
0xbb: {  	s0 =	sor.u32 s1, s0  }
0xbc: {  	s0 =	sadd.s32 $0x8F2B, s0  }
0xbd: {  	[sflag:s0] =	ssyncadd.remote.s32 $0x1  }
0xbe: {  	_ =	sfence.sel $0xFFFF  }
0xbf: {  	[dreg:$0x0] =	wrdreg $0xFFFFFFFF;
	(pc) =	sbr.abs _section_cstart, $3  }
0xc0: {  	[dreg:$0x1] =	wrdreg $0xFFFFFFFF  }
0xc1: {  	_ =	task.clear_ibuf [dreg:s6], $0x2FFFF;
	_ =	strace $0x9FFFFFFF  }
0xc2: {  	(tm) =	ssettm $0x7FFFFFFF  }
0xc3: {  	_ =	shalt  }
tec
execute0_lowered:
.L_overlay_start_1:
0x0: {  	(tag) =	ssettag $0x1  }
0x1: {  	s0 =	rddreg [dreg:$0x0]  }
0x2: {  	s1 =	rddreg [dreg:$0x1];
	s20 =	simm.s32 $0x0  }
0x3: {  	s2 =	srdreg.scid;
	s9 =	stileid.u32;
	s4 =	sadd.s32 $0x21CC00, s0  }
0x4: {  	[smem:$0x7FF] =	sst s20;
	s6 =	smul.u32 $0x50000, s9;
	s5 =	sadd.s32 $0x1F5400, s0  }
0x5: {  	s2 =	sand.u32 $0x1, s2;
	s0 =	sadd.s32 $0x3FCC00, s0;
	s11 =	smul.u32 $0x14000, s9  }
0x6: {  	s3 =	sshll.u32 s2, $0x4;
	s7 =	ssub.s32 $0x2, s2;
	s2 =	smul.u32 $0xF00000, s2  }
0x7: {  	_ =	strace $0x8000004A;
	[dreg:$0x4] =	wrdreg s0;
	s29 =	sshrl.u32 s7, $0x1  }
0x8: {  	s6 =	sshrl.u32 s6, $0x2;
	s0 =	ssub.s32 s7, s29;
	s2 =	sadd.s32 s2, s11  }
0x9: {  	s7 =	sadd.s32 s6, s1;
	[dreg:$0x6] =	wrdreg s2;
	s0 =	smax.u32 s0, $0x1  }
0xa: {  	s12 =	sadd.s32 $0x1000, s7;
	[dreg:$0x7] =	wrdreg s0  }
0xb: {  	s13 =	sadd.s32 $0x2000, s7;
	[dreg:$0x8] =	wrdreg s12  }
0xc: {  	s14 =	sadd.s32 $0x3000, s7;
	[dreg:$0x9] =	wrdreg s13  }
0xd: {  	s15 =	sadd.s32 $0x4000, s7;
	[dreg:$0xa] =	wrdreg s14  }
0xe: {  	s16 =	sadd.s32 $0x5000, s7;
	[dreg:$0xb] =	wrdreg s15  }
0xf: {  	s17 =	sadd.s32 $0x6000, s7;
	[dreg:$0xc] =	wrdreg s16  }
0x10: {  	s18 =	sadd.s32 $0x7000, s7;
	[dreg:$0xd] =	wrdreg s17  }
0x11: {  	s3 =	sor.u32 s9, s3;
	s19 =	sadd.s32 $0x8000, s7;
	[dreg:$0xe] =	wrdreg s18  }
0x12: {  	s3 =	smul.u32 $0x9E00, s3;
	s21 =	sadd.s32 $0x9000, s7;
	[dreg:$0xf] =	wrdreg s19  }
0x13: {  	s6 =	simm.s32 $0x400;
	s22 =	sadd.s32 $0xA000, s7;
	[dreg:$0x10] =	wrdreg s21  }
0x14: {  	s11 =	simm.s32 $0x200;
	s23 =	sadd.s32 $0xB000, s7;
	[dreg:$0x11] =	wrdreg s22  }
0x15: {  	s24 =	sadd.s32 $0xC000, s7;
	s25 =	sadd.s32 $0xD000, s7;
	[dreg:$0x12] =	wrdreg s23  }
0x16: {  	s26 =	sadd.s32 $0xE000, s7;
	s28 =	sadd.s32 $0xF000, s7;
	[dreg:$0x13] =	wrdreg s24  }
0x17: {  	s29 =	sadd.s32 $0x10000, s7;
	s30 =	sadd.s32 $0x11000, s7;
	[dreg:$0x14] =	wrdreg s25  }
0x18: {  	s31 =	sadd.s32 $0x12000, s7;
	s2 =	simm.s32 $0x3;
	[dreg:$0x15] =	wrdreg s26  }
0x19: {  	s8 =	sshrl.u32 s3, $0x3;
	s9 =	sadd.s32 $0x200, s3;
	[dreg:$0x16] =	wrdreg s28  }
0x1a: {  	[dreg:$0x17] =	wrdreg s29;
	s0 =	sadd.s32 $0x13000, s7;
	s12 =	simm.s32 $0x8500  }
0x1b: {  	s13 =	simm.s32 $0x480;
	s14 =	simm.s32 $0x4500;
	s15 =	simm.s32 $0x1  }
0x1c: {  	s16 =	simm.s32 $0x100;
	s17 =	simm.s32 $0x2;
	s18 =	simm.s32 $0x300  }
0x1d: {  	s19 =	simm.s32 $0x280;
	s10 =	sadd.s32 s5, s8;
	s8 =	simm.s32 $0x500  }
0x1e: {  	v0 =	vimm.f32 $0.0e+00;
	[dreg:$0x5] =	wrdreg s10;
	s10 =	sadd.s32 $0x400, s3;
	s3 =	simm.s32 $0x80  }
.LBB2_1:
0x1f: {  	[dreg:$0x3] =	wrdreg s20;
	s20 =	simm.s32 $0x0;
	s21 =	simm.s32 $0x200  }
.LBB2_2:
0x20: {  	p0 =	sne.s32 s21, $0x3E00;
	[tilespmem:s20+$0x8570] =	vst v0  }
0x21: {  	[tilespmem:s20+$0x8500] =	vst v0  }
0x22: {  	[tilespmem:s20+$0x8510] =	vst v0  }
.Ltmp0:
0x23: {  	[tilespmem:s20+$0x8520] =	vst v0;
	(pc) =	sbr.rel @p0 .LBB2_2-.Ltmp0, $4  }
0x24: {  	[tilespmem:s20+$0x8530] =	vst v0  }
0x25: {  	[tilespmem:s20+$0x8540] =	vst v0  }
0x26: {  	[tilespmem:s20+$0x8550] =	vst v0  }
0x27: {  	[tilespmem:s20+$0x8560] =	vst v0;
	s20 =	sshra.s32 s21, $0x2;
	s21 =	sadd.s32 $0x200, s21  }
0x28: {  	[tilespmem:s20+$0x8570] =	vst v0  }
0x29: {  	[tilespmem:s20+$0x8500] =	vst v0  }
0x2a: {  	[tilespmem:s20+$0x8510] =	vst v0  }
0x2b: {  	[tilespmem:s20+$0x8520] =	vst v0  }
0x2c: {  	[tilespmem:s20+$0x8530] =	vst v0  }
0x2d: {  	[tilespmem:s20+$0x8540] =	vst v0  }
0x2e: {  	[tilespmem:s20+$0x8550] =	vst v0  }
0x2f: {  	[tilespmem:s20+$0x8560] =	vst v0  }
0x30: {  	[spmem:s7] =	stream.linear.scatter [tilespmem:s12], [sflag:$0x3], $0x1000, $0x38;
	[tilespmem:$0x1D500] =	vst v63  }
0x31: {  	_ =	swait.ge [sflag:s2], $0x1000  }
0x32: {  	[sflag:s2] =	ssyncset.done $0x0  }
0x33: {  	s21 =	rddreg [dreg:$0x8];
	[sflag:s2] =	ssyncadd.s32 $0xFFFFF000  }
0x34: {  	[spmem:s21] =	stream.linear.scatter [tilespmem:s12], [sflag:$0x3], $0x1000, $0x38;
	[tilespmem:$0x1D500] =	vst v63  }
0x35: {  	_ =	swait.ge [sflag:s2], $0x1000  }
0x36: {  	[sflag:s2] =	ssyncset.done $0x0  }
0x37: {  	s22 =	rddreg [dreg:$0x9];
	[sflag:s2] =	ssyncadd.s32 $0xFFFFF000  }
0x38: {  	[spmem:s22] =	stream.linear.scatter [tilespmem:s12], [sflag:$0x3], $0x1000, $0x38;
	[tilespmem:$0x1D500] =	vst v63  }
0x39: {  	_ =	swait.ge [sflag:s2], $0x1000  }
0x3a: {  	[sflag:s2] =	ssyncset.done $0x0  }
0x3b: {  	s23 =	rddreg [dreg:$0xa];
	[sflag:s2] =	ssyncadd.s32 $0xFFFFF000  }
0x3c: {  	[spmem:s23] =	stream.linear.scatter [tilespmem:s12], [sflag:$0x3], $0x1000, $0x38;
	[tilespmem:$0x1D500] =	vst v63  }
0x3d: {  	_ =	swait.ge [sflag:s2], $0x1000  }
0x3e: {  	[sflag:s2] =	ssyncset.done $0x0  }
0x3f: {  	s24 =	rddreg [dreg:$0xb];
	[sflag:s2] =	ssyncadd.s32 $0xFFFFF000  }
0x40: {  	[spmem:s24] =	stream.linear.scatter [tilespmem:s12], [sflag:$0x3], $0x1000, $0x38;
	[tilespmem:$0x1D500] =	vst v63  }
0x41: {  	_ =	swait.ge [sflag:s2], $0x1000  }
0x42: {  	[sflag:s2] =	ssyncset.done $0x0  }
0x43: {  	s25 =	rddreg [dreg:$0xc];
	[sflag:s2] =	ssyncadd.s32 $0xFFFFF000  }
0x44: {  	[spmem:s25] =	stream.linear.scatter [tilespmem:s12], [sflag:$0x3], $0x1000, $0x38;
	[tilespmem:$0x1D500] =	vst v63  }
0x45: {  	_ =	swait.ge [sflag:s2], $0x1000  }
0x46: {  	[sflag:s2] =	ssyncset.done $0x0  }
0x47: {  	s26 =	rddreg [dreg:$0xd];
	[sflag:s2] =	ssyncadd.s32 $0xFFFFF000  }
0x48: {  	[spmem:s26] =	stream.linear.scatter [tilespmem:s12], [sflag:$0x3], $0x1000, $0x38;
	[tilespmem:$0x1D500] =	vst v63  }
0x49: {  	_ =	swait.ge [sflag:s2], $0x1000  }
0x4a: {  	[sflag:s2] =	ssyncset.done $0x0  }
0x4b: {  	s28 =	rddreg [dreg:$0xe];
	[sflag:s2] =	ssyncadd.s32 $0xFFFFF000  }
0x4c: {  	[spmem:s28] =	stream.linear.scatter [tilespmem:s12], [sflag:$0x3], $0x1000, $0x38;
	[tilespmem:$0x1D500] =	vst v63  }
0x4d: {  	_ =	swait.ge [sflag:s2], $0x1000  }
0x4e: {  	[sflag:s2] =	ssyncset.done $0x0  }
0x4f: {  	s29 =	rddreg [dreg:$0xf];
	[sflag:s2] =	ssyncadd.s32 $0xFFFFF000  }
0x50: {  	[spmem:s29] =	stream.linear.scatter [tilespmem:s12], [sflag:$0x3], $0x1000, $0x38;
	[tilespmem:$0x1D500] =	vst v63  }
0x51: {  	_ =	swait.ge [sflag:s2], $0x1000  }
0x52: {  	[sflag:s2] =	ssyncset.done $0x0  }
0x53: {  	s21 =	rddreg [dreg:$0x10];
	[sflag:s2] =	ssyncadd.s32 $0xFFFFF000  }
0x54: {  	[spmem:s21] =	stream.linear.scatter [tilespmem:s12], [sflag:$0x3], $0x1000, $0x38;
	[tilespmem:$0x1D500] =	vst v63  }
0x55: {  	_ =	swait.ge [sflag:s2], $0x1000  }
0x56: {  	[sflag:s2] =	ssyncset.done $0x0  }
0x57: {  	s22 =	rddreg [dreg:$0x11];
	[sflag:s2] =	ssyncadd.s32 $0xFFFFF000  }
0x58: {  	[spmem:s22] =	stream.linear.scatter [tilespmem:s12], [sflag:$0x3], $0x1000, $0x38;
	[tilespmem:$0x1D500] =	vst v63  }
0x59: {  	_ =	swait.ge [sflag:s2], $0x1000  }
0x5a: {  	[sflag:s2] =	ssyncset.done $0x0  }
0x5b: {  	s23 =	rddreg [dreg:$0x12];
	[sflag:s2] =	ssyncadd.s32 $0xFFFFF000  }
0x5c: {  	[spmem:s23] =	stream.linear.scatter [tilespmem:s12], [sflag:$0x3], $0x1000, $0x38;
	[tilespmem:$0x1D500] =	vst v63  }
0x5d: {  	_ =	swait.ge [sflag:s2], $0x1000  }
0x5e: {  	[sflag:s2] =	ssyncset.done $0x0  }
0x5f: {  	s24 =	rddreg [dreg:$0x13];
	[sflag:s2] =	ssyncadd.s32 $0xFFFFF000  }
0x60: {  	[spmem:s24] =	stream.linear.scatter [tilespmem:s12], [sflag:$0x3], $0x1000, $0x38;
	[tilespmem:$0x1D500] =	vst v63  }
0x61: {  	_ =	swait.ge [sflag:s2], $0x1000  }
0x62: {  	[sflag:s2] =	ssyncset.done $0x0  }
0x63: {  	s25 =	rddreg [dreg:$0x14];
	[sflag:s2] =	ssyncadd.s32 $0xFFFFF000  }
0x64: {  	[spmem:s25] =	stream.linear.scatter [tilespmem:s12], [sflag:$0x3], $0x1000, $0x38;
	[tilespmem:$0x1D500] =	vst v63  }
0x65: {  	_ =	swait.ge [sflag:s2], $0x1000  }
0x66: {  	[sflag:s2] =	ssyncset.done $0x0  }
0x67: {  	s26 =	rddreg [dreg:$0x15];
	[sflag:s2] =	ssyncadd.s32 $0xFFFFF000  }
0x68: {  	[spmem:s26] =	stream.linear.scatter [tilespmem:s12], [sflag:$0x3], $0x1000, $0x38;
	[tilespmem:$0x1D500] =	vst v63  }
0x69: {  	_ =	swait.ge [sflag:s2], $0x1000  }
0x6a: {  	[sflag:s2] =	ssyncset.done $0x0  }
0x6b: {  	s28 =	rddreg [dreg:$0x16];
	[sflag:s2] =	ssyncadd.s32 $0xFFFFF000  }
0x6c: {  	[spmem:s28] =	stream.linear.scatter [tilespmem:s12], [sflag:$0x3], $0x1000, $0x38;
	[tilespmem:$0x1D500] =	vst v63  }
0x6d: {  	_ =	swait.ge [sflag:s2], $0x1000  }
0x6e: {  	[sflag:s2] =	ssyncset.done $0x0  }
0x6f: {  	s29 =	rddreg [dreg:$0x17];
	[sflag:s2] =	ssyncadd.s32 $0xFFFFF000  }
0x70: {  	[spmem:s29] =	stream.linear.scatter [tilespmem:s12], [sflag:$0x3], $0x1000, $0x38;
	[tilespmem:$0x1D500] =	vst v63  }
0x71: {  	_ =	swait.ge [sflag:s2], $0x1000  }
0x72: {  	[sflag:s2] =	ssyncset.done $0x0  }
0x73: {  	[sflag:s2] =	ssyncadd.s32 $0xFFFFF000  }
0x74: {  	[spmem:s30] =	stream.linear.scatter [tilespmem:s12], [sflag:$0x3], $0x1000, $0x38;
	[tilespmem:$0x1D500] =	vst v63  }
0x75: {  	_ =	swait.ge [sflag:s2], $0x1000  }
0x76: {  	[sflag:s2] =	ssyncset.done $0x0  }
0x77: {  	[sflag:s2] =	ssyncadd.s32 $0xFFFFF000  }
0x78: {  	[spmem:s31] =	stream.linear.scatter [tilespmem:s12], [sflag:$0x3], $0x1000, $0x38;
	[tilespmem:$0x1D500] =	vst v63  }
0x79: {  	_ =	swait.ge [sflag:s2], $0x1000  }
0x7a: {  	[sflag:s2] =	ssyncset.done $0x0  }
0x7b: {  	[sflag:s2] =	ssyncadd.s32 $0xFFFFF000  }
0x7c: {  	[spmem:s0] =	stream.linear.scatter [tilespmem:s12], [sflag:$0x3], $0x1000, $0x38;
	[tilespmem:$0x1D500] =	vst v63  }
0x7d: {  	_ =	swait.ge [sflag:s2], $0x1000  }
0x7e: {  	[sflag:s2] =	ssyncset.done $0x0  }
0x7f: {  	[sflag:s2] =	ssyncadd.s32 $0xFFFFF000  }
0x80: {  	s20 =	simm.s32 $0x0;
	[bflag:$0x0] =	sbarrier.arrive $0xFFFF  }
.LBB2_4:
0x81: {  	s21 =	rddreg [dreg:$0x5];
	s22 =	simm.s32 $0x0  }
0x82: {  	[tilespmem:s22], [sflag:$0x3] =	stream.linear.gather [hbm4b:s21+s22], $0x180, $0x38;
	[tilespmem:$0x1D500] =	vst v63  }
0x83: {  	_ =	swait.ge [sflag:s2], $0x180  }
0x84: {  	[sflag:s2] =	ssyncset.done $0x0  }
0x85: {  	[sflag:s2] =	ssyncadd.s32 $0xFFFFFE80  }
0x86: {  	v1 =	vld [tilespmem:$0x0]  }
0x87: {  	v2 =	vld [tilespmem:$0x10]  }
0x88: {  	v3 =	vld [tilespmem:$0x20]  }
0x89: {  	s29 =	smul.u32 $0x2800, s20;
	v4 =	vld [tilespmem:$0x30]  }
0x8a: {  	v5 =	vld [tilespmem:$0x40]  }
0x8b: {  	v6 =	vld [tilespmem:$0x50];
	v1 =	vadd.s32 s29, v1  }
0x8c: {  	[tilespmem:$0x400] =	vst v1;
	v1 =	vadd.s32 s29, v2;
	v2 =	vld [tilespmem:$0x60]  }
0x8d: {  	[tilespmem:$0x410] =	vst v1;
	v1 =	vadd.s32 s29, v3;
	v3 =	vld [tilespmem:$0x70]  }
0x8e: {  	[tilespmem:$0x420] =	vst v1;
	v1 =	vadd.s32 s29, v4  }
0x8f: {  	[tilespmem:$0x430] =	vst v1;
	v1 =	vadd.s32 s29, v5  }
0x90: {  	[tilespmem:$0x440] =	vst v1;
	v1 =	vadd.s32 s29, v6  }
0x91: {  	[tilespmem:$0x450] =	vst v1;
	v1 =	vadd.s32 s29, v2  }
0x92: {  	[tilespmem:$0x460] =	vst v1;
	v1 =	vadd.s32 s29, v3  }
0x93: {  	s21 =	simm.s32 $0x0;
	[tilespmem:$0x470] =	vst v1  }
0x94: {  	v1 =	vmov s29;
	[tilespmem:s8], [sflag:$0x1] =	stream.indirect.gather [hbm4b:s4+s3], $0x80, s6, s3, $0xb8;
	[tilespmem:$0x1D500] =	vst v63  }
.LBB2_5:
0x95: {  	s22 =	sshll.u32 s21, $0xA  }
0x96: {  	s23 =	sadd.s32 s22, s9  }
0x97: {  	s23 =	sshrl.u32 s23, $0x3  }
0x98: {  	s24 =	sadd.s32 s5, s23;
	s23 =	simm.s32 $0x0  }
0x99: {  	[tilespmem:s11], [sflag:$0x3] =	stream.linear.gather [hbm4b:s24+s23], $0x180, $0x38;
	[tilespmem:$0x1D500] =	vst v63  }
0x9a: {  	_ =	swait.ge [sflag:s2], $0x180  }
0x9b: {  	[sflag:s2] =	ssyncset.done $0x0  }
0x9c: {  	[sflag:s2] =	ssyncadd.s32 $0xFFFFFE80  }
0x9d: {  	v2 =	vld [tilespmem:$0x200]  }
0x9e: {  	v3 =	vld [tilespmem:$0x210]  }
0x9f: {  	v4 =	vld [tilespmem:$0x220]  }
0xa0: {  	v5 =	vld [tilespmem:$0x230]  }
0xa1: {  	v6 =	vld [tilespmem:$0x240]  }
0xa2: {  	v7 =	vld [tilespmem:$0x250];
	v2 =	vadd.s32 v1, v2  }
0xa3: {  	[tilespmem:$0x480] =	vst v2;
	v2 =	vadd.s32 v1, v3;
	v3 =	vld [tilespmem:$0x260]  }
0xa4: {  	[tilespmem:$0x490] =	vst v2;
	v2 =	vadd.s32 v1, v4;
	v4 =	vld [tilespmem:$0x270]  }
0xa5: {  	[tilespmem:$0x4A0] =	vst v2;
	v2 =	vadd.s32 v1, v5  }
0xa6: {  	[tilespmem:$0x4B0] =	vst v2;
	v2 =	vadd.s32 v1, v6  }
0xa7: {  	[tilespmem:$0x4C0] =	vst v2;
	v2 =	vadd.s32 v1, v7  }
0xa8: {  	[tilespmem:$0x4D0] =	vst v2;
	v2 =	vadd.s32 v1, v3;
	v3 =	vmov s23  }
0xa9: {  	[tilespmem:$0x4E0] =	vst v2;
	v2 =	vadd.s32 v1, v4;
	v3 =	vand.u32 $0xFFFFFFFC, v3  }
0xaa: {  	[tilespmem:$0x4F0] =	vst v2;
	v2 =	vbroadcast v3, $0x0  }
0xab: {  	[tilespmem:s14], [sflag:$0x2] =	stream.indirect.gather [hbm4b:s4+s3], $0x80, s13, s3, $0xb8;
	[tilespmem:$0x1D500] =	vst v63  }
0xac: {  	_ =	swait.ge [sflag:s15], $0x4000  }
0xad: {  	[sflag:s15] =	ssyncset.done $0x0  }
0xae: {  	s24 =	simm.s32 $0x600;
	[sflag:s15] =	ssyncadd.s32 $0xFFFFC000  }
0xaf: {  	v3 =	vld [tilespmem:s24+$0xFFFFFF70]  }
0xb0: {  	v2 =	vld.idx.msk [tilespmem:v2+s16+$0x0], $0xffff  }
0xb1: {  	v4 =	vld [tilespmem:s24+$0xFFFFFF00]  }
0xb2: {  	v5 =	vld [tilespmem:s24+$0xFFFFFF20]  }
0xb3: {  	v6 =	vld [tilespmem:s24+$0xFFFFFF50]  }
0xb4: {  	v7 =	vld [tilespmem:s24+$0xFFFFFF40]  }
0xb5: {  	v8 =	vld [tilespmem:s24+$0xFFFFFF60];
	v3 =	vmul.f32 v2, v3  }
0xb6: {  	s25 =	simm.s32 $0x1;
	v9 =	vld [tilespmem:s24+$0xFFFFFF30];
	v4 =	vmul.f32 v2, v4  }
0xb7: {  	v10 =	vld [tilespmem:s24+$0xFFFFFF10];
	v5 =	vmul.f32 v2, v5;
	[tilespmem:s24+$0xFFFFFF70] =	vst v3;
	v3 =	vmov s25  }
0xb8: {  	v6 =	vmul.f32 v2, v6;
	[tilespmem:s24+$0xFFFFFF00] =	vst v4;
	v3 =	vand.u32 $0xFFFFFFFD, v3  }
0xb9: {  	v4 =	vmul.f32 v2, v7;
	[tilespmem:s24+$0xFFFFFF20] =	vst v5;
	v3 =	vbroadcast v3, $0x0  }
0xba: {  	v5 =	vmul.f32 v2, v8;
	[tilespmem:s24+$0xFFFFFF50] =	vst v6  }
0xbb: {  	v6 =	vmul.f32 v2, v9;
	[tilespmem:s24+$0xFFFFFF40] =	vst v4  }
0xbc: {  	v2 =	vmul.f32 v2, v10;
	[tilespmem:s24+$0xFFFFFF60] =	vst v5  }
0xbd: {  	[tilespmem:s24+$0xFFFFFF30] =	vst v6  }
0xbe: {  	[tilespmem:s24+$0xFFFFFF10] =	vst v2;
	v2 =	vld [tilespmem:s24+$0xFFFFFF90]  }
0xbf: {  	v4 =	vld.idx.msk [tilespmem:v3+s16+$0x0], $0xffff  }
0xc0: {  	v3 =	vld [tilespmem:s24+$0xFFFFFFA0]  }
0xc1: {  	v5 =	vld [tilespmem:s24+$0xFFFFFF80]  }
0xc2: {  	v6 =	vld [tilespmem:s24+$0xFFFFFFB0]  }
0xc3: {  	v7 =	vld [tilespmem:s24+$0xFFFFFFC0]  }
0xc4: {  	v8 =	vld [tilespmem:s24+$0xFFFFFFD0];
	v2 =	vmul.f32 v4, v2  }
0xc5: {  	s29 =	simm.s32 $0x2;
	v9 =	vld [tilespmem:s24+$0xFFFFFFF0];
	v3 =	vmul.f32 v4, v3  }
0xc6: {  	v10 =	vld [tilespmem:s24+$0xFFFFFFE0];
	v5 =	vmul.f32 v4, v5;
	[tilespmem:s24+$0xFFFFFF90] =	vst v2;
	v2 =	vmov s29  }
0xc7: {  	v6 =	vmul.f32 v4, v6;
	[tilespmem:s24+$0xFFFFFFA0] =	vst v3;
	v2 =	vand.u32 $0xFFFFFFFE, v2  }
0xc8: {  	v3 =	vmul.f32 v4, v7;
	[tilespmem:s24+$0xFFFFFF80] =	vst v5;
	v7 =	vld [tilespmem:s24+$0x60];
	v11 =	vbroadcast v2, $0x0  }
0xc9: {  	v5 =	vmul.f32 v4, v8;
	[tilespmem:s24+$0xFFFFFFB0] =	vst v6;
	v8 =	vld [tilespmem:s24+$0x0]  }
0xca: {  	v6 =	vmul.f32 v4, v9;
	v2 =	vld [tilespmem:s24+$0x20];
	[tilespmem:s24+$0xFFFFFFC0] =	vst v3  }
0xcb: {  	v4 =	vmul.f32 v4, v10;
	v3 =	vld [tilespmem:s24+$0x30];
	[tilespmem:s24+$0xFFFFFFD0] =	vst v5  }
0xcc: {  	[tilespmem:s24+$0xFFFFFFF0] =	vst v6;
	v5 =	vld [tilespmem:s24+$0x40]  }
0xcd: {  	[tilespmem:s24+$0xFFFFFFE0] =	vst v4;
	v6 =	vld [tilespmem:s24+$0x10]  }
0xce: {  	s26 =	simm.s32 $0x600;
	s25 =	simm.s32 $0x4;
	v4 =	vld.idx.msk [tilespmem:v11+s16+$0x0], $0xffff  }
.LBB2_6:
0xcf: {  	p0 =	sne.s32 s25, $0x7C  }
0xd0: {  	v9 =	vld [tilespmem:s24+$0x50];
	s26 =	sadd.s32 $0x200, s26;
	s28 =	smov.u32 s25;
	s25 =	sadd.s32 $0x4, s25  }
0xd1: {  	v10 =	vld [tilespmem:s24+$0x70];
	_ =	sdelay $0x1  }
0xd2: {  	v7 =	vmul.f32 v4, v7;
	v8 =	vmul.f32 v4, v8  }
0xd3: {  	v5 =	vmul.f32 v4, v5;
	v6 =	vmul.f32 v4, v6  }
0xd4: {  	v2 =	vmul.f32 v4, v2;
	v3 =	vmul.f32 v4, v3;
	[tilespmem:s24+$0x60] =	vst v7  }
0xd5: {  	[tilespmem:s24+$0x40] =	vst v5;
	v5 =	vmul.f32 v4, v9;
	v4 =	vmul.f32 v4, v10  }
0xd6: {  	s29 =	sadd.s32 $0x3, s23;
	s23 =	smov.u32 s28;
	[tilespmem:s24+$0x20] =	vst v2;
	v7 =	vld [tilespmem:s24+$0x80]  }
0xd7: {  	v2 =	vld [tilespmem:s26+$0x20];
	[tilespmem:s24+$0x0] =	vst v8;
	v8 =	vmov s29  }
0xd8: {  	[tilespmem:s24+$0x50] =	vst v5;
	v5 =	vld [tilespmem:s24+$0xE0]  }
0xd9: {  	[tilespmem:s24+$0x30] =	vst v3;
	v9 =	vld [tilespmem:s24+$0xC0]  }
0xda: {  	v3 =	vld [tilespmem:s26+$0x30];
	[tilespmem:s24+$0x10] =	vst v6  }
0xdb: {  	[tilespmem:s24+$0x70] =	vst v4;
	v4 =	vld [tilespmem:s24+$0xA0]  }
0xdc: {  	v6 =	vld.idx.msk [tilespmem:v8+s16+$0x0], $0xffff  }
0xdd: {  	v8 =	vld [tilespmem:s24+$0x90]  }
0xde: {  	v10 =	vld [tilespmem:s24+$0xB0]  }
0xdf: {  	v11 =	vld [tilespmem:s24+$0xD0]  }
0xe0: {  	v12 =	vld [tilespmem:s24+$0xF0];
	_ =	sdelay $0x1  }
0xe1: {  	v7 =	vmul.f32 v6, v7;
	v8 =	vmul.f32 v6, v8  }
0xe2: {  	v4 =	vmul.f32 v6, v4;
	v10 =	vmul.f32 v6, v10  }
0xe3: {  	v13 =	vmov s23;
	[tilespmem:s24+$0x80] =	vst v7;
	v7 =	vmul.f32 v6, v9;
	v9 =	vmul.f32 v6, v11  }
0xe4: {  	v11 =	vand.u32 $0xFFFFFFFC, v13;
	[tilespmem:s24+$0xA0] =	vst v4;
	v4 =	vmul.f32 v6, v5;
	v5 =	vmul.f32 v6, v12  }
0xe5: {  	v6 =	vbroadcast v11, $0x0;
	[tilespmem:s24+$0xC0] =	vst v7  }
0xe6: {  	[tilespmem:s24+$0xF0] =	vst v5  }
0xe7: {  	v5 =	vld [tilespmem:s26+$0xFFFFFF40];
	[tilespmem:s24+$0xE0] =	vst v4  }
0xe8: {  	v4 =	vld [tilespmem:s26+$0xFFFFFF50];
	[tilespmem:s24+$0x90] =	vst v8  }
0xe9: {  	v7 =	vld [tilespmem:s26+$0xFFFFFF60];
	[tilespmem:s24+$0xB0] =	vst v10  }
0xea: {  	v8 =	vld [tilespmem:s26+$0xFFFFFF70];
	[tilespmem:s24+$0xD0] =	vst v9;
	s24 =	smov.u32 s26  }
0xeb: {  	v6 =	vld.idx.msk [tilespmem:v6+s16+$0x0], $0xffff  }
0xec: {  	v9 =	vld [tilespmem:s26+$0xFFFFFF00]  }
0xed: {  	v10 =	vld [tilespmem:s26+$0xFFFFFF20]  }
0xee: {  	v11 =	vld [tilespmem:s26+$0xFFFFFF10]  }
0xef: {  	v12 =	vld [tilespmem:s26+$0xFFFFFF30];
	_ =	sdelay $0x1  }
0xf0: {  	v8 =	vmul.f32 v6, v8;
	v9 =	vmul.f32 v6, v9  }
0xf1: {  	s28 =	sadd.s32 $0x1, s23;
	v7 =	vmul.f32 v6, v7;
	v10 =	vmul.f32 v6, v10  }
0xf2: {  	v4 =	vmul.f32 v6, v4;
	v11 =	vmul.f32 v6, v11;
	[tilespmem:s26+$0xFFFFFF70] =	vst v8;
	v8 =	vmov s28  }
0xf3: {  	v5 =	vmul.f32 v6, v5;
	[tilespmem:s26+$0xFFFFFF00] =	vst v9;
	v9 =	vmul.f32 v6, v12;
	v6 =	vand.u32 $0xFFFFFFFD, v8  }
0xf4: {  	[tilespmem:s26+$0xFFFFFF20] =	vst v10;
	v6 =	vbroadcast v6, $0x0  }
0xf5: {  	[tilespmem:s26+$0xFFFFFF50] =	vst v4  }
0xf6: {  	[tilespmem:s26+$0xFFFFFF40] =	vst v5;
	v4 =	vld [tilespmem:s26+$0xFFFFFFF0]  }
0xf7: {  	[tilespmem:s26+$0xFFFFFF60] =	vst v7;
	v5 =	vld [tilespmem:s26+$0xFFFFFFC0]  }
0xf8: {  	[tilespmem:s26+$0xFFFFFF30] =	vst v9;
	v7 =	vld [tilespmem:s26+$0xFFFFFFD0]  }
0xf9: {  	[tilespmem:s26+$0xFFFFFF10] =	vst v11;
	v8 =	vld [tilespmem:s26+$0xFFFFFF90]  }
0xfa: {  	v6 =	vld.idx.msk [tilespmem:v6+s16+$0x0], $0xffff  }
0xfb: {  	v9 =	vld [tilespmem:s26+$0xFFFFFF80]  }
0xfc: {  	v10 =	vld [tilespmem:s26+$0xFFFFFFA0]  }
0xfd: {  	v11 =	vld [tilespmem:s26+$0xFFFFFFB0]  }
0xfe: {  	v12 =	vld [tilespmem:s26+$0xFFFFFFE0];
	_ =	sdelay $0x1  }
0xff: {  	v8 =	vmul.f32 v6, v8;
	v9 =	vmul.f32 v6, v9  }
0x100: {  	s28 =	sadd.s32 $0x2, s23;
	v7 =	vmul.f32 v6, v7;
	v10 =	vmul.f32 v6, v10  }
0x101: {  	v5 =	vmul.f32 v6, v5;
	[tilespmem:s26+$0xFFFFFF90] =	vst v8;
	v8 =	vmul.f32 v6, v11;
	v11 =	vmov s28  }
0x102: {  	v4 =	vmul.f32 v6, v4;
	[tilespmem:s26+$0xFFFFFFA0] =	vst v10;
	v10 =	vmul.f32 v6, v12;
	v6 =	vand.u32 $0xFFFFFFFE, v11  }
0x103: {  	[tilespmem:s26+$0xFFFFFF80] =	vst v9;
	v6 =	vbroadcast v6, $0x0  }
0x104: {  	[tilespmem:s26+$0xFFFFFFB0] =	vst v8  }
0x105: {  	[tilespmem:s26+$0xFFFFFFC0] =	vst v5  }
0x106: {  	[tilespmem:s26+$0xFFFFFFD0] =	vst v7  }
.Ltmp1:
0x107: {  	[tilespmem:s26+$0xFFFFFFF0] =	vst v4;
	v5 =	vld [tilespmem:s26+$0x40];
	(pc) =	sbr.rel @p0 .LBB2_6-.Ltmp1, $4  }
0x108: {  	[tilespmem:s26+$0xFFFFFFE0] =	vst v10;
	v7 =	vld [tilespmem:s26+$0x60]  }
0x109: {  	v4 =	vld.idx.msk [tilespmem:v6+s16+$0x0], $0xffff  }
0x10a: {  	v8 =	vld [tilespmem:s26+$0x0]  }
0x10b: {  	v6 =	vld [tilespmem:s26+$0x10]  }
0x10c: {  	_ =	sdelay $0x1  }
0x10d: {  	v7 =	vmul.f32 v4, v7  }
0x10e: {  	v9 =	vld [tilespmem:s24+$0x50];
	v5 =	vmul.f32 v4, v5  }
0x10f: {  	v10 =	vld [tilespmem:s24+$0x70];
	v2 =	vmul.f32 v4, v2;
	[tilespmem:s24+$0x60] =	vst v7  }
0x110: {  	v7 =	vmul.f32 v4, v8;
	[tilespmem:s24+$0x40] =	vst v5  }
0x111: {  	s23 =	sadd.s32 $0x3, s23;
	[tilespmem:s24+$0x20] =	vst v2;
	v2 =	vmul.f32 v4, v3  }
0x112: {  	v6 =	vmul.f32 v4, v6;
	[tilespmem:s24+$0x0] =	vst v7;
	v7 =	vmov s23  }
0x113: {  	v5 =	vmul.f32 v4, v9;
	[tilespmem:s24+$0x30] =	vst v2  }
0x114: {  	v4 =	vmul.f32 v4, v10;
	[tilespmem:s24+$0x10] =	vst v6  }
0x115: {  	[tilespmem:s24+$0x50] =	vst v5  }
0x116: {  	v3 =	vld [tilespmem:s24+$0x80];
	[tilespmem:s24+$0x70] =	vst v4  }
0x117: {  	v2 =	vld.idx.msk [tilespmem:v7+s16+$0x0], $0xffff  }
0x118: {  	v4 =	vld [tilespmem:s24+$0xA0]  }
0x119: {  	v5 =	vld [tilespmem:s24+$0xC0]  }
0x11a: {  	v6 =	vld [tilespmem:s24+$0xF0]  }
0x11b: {  	v7 =	vld [tilespmem:s24+$0xE0]  }
0x11c: {  	v8 =	vld [tilespmem:s24+$0x90];
	v3 =	vmul.f32 v2, v3  }
0x11d: {  	v9 =	vld [tilespmem:s24+$0xB0];
	v4 =	vmul.f32 v2, v4  }
0x11e: {  	v10 =	vld [tilespmem:s24+$0xD0];
	[tilespmem:s24+$0x80] =	vst v3;
	v3 =	vmul.f32 v2, v5  }
0x11f: {  	[tilespmem:s24+$0xA0] =	vst v4;
	v4 =	vmul.f32 v2, v6  }
0x120: {  	v5 =	vmul.f32 v2, v7;
	[tilespmem:s24+$0xC0] =	vst v3  }
0x121: {  	v3 =	vmul.f32 v2, v8;
	[tilespmem:s24+$0xF0] =	vst v4  }
0x122: {  	v4 =	vmul.f32 v2, v9;
	[tilespmem:s24+$0xE0] =	vst v5  }
0x123: {  	v2 =	vmul.f32 v2, v10;
	[tilespmem:s24+$0x90] =	vst v3  }
0x124: {  	[tilespmem:s24+$0xB0] =	vst v4  }
0x125: {  	[tilespmem:s24+$0xD0] =	vst v2  }
0x126: {  	[spmem:s1] =	stream.indirect.scatter.add.f32 [tilespmem:s8], [sflag:$0x3], $0x80, s3, s3, $0xb8;
	[tilespmem:$0x1D500] =	vst v63  }
0x127: {  	s22 =	sadd.s32 s22, s10;
	_ =	swait.ge [sflag:s2], $0x4000  }
0x128: {  	s22 =	sshrl.u32 s22, $0x3;
	[sflag:s2] =	ssyncset.done $0x0  }
0x129: {  	s26 =	sadd.s32 s5, s22;
	s22 =	simm.s32 $0x0;
	[sflag:s2] =	ssyncadd.s32 $0xFFFFC000  }
0x12a: {  	[tilespmem:s22], [sflag:$0x3] =	stream.linear.gather [hbm4b:s26+s22], $0x180, $0x38;
	[tilespmem:$0x1D500] =	vst v63  }
0x12b: {  	_ =	swait.ge [sflag:s2], $0x180  }
0x12c: {  	[sflag:s2] =	ssyncset.done $0x0  }
0x12d: {  	[sflag:s2] =	ssyncadd.s32 $0xFFFFFE80  }
0x12e: {  	v2 =	vld [tilespmem:$0x0]  }
0x12f: {  	v3 =	vld [tilespmem:$0x10]  }
0x130: {  	v4 =	vld [tilespmem:$0x20]  }
0x131: {  	v5 =	vld [tilespmem:$0x30]  }
0x132: {  	v6 =	vld [tilespmem:$0x40]  }
0x133: {  	v7 =	vld [tilespmem:$0x50];
	v2 =	vadd.s32 v1, v2  }
0x134: {  	[tilespmem:$0x400] =	vst v2;
	v2 =	vadd.s32 v1, v3;
	v3 =	vld [tilespmem:$0x60]  }
0x135: {  	[tilespmem:$0x410] =	vst v2;
	v2 =	vadd.s32 v1, v4;
	v4 =	vld [tilespmem:$0x70]  }
0x136: {  	[tilespmem:$0x420] =	vst v2;
	v2 =	vadd.s32 v1, v5  }
0x137: {  	[tilespmem:$0x430] =	vst v2;
	v2 =	vadd.s32 v1, v6  }
0x138: {  	[tilespmem:$0x440] =	vst v2;
	v2 =	vadd.s32 v1, v7  }
0x139: {  	[tilespmem:$0x450] =	vst v2;
	v2 =	vadd.s32 v1, v3;
	v3 =	vmov s22  }
0x13a: {  	[tilespmem:$0x460] =	vst v2;
	v2 =	vadd.s32 v1, v4;
	v3 =	vand.u32 $0xFFFFFFFC, v3  }
0x13b: {  	[tilespmem:$0x470] =	vst v2;
	v2 =	vbroadcast v3, $0x0  }
0x13c: {  	[tilespmem:s8], [sflag:$0x1] =	stream.indirect.gather [hbm4b:s4+s3], $0x80, s6, s3, $0xb8;
	[tilespmem:$0x1D500] =	vst v63  }
0x13d: {  	_ =	swait.ge [sflag:s17], $0x4000  }
0x13e: {  	[sflag:s17] =	ssyncset.done $0x0  }
0x13f: {  	s23 =	simm.s32 $0x4600;
	[sflag:s17] =	ssyncadd.s32 $0xFFFFC000  }
0x140: {  	v3 =	vld [tilespmem:s23+$0xFFFFFF70]  }
0x141: {  	v2 =	vld.idx.msk [tilespmem:v2+s18+$0x0], $0xffff  }
0x142: {  	v4 =	vld [tilespmem:s23+$0xFFFFFF00]  }
0x143: {  	v5 =	vld [tilespmem:s23+$0xFFFFFF20]  }
0x144: {  	v6 =	vld [tilespmem:s23+$0xFFFFFF50]  }
0x145: {  	v7 =	vld [tilespmem:s23+$0xFFFFFF40]  }
0x146: {  	v8 =	vld [tilespmem:s23+$0xFFFFFF60];
	v3 =	vmul.f32 v2, v3  }
0x147: {  	s28 =	simm.s32 $0x1;
	v9 =	vld [tilespmem:s23+$0xFFFFFF30];
	v4 =	vmul.f32 v2, v4  }
0x148: {  	v10 =	vld [tilespmem:s23+$0xFFFFFF10];
	v5 =	vmul.f32 v2, v5;
	[tilespmem:s23+$0xFFFFFF70] =	vst v3;
	v3 =	vmov s28  }
0x149: {  	v6 =	vmul.f32 v2, v6;
	[tilespmem:s23+$0xFFFFFF00] =	vst v4;
	v3 =	vand.u32 $0xFFFFFFFD, v3  }
0x14a: {  	v4 =	vmul.f32 v2, v7;
	[tilespmem:s23+$0xFFFFFF20] =	vst v5;
	v3 =	vbroadcast v3, $0x0  }
0x14b: {  	v5 =	vmul.f32 v2, v8;
	[tilespmem:s23+$0xFFFFFF50] =	vst v6  }
0x14c: {  	v6 =	vmul.f32 v2, v9;
	[tilespmem:s23+$0xFFFFFF40] =	vst v4  }
0x14d: {  	v2 =	vmul.f32 v2, v10;
	[tilespmem:s23+$0xFFFFFF60] =	vst v5  }
0x14e: {  	[tilespmem:s23+$0xFFFFFF30] =	vst v6  }
0x14f: {  	[tilespmem:s23+$0xFFFFFF10] =	vst v2;
	v2 =	vld [tilespmem:s23+$0xFFFFFF90]  }
0x150: {  	v4 =	vld.idx.msk [tilespmem:v3+s18+$0x0], $0xffff  }
0x151: {  	v3 =	vld [tilespmem:s23+$0xFFFFFFA0]  }
0x152: {  	v5 =	vld [tilespmem:s23+$0xFFFFFF80]  }
0x153: {  	v6 =	vld [tilespmem:s23+$0xFFFFFFB0]  }
0x154: {  	v7 =	vld [tilespmem:s23+$0xFFFFFFC0]  }
0x155: {  	v8 =	vld [tilespmem:s23+$0xFFFFFFD0];
	v2 =	vmul.f32 v4, v2  }
0x156: {  	s29 =	simm.s32 $0x2;
	v9 =	vld [tilespmem:s23+$0xFFFFFFF0];
	v3 =	vmul.f32 v4, v3  }
0x157: {  	v10 =	vld [tilespmem:s23+$0xFFFFFFE0];
	v5 =	vmul.f32 v4, v5;
	[tilespmem:s23+$0xFFFFFF90] =	vst v2;
	v2 =	vmov s29  }
0x158: {  	v6 =	vmul.f32 v4, v6;
	[tilespmem:s23+$0xFFFFFFA0] =	vst v3;
	v2 =	vand.u32 $0xFFFFFFFE, v2  }
0x159: {  	v3 =	vmul.f32 v4, v7;
	[tilespmem:s23+$0xFFFFFF80] =	vst v5;
	v7 =	vld [tilespmem:s23+$0x60];
	v11 =	vbroadcast v2, $0x0  }
0x15a: {  	v5 =	vmul.f32 v4, v8;
	[tilespmem:s23+$0xFFFFFFB0] =	vst v6;
	v8 =	vld [tilespmem:s23+$0x0]  }
0x15b: {  	v6 =	vmul.f32 v4, v9;
	v2 =	vld [tilespmem:s23+$0x20];
	[tilespmem:s23+$0xFFFFFFC0] =	vst v3  }
0x15c: {  	v4 =	vmul.f32 v4, v10;
	v3 =	vld [tilespmem:s23+$0x30];
	[tilespmem:s23+$0xFFFFFFD0] =	vst v5  }
0x15d: {  	[tilespmem:s23+$0xFFFFFFF0] =	vst v6;
	v5 =	vld [tilespmem:s23+$0x40]  }
0x15e: {  	[tilespmem:s23+$0xFFFFFFE0] =	vst v4;
	v6 =	vld [tilespmem:s23+$0x10]  }
0x15f: {  	s25 =	simm.s32 $0x4600;
	s24 =	simm.s32 $0x4;
	v4 =	vld.idx.msk [tilespmem:v11+s18+$0x0], $0xffff  }
.LBB2_8:
0x160: {  	p0 =	sne.s32 s24, $0x7C  }
0x161: {  	v9 =	vld [tilespmem:s23+$0x50];
	s25 =	sadd.s32 $0x200, s25;
	s26 =	smov.u32 s24;
	s24 =	sadd.s32 $0x4, s24  }
0x162: {  	v10 =	vld [tilespmem:s23+$0x70];
	_ =	sdelay $0x1  }
0x163: {  	v7 =	vmul.f32 v4, v7;
	v8 =	vmul.f32 v4, v8  }
0x164: {  	v5 =	vmul.f32 v4, v5;
	v6 =	vmul.f32 v4, v6  }
0x165: {  	v2 =	vmul.f32 v4, v2;
	v3 =	vmul.f32 v4, v3;
	[tilespmem:s23+$0x60] =	vst v7  }
0x166: {  	[tilespmem:s23+$0x40] =	vst v5;
	v5 =	vmul.f32 v4, v9;
	v4 =	vmul.f32 v4, v10  }
0x167: {  	s28 =	sadd.s32 $0x3, s22;
	s22 =	smov.u32 s26;
	[tilespmem:s23+$0x20] =	vst v2;
	v7 =	vld [tilespmem:s23+$0x80]  }
0x168: {  	v2 =	vld [tilespmem:s25+$0x20];
	[tilespmem:s23+$0x0] =	vst v8;
	v8 =	vmov s28  }
0x169: {  	[tilespmem:s23+$0x50] =	vst v5;
	v5 =	vld [tilespmem:s23+$0xE0]  }
0x16a: {  	[tilespmem:s23+$0x30] =	vst v3;
	v9 =	vld [tilespmem:s23+$0xC0]  }
0x16b: {  	v3 =	vld [tilespmem:s25+$0x30];
	[tilespmem:s23+$0x10] =	vst v6  }
0x16c: {  	[tilespmem:s23+$0x70] =	vst v4;
	v4 =	vld [tilespmem:s23+$0xA0]  }
0x16d: {  	v6 =	vld.idx.msk [tilespmem:v8+s18+$0x0], $0xffff  }
0x16e: {  	v8 =	vld [tilespmem:s23+$0x90]  }
0x16f: {  	v10 =	vld [tilespmem:s23+$0xB0]  }
0x170: {  	v11 =	vld [tilespmem:s23+$0xD0]  }
0x171: {  	v12 =	vld [tilespmem:s23+$0xF0];
	_ =	sdelay $0x1  }
0x172: {  	v7 =	vmul.f32 v6, v7;
	v8 =	vmul.f32 v6, v8  }
0x173: {  	v4 =	vmul.f32 v6, v4;
	v10 =	vmul.f32 v6, v10  }
0x174: {  	v13 =	vmov s22;
	[tilespmem:s23+$0x80] =	vst v7;
	v7 =	vmul.f32 v6, v9;
	v9 =	vmul.f32 v6, v11  }
0x175: {  	v11 =	vand.u32 $0xFFFFFFFC, v13;
	[tilespmem:s23+$0xA0] =	vst v4;
	v4 =	vmul.f32 v6, v5;
	v5 =	vmul.f32 v6, v12  }
0x176: {  	v6 =	vbroadcast v11, $0x0;
	[tilespmem:s23+$0xC0] =	vst v7  }
0x177: {  	[tilespmem:s23+$0xF0] =	vst v5  }
0x178: {  	v5 =	vld [tilespmem:s25+$0xFFFFFF40];
	[tilespmem:s23+$0xE0] =	vst v4  }
0x179: {  	v4 =	vld [tilespmem:s25+$0xFFFFFF50];
	[tilespmem:s23+$0x90] =	vst v8  }
0x17a: {  	v7 =	vld [tilespmem:s25+$0xFFFFFF60];
	[tilespmem:s23+$0xB0] =	vst v10  }
0x17b: {  	v8 =	vld [tilespmem:s25+$0xFFFFFF70];
	[tilespmem:s23+$0xD0] =	vst v9;
	s23 =	smov.u32 s25  }
0x17c: {  	v6 =	vld.idx.msk [tilespmem:v6+s18+$0x0], $0xffff  }
0x17d: {  	v9 =	vld [tilespmem:s25+$0xFFFFFF00]  }
0x17e: {  	v10 =	vld [tilespmem:s25+$0xFFFFFF20]  }
0x17f: {  	v11 =	vld [tilespmem:s25+$0xFFFFFF10]  }
0x180: {  	v12 =	vld [tilespmem:s25+$0xFFFFFF30];
	_ =	sdelay $0x1  }
0x181: {  	v8 =	vmul.f32 v6, v8;
	v9 =	vmul.f32 v6, v9  }
0x182: {  	s26 =	sadd.s32 $0x1, s22;
	v7 =	vmul.f32 v6, v7;
	v10 =	vmul.f32 v6, v10  }
0x183: {  	v4 =	vmul.f32 v6, v4;
	v11 =	vmul.f32 v6, v11;
	[tilespmem:s25+$0xFFFFFF70] =	vst v8;
	v8 =	vmov s26  }
0x184: {  	v5 =	vmul.f32 v6, v5;
	[tilespmem:s25+$0xFFFFFF00] =	vst v9;
	v9 =	vmul.f32 v6, v12;
	v6 =	vand.u32 $0xFFFFFFFD, v8  }
0x185: {  	[tilespmem:s25+$0xFFFFFF20] =	vst v10;
	v6 =	vbroadcast v6, $0x0  }
0x186: {  	[tilespmem:s25+$0xFFFFFF50] =	vst v4  }
0x187: {  	[tilespmem:s25+$0xFFFFFF40] =	vst v5;
	v4 =	vld [tilespmem:s25+$0xFFFFFFF0]  }
0x188: {  	[tilespmem:s25+$0xFFFFFF60] =	vst v7;
	v5 =	vld [tilespmem:s25+$0xFFFFFFC0]  }
0x189: {  	[tilespmem:s25+$0xFFFFFF30] =	vst v9;
	v7 =	vld [tilespmem:s25+$0xFFFFFFD0]  }
0x18a: {  	[tilespmem:s25+$0xFFFFFF10] =	vst v11;
	v8 =	vld [tilespmem:s25+$0xFFFFFF90]  }
0x18b: {  	v6 =	vld.idx.msk [tilespmem:v6+s18+$0x0], $0xffff  }
0x18c: {  	v9 =	vld [tilespmem:s25+$0xFFFFFF80]  }
0x18d: {  	v10 =	vld [tilespmem:s25+$0xFFFFFFA0]  }
0x18e: {  	v11 =	vld [tilespmem:s25+$0xFFFFFFB0]  }
0x18f: {  	v12 =	vld [tilespmem:s25+$0xFFFFFFE0];
	_ =	sdelay $0x1  }
0x190: {  	v8 =	vmul.f32 v6, v8;
	v9 =	vmul.f32 v6, v9  }
0x191: {  	s26 =	sadd.s32 $0x2, s22;
	v7 =	vmul.f32 v6, v7;
	v10 =	vmul.f32 v6, v10  }
0x192: {  	v5 =	vmul.f32 v6, v5;
	[tilespmem:s25+$0xFFFFFF90] =	vst v8;
	v8 =	vmul.f32 v6, v11;
	v11 =	vmov s26  }
0x193: {  	v4 =	vmul.f32 v6, v4;
	[tilespmem:s25+$0xFFFFFFA0] =	vst v10;
	v10 =	vmul.f32 v6, v12;
	v6 =	vand.u32 $0xFFFFFFFE, v11  }
0x194: {  	[tilespmem:s25+$0xFFFFFF80] =	vst v9;
	v6 =	vbroadcast v6, $0x0  }
0x195: {  	[tilespmem:s25+$0xFFFFFFB0] =	vst v8  }
0x196: {  	[tilespmem:s25+$0xFFFFFFC0] =	vst v5  }
0x197: {  	[tilespmem:s25+$0xFFFFFFD0] =	vst v7  }
.Ltmp2:
0x198: {  	[tilespmem:s25+$0xFFFFFFF0] =	vst v4;
	v5 =	vld [tilespmem:s25+$0x40];
	(pc) =	sbr.rel @p0 .LBB2_8-.Ltmp2, $4  }
0x199: {  	[tilespmem:s25+$0xFFFFFFE0] =	vst v10;
	v7 =	vld [tilespmem:s25+$0x60]  }
0x19a: {  	v4 =	vld.idx.msk [tilespmem:v6+s18+$0x0], $0xffff  }
0x19b: {  	v8 =	vld [tilespmem:s25+$0x0]  }
0x19c: {  	v6 =	vld [tilespmem:s25+$0x10]  }
0x19d: {  	_ =	sdelay $0x1  }
0x19e: {  	v7 =	vmul.f32 v4, v7  }
0x19f: {  	v9 =	vld [tilespmem:s23+$0x50];
	v5 =	vmul.f32 v4, v5  }
0x1a0: {  	v10 =	vld [tilespmem:s23+$0x70];
	v2 =	vmul.f32 v4, v2;
	[tilespmem:s23+$0x60] =	vst v7  }
0x1a1: {  	v50 =	vmul.f32 v4, v8;
	[tilespmem:s23+$0x40] =	vst v5  }
0x1a2: {  	s22 =	sadd.s32 $0x3, s22;
	[tilespmem:s23+$0x20] =	vst v2;
	v2 =	vmul.f32 v4, v3  }
0x1a3: {  	v52 =	vmov s22;
	v6 =	vmul.f32 v4, v6;
	[tilespmem:s23+$0x0] =	vst v50  }
0x1a4: {  	v51 =	vmul.f32 v4, v9;
	[tilespmem:s23+$0x30] =	vst v2  }
0x1a5: {  	v53 =	vmul.f32 v4, v10;
	[tilespmem:s23+$0x10] =	vst v6  }
0x1a6: {  	[tilespmem:s23+$0x50] =	vst v51  }
0x1a7: {  	v3 =	vld [tilespmem:s23+$0x80];
	[tilespmem:s23+$0x70] =	vst v53  }
0x1a8: {  	v2 =	vld.idx.msk [tilespmem:v52+s18+$0x0], $0xffff  }
0x1a9: {  	v54 =	vld [tilespmem:s23+$0xA0]  }
0x1aa: {  	v56 =	vld [tilespmem:s23+$0xF0]  }
0x1ab: {  	v57 =	vld [tilespmem:s23+$0xE0]  }
0x1ac: {  	v55 =	vld [tilespmem:s23+$0xC0]  }
0x1ad: {  	v59 =	vld [tilespmem:s23+$0xB0];
	v3 =	vmul.f32 v2, v3  }
0x1ae: {  	v58 =	vld [tilespmem:s23+$0x90];
	v4 =	vmul.f32 v2, v54  }
0x1af: {  	v60 =	vld [tilespmem:s23+$0xD0];
	v61 =	vmul.f32 v2, v56;
	[tilespmem:s23+$0x80] =	vst v3  }
0x1b0: {  	v62 =	vmul.f32 v2, v57;
	[tilespmem:s23+$0xA0] =	vst v4  }
0x1b1: {  	v3 =	vmul.f32 v2, v55;
	[tilespmem:s23+$0xF0] =	vst v61  }
0x1b2: {  	v63 =	vmul.f32 v2, v59;
	[tilespmem:s23+$0xE0] =	vst v62  }
0x1b3: {  	[tilespmem:s23+$0xC0] =	vst v3;
	v3 =	vmul.f32 v2, v58  }
0x1b4: {  	s21 =	sadd.s32 $0x1, s21;
	[tilespmem:s23+$0xB0] =	vst v63;
	v2 =	vmul.f32 v2, v60  }
0x1b5: {  	p0 =	sne.s32 s21, $0x27;
	[tilespmem:s23+$0x90] =	vst v3  }
.Ltmp3:
0x1b6: {  	[tilespmem:s23+$0xD0] =	vst v2;
	(pc) =	sbr.rel @p0 .LBB2_5-.Ltmp3, $4  }
0x1b7: {  	[spmem:s1] =	stream.indirect.scatter.add.f32 [tilespmem:s14], [sflag:$0x3], $0x80, s19, s3, $0xb8;
	[tilespmem:$0x1D500] =	vst v63  }
0x1b8: {  	_ =	swait.ge [sflag:s2], $0x4000  }
0x1b9: {  	[sflag:s2] =	ssyncset.done $0x0  }
0x1ba: {  	[sflag:s2] =	ssyncadd.s32 $0xFFFFC000  }
0x1bb: {  	s22 =	simm.s32 $0x0  }
0x1bc: {  	v1 =	vmov s22  }
0x1bd: {  	v1 =	vand.u32 $0xFFFFFFFC, v1  }
0x1be: {  	v1 =	vbroadcast v1, $0x0;
	_ =	sdelay $0x1  }
0x1bf: {  	_ =	swait.ge [sflag:s15], $0x4000  }
0x1c0: {  	[sflag:s15] =	ssyncset.done $0x0  }
0x1c1: {  	s21 =	simm.s32 $0x600;
	[sflag:s15] =	ssyncadd.s32 $0xFFFFC000  }
0x1c2: {  	v2 =	vld [tilespmem:s21+$0xFFFFFF70]  }
0x1c3: {  	v1 =	vld.idx.msk [tilespmem:v1+s16+$0x0], $0xffff  }
0x1c4: {  	v3 =	vld [tilespmem:s21+$0xFFFFFF00]  }
0x1c5: {  	v4 =	vld [tilespmem:s21+$0xFFFFFF20]  }
0x1c6: {  	v5 =	vld [tilespmem:s21+$0xFFFFFF50]  }
0x1c7: {  	v6 =	vld [tilespmem:s21+$0xFFFFFF40]  }
0x1c8: {  	v7 =	vld [tilespmem:s21+$0xFFFFFF60];
	v2 =	vmul.f32 v1, v2  }
0x1c9: {  	s23 =	simm.s32 $0x1;
	v8 =	vld [tilespmem:s21+$0xFFFFFF30];
	v3 =	vmul.f32 v1, v3  }
0x1ca: {  	v9 =	vld [tilespmem:s21+$0xFFFFFF10];
	v4 =	vmul.f32 v1, v4;
	[tilespmem:s21+$0xFFFFFF70] =	vst v2;
	v2 =	vmov s23  }
0x1cb: {  	v5 =	vmul.f32 v1, v5;
	[tilespmem:s21+$0xFFFFFF00] =	vst v3;
	v2 =	vand.u32 $0xFFFFFFFD, v2  }
0x1cc: {  	v3 =	vmul.f32 v1, v6;
	[tilespmem:s21+$0xFFFFFF20] =	vst v4;
	v2 =	vbroadcast v2, $0x0  }
0x1cd: {  	v4 =	vmul.f32 v1, v7;
	[tilespmem:s21+$0xFFFFFF50] =	vst v5  }
0x1ce: {  	v5 =	vmul.f32 v1, v8;
	[tilespmem:s21+$0xFFFFFF40] =	vst v3  }
0x1cf: {  	v1 =	vmul.f32 v1, v9;
	[tilespmem:s21+$0xFFFFFF60] =	vst v4  }
0x1d0: {  	[tilespmem:s21+$0xFFFFFF30] =	vst v5  }
0x1d1: {  	[tilespmem:s21+$0xFFFFFF10] =	vst v1;
	v1 =	vld [tilespmem:s21+$0xFFFFFF90]  }
0x1d2: {  	v3 =	vld.idx.msk [tilespmem:v2+s16+$0x0], $0xffff  }
0x1d3: {  	v2 =	vld [tilespmem:s21+$0xFFFFFFA0]  }
0x1d4: {  	v4 =	vld [tilespmem:s21+$0xFFFFFF80]  }
0x1d5: {  	v5 =	vld [tilespmem:s21+$0xFFFFFFB0]  }
0x1d6: {  	v6 =	vld [tilespmem:s21+$0xFFFFFFC0]  }
0x1d7: {  	v7 =	vld [tilespmem:s21+$0xFFFFFFD0];
	v1 =	vmul.f32 v3, v1  }
0x1d8: {  	s29 =	simm.s32 $0x2;
	v8 =	vld [tilespmem:s21+$0xFFFFFFF0];
	v2 =	vmul.f32 v3, v2  }
0x1d9: {  	v63 =	vld [tilespmem:s21+$0xFFFFFFE0];
	v4 =	vmul.f32 v3, v4;
	[tilespmem:s21+$0xFFFFFF90] =	vst v1;
	v1 =	vmov s29  }
0x1da: {  	v5 =	vmul.f32 v3, v5;
	[tilespmem:s21+$0xFFFFFFA0] =	vst v2;
	v1 =	vand.u32 $0xFFFFFFFE, v1  }
0x1db: {  	v2 =	vmul.f32 v3, v6;
	[tilespmem:s21+$0xFFFFFF80] =	vst v4;
	v6 =	vld [tilespmem:s21+$0x60];
	v10 =	vbroadcast v1, $0x0  }
0x1dc: {  	v4 =	vmul.f32 v3, v7;
	[tilespmem:s21+$0xFFFFFFB0] =	vst v5;
	v7 =	vld [tilespmem:s21+$0x0]  }
0x1dd: {  	v5 =	vmul.f32 v3, v8;
	v1 =	vld [tilespmem:s21+$0x20];
	[tilespmem:s21+$0xFFFFFFC0] =	vst v2  }
0x1de: {  	v3 =	vmul.f32 v3, v63;
	v2 =	vld [tilespmem:s21+$0x30];
	[tilespmem:s21+$0xFFFFFFD0] =	vst v4  }
0x1df: {  	[tilespmem:s21+$0xFFFFFFF0] =	vst v5;
	v4 =	vld [tilespmem:s21+$0x40]  }
0x1e0: {  	[tilespmem:s21+$0xFFFFFFE0] =	vst v3;
	v5 =	vld [tilespmem:s21+$0x10]  }
0x1e1: {  	s24 =	simm.s32 $0x600;
	s23 =	simm.s32 $0x4;
	v3 =	vld.idx.msk [tilespmem:v10+s16+$0x0], $0xffff  }
.LBB2_11:
0x1e2: {  	p0 =	sne.s32 s23, $0x7C  }
0x1e3: {  	v8 =	vld [tilespmem:s21+$0x50];
	s24 =	sadd.s32 $0x200, s24;
	s25 =	smov.u32 s23;
	s23 =	sadd.s32 $0x4, s23  }
0x1e4: {  	v9 =	vld [tilespmem:s21+$0x70];
	_ =	sdelay $0x1  }
0x1e5: {  	v6 =	vmul.f32 v3, v6;
	v7 =	vmul.f32 v3, v7  }
0x1e6: {  	v4 =	vmul.f32 v3, v4;
	v5 =	vmul.f32 v3, v5  }
0x1e7: {  	v1 =	vmul.f32 v3, v1;
	v2 =	vmul.f32 v3, v2;
	[tilespmem:s21+$0x60] =	vst v6  }
0x1e8: {  	[tilespmem:s21+$0x40] =	vst v4;
	v4 =	vmul.f32 v3, v8;
	v3 =	vmul.f32 v3, v9  }
0x1e9: {  	s26 =	sadd.s32 $0x3, s22;
	s22 =	smov.u32 s25;
	[tilespmem:s21+$0x20] =	vst v1;
	v6 =	vld [tilespmem:s21+$0x80]  }
0x1ea: {  	v1 =	vld [tilespmem:s24+$0x20];
	[tilespmem:s21+$0x0] =	vst v7;
	v7 =	vmov s26  }
0x1eb: {  	[tilespmem:s21+$0x50] =	vst v4;
	v4 =	vld [tilespmem:s21+$0xE0]  }
0x1ec: {  	[tilespmem:s21+$0x30] =	vst v2;
	v8 =	vld [tilespmem:s21+$0xC0]  }
0x1ed: {  	v2 =	vld [tilespmem:s24+$0x30];
	[tilespmem:s21+$0x10] =	vst v5  }
0x1ee: {  	[tilespmem:s21+$0x70] =	vst v3;
	v3 =	vld [tilespmem:s21+$0xA0]  }
0x1ef: {  	v5 =	vld.idx.msk [tilespmem:v7+s16+$0x0], $0xffff  }
0x1f0: {  	v7 =	vld [tilespmem:s21+$0x90]  }
0x1f1: {  	v9 =	vld [tilespmem:s21+$0xB0]  }
0x1f2: {  	v10 =	vld [tilespmem:s21+$0xD0]  }
0x1f3: {  	v11 =	vld [tilespmem:s21+$0xF0];
	_ =	sdelay $0x1  }
0x1f4: {  	v6 =	vmul.f32 v5, v6;
	v7 =	vmul.f32 v5, v7  }
0x1f5: {  	v3 =	vmul.f32 v5, v3;
	v9 =	vmul.f32 v5, v9  }
0x1f6: {  	v12 =	vmov s22;
	[tilespmem:s21+$0x80] =	vst v6;
	v6 =	vmul.f32 v5, v8;
	v8 =	vmul.f32 v5, v10  }
0x1f7: {  	v10 =	vand.u32 $0xFFFFFFFC, v12;
	[tilespmem:s21+$0xA0] =	vst v3;
	v3 =	vmul.f32 v5, v4;
	v4 =	vmul.f32 v5, v11  }
0x1f8: {  	v5 =	vbroadcast v10, $0x0;
	[tilespmem:s21+$0xC0] =	vst v6  }
0x1f9: {  	[tilespmem:s21+$0xF0] =	vst v4  }
0x1fa: {  	v4 =	vld [tilespmem:s24+$0xFFFFFF40];
	[tilespmem:s21+$0xE0] =	vst v3  }
0x1fb: {  	v3 =	vld [tilespmem:s24+$0xFFFFFF50];
	[tilespmem:s21+$0x90] =	vst v7  }
0x1fc: {  	v6 =	vld [tilespmem:s24+$0xFFFFFF60];
	[tilespmem:s21+$0xB0] =	vst v9  }
0x1fd: {  	v7 =	vld [tilespmem:s24+$0xFFFFFF70];
	[tilespmem:s21+$0xD0] =	vst v8;
	s21 =	smov.u32 s24  }
0x1fe: {  	v5 =	vld.idx.msk [tilespmem:v5+s16+$0x0], $0xffff  }
0x1ff: {  	v8 =	vld [tilespmem:s24+$0xFFFFFF00]  }
0x200: {  	v9 =	vld [tilespmem:s24+$0xFFFFFF20]  }
0x201: {  	v10 =	vld [tilespmem:s24+$0xFFFFFF10]  }
0x202: {  	v11 =	vld [tilespmem:s24+$0xFFFFFF30];
	_ =	sdelay $0x1  }
0x203: {  	v7 =	vmul.f32 v5, v7;
	v8 =	vmul.f32 v5, v8  }
0x204: {  	s25 =	sadd.s32 $0x1, s22;
	v6 =	vmul.f32 v5, v6;
	v9 =	vmul.f32 v5, v9  }
0x205: {  	v3 =	vmul.f32 v5, v3;
	v10 =	vmul.f32 v5, v10;
	[tilespmem:s24+$0xFFFFFF70] =	vst v7;
	v7 =	vmov s25  }
0x206: {  	v4 =	vmul.f32 v5, v4;
	[tilespmem:s24+$0xFFFFFF00] =	vst v8;
	v8 =	vmul.f32 v5, v11;
	v5 =	vand.u32 $0xFFFFFFFD, v7  }
0x207: {  	[tilespmem:s24+$0xFFFFFF20] =	vst v9;
	v5 =	vbroadcast v5, $0x0  }
0x208: {  	[tilespmem:s24+$0xFFFFFF50] =	vst v3  }
0x209: {  	[tilespmem:s24+$0xFFFFFF40] =	vst v4;
	v3 =	vld [tilespmem:s24+$0xFFFFFFF0]  }
0x20a: {  	[tilespmem:s24+$0xFFFFFF60] =	vst v6;
	v4 =	vld [tilespmem:s24+$0xFFFFFFC0]  }
0x20b: {  	[tilespmem:s24+$0xFFFFFF30] =	vst v8;
	v6 =	vld [tilespmem:s24+$0xFFFFFFD0]  }
0x20c: {  	[tilespmem:s24+$0xFFFFFF10] =	vst v10;
	v7 =	vld [tilespmem:s24+$0xFFFFFF90]  }
0x20d: {  	v5 =	vld.idx.msk [tilespmem:v5+s16+$0x0], $0xffff  }
0x20e: {  	v8 =	vld [tilespmem:s24+$0xFFFFFF80]  }
0x20f: {  	v9 =	vld [tilespmem:s24+$0xFFFFFFA0]  }
0x210: {  	v10 =	vld [tilespmem:s24+$0xFFFFFFB0]  }
0x211: {  	v11 =	vld [tilespmem:s24+$0xFFFFFFE0];
	_ =	sdelay $0x1  }
0x212: {  	v7 =	vmul.f32 v5, v7;
	v8 =	vmul.f32 v5, v8  }
0x213: {  	s25 =	sadd.s32 $0x2, s22;
	v6 =	vmul.f32 v5, v6;
	v9 =	vmul.f32 v5, v9  }
0x214: {  	v4 =	vmul.f32 v5, v4;
	[tilespmem:s24+$0xFFFFFF90] =	vst v7;
	v7 =	vmul.f32 v5, v10;
	v10 =	vmov s25  }
0x215: {  	v3 =	vmul.f32 v5, v3;
	[tilespmem:s24+$0xFFFFFFA0] =	vst v9;
	v9 =	vmul.f32 v5, v11;
	v5 =	vand.u32 $0xFFFFFFFE, v10  }
0x216: {  	[tilespmem:s24+$0xFFFFFF80] =	vst v8;
	v5 =	vbroadcast v5, $0x0  }
0x217: {  	[tilespmem:s24+$0xFFFFFFB0] =	vst v7  }
0x218: {  	[tilespmem:s24+$0xFFFFFFC0] =	vst v4  }
0x219: {  	[tilespmem:s24+$0xFFFFFFD0] =	vst v6  }
.Ltmp4:
0x21a: {  	[tilespmem:s24+$0xFFFFFFF0] =	vst v3;
	v4 =	vld [tilespmem:s24+$0x40];
	(pc) =	sbr.rel @p0 .LBB2_11-.Ltmp4, $4  }
0x21b: {  	[tilespmem:s24+$0xFFFFFFE0] =	vst v9;
	v6 =	vld [tilespmem:s24+$0x60]  }
0x21c: {  	v3 =	vld.idx.msk [tilespmem:v5+s16+$0x0], $0xffff  }
0x21d: {  	v7 =	vld [tilespmem:s24+$0x0]  }
0x21e: {  	v5 =	vld [tilespmem:s24+$0x10]  }
0x21f: {  	_ =	sdelay $0x1  }
0x220: {  	v6 =	vmul.f32 v3, v6  }
0x221: {  	v8 =	vld [tilespmem:s21+$0x50];
	v4 =	vmul.f32 v3, v4  }
0x222: {  	v9 =	vld [tilespmem:s21+$0x70];
	v1 =	vmul.f32 v3, v1;
	[tilespmem:s21+$0x60] =	vst v6  }
0x223: {  	v54 =	vmul.f32 v3, v7;
	[tilespmem:s21+$0x40] =	vst v4  }
0x224: {  	s22 =	sadd.s32 $0x3, s22;
	[tilespmem:s21+$0x20] =	vst v1;
	v1 =	vmul.f32 v3, v2  }
0x225: {  	v56 =	vmov s22;
	v5 =	vmul.f32 v3, v5;
	[tilespmem:s21+$0x0] =	vst v54  }
0x226: {  	v55 =	vmul.f32 v3, v8;
	[tilespmem:s21+$0x30] =	vst v1  }
0x227: {  	v3 =	vmul.f32 v3, v9;
	[tilespmem:s21+$0x10] =	vst v5  }
0x228: {  	[tilespmem:s21+$0x50] =	vst v55  }
0x229: {  	v2 =	vld [tilespmem:s21+$0x80];
	[tilespmem:s21+$0x70] =	vst v3  }
0x22a: {  	v1 =	vld.idx.msk [tilespmem:v56+s16+$0x0], $0xffff  }
0x22b: {  	v3 =	vld [tilespmem:s21+$0xA0]  }
0x22c: {  	v59 =	vld [tilespmem:s21+$0xE0]  }
0x22d: {  	v57 =	vld [tilespmem:s21+$0xC0]  }
0x22e: {  	v58 =	vld [tilespmem:s21+$0xF0]  }
0x22f: {  	v60 =	vld [tilespmem:s21+$0x90];
	v2 =	vmul.f32 v1, v2  }
0x230: {  	v61 =	vld [tilespmem:s21+$0xB0];
	v3 =	vmul.f32 v1, v3  }
0x231: {  	v62 =	vld [tilespmem:s21+$0xD0];
	v63 =	vmul.f32 v1, v59;
	[tilespmem:s21+$0x80] =	vst v2  }
0x232: {  	v2 =	vmul.f32 v1, v57;
	[tilespmem:s21+$0xA0] =	vst v3  }
0x233: {  	v3 =	vmul.f32 v1, v58;
	[tilespmem:s21+$0xE0] =	vst v63  }
0x234: {  	[tilespmem:s21+$0xC0] =	vst v2;
	v2 =	vmul.f32 v1, v60  }
0x235: {  	[tilespmem:s21+$0xF0] =	vst v3;
	v3 =	vmul.f32 v1, v61  }
0x236: {  	v1 =	vmul.f32 v1, v62;
	[tilespmem:s21+$0x90] =	vst v2  }
0x237: {  	[tilespmem:s21+$0xB0] =	vst v3  }
0x238: {  	[tilespmem:s21+$0xD0] =	vst v1  }
0x239: {  	[spmem:s1] =	stream.indirect.scatter.add.f32 [tilespmem:s8], [sflag:$0x3], $0x80, s3, s3, $0xb8;
	[tilespmem:$0x1D500] =	vst v63  }
0x23a: {  	_ =	swait.ge [sflag:s2], $0x4000  }
0x23b: {  	s23 =	smul.u32 $0x140000, s20;
	[sflag:s2] =	ssyncset.done $0x0  }
0x23c: {  	s24 =	rddreg [dreg:$0x6];
	[sflag:s2] =	ssyncadd.s32 $0xFFFFC000  }
0x23d: {  	s25 =	stileid.u32;
	s21 =	sadd.s32 s23, s24;
	[bflag:$0x0] =	sbarrier.arrive $0xFFFF  }
0x23e: {  	s22 =	sshll.u32 s25, $0x6;
	s21 =	sshrl.u32 s21, $0x3;
	s23 =	rddreg [dreg:$0x4]  }
0x23f: {  	s26 =	sshrl.u32 s7, $0x3;
	s22 =	sor.u32 $0x1C03, s22;
	s21 =	sadd.s32 s23, s21  }
0x240: {  	[hbm:s21], [sflag:s22] =	dma.local [spmem:s26], $0x2800  }
0x241: {  	_ =	swait.ge [sflag:s2], $0x2800  }
0x242: {  	[sflag:s2] =	ssyncset.done $0x0  }
0x243: {  	[sflag:s2] =	ssyncadd.s32 $0xFFFFD800  }
0x244: {  	[spmem:s7] =	stream.linear.scatter [tilespmem:s12], [sflag:$0x3], $0x1000, $0x38;
	[tilespmem:$0x1D500] =	vst v63  }
0x245: {  	_ =	swait.ge [sflag:s2], $0x1000  }
0x246: {  	[sflag:s2] =	ssyncset.done $0x0  }
0x247: {  	s28 =	rddreg [dreg:$0x8];
	[sflag:s2] =	ssyncadd.s32 $0xFFFFF000  }
0x248: {  	[spmem:s28] =	stream.linear.scatter [tilespmem:s12], [sflag:$0x3], $0x1000, $0x38;
	[tilespmem:$0x1D500] =	vst v63  }
0x249: {  	_ =	swait.ge [sflag:s2], $0x1000  }
0x24a: {  	[sflag:s2] =	ssyncset.done $0x0  }
0x24b: {  	s29 =	rddreg [dreg:$0x9];
	[sflag:s2] =	ssyncadd.s32 $0xFFFFF000  }
0x24c: {  	[spmem:s29] =	stream.linear.scatter [tilespmem:s12], [sflag:$0x3], $0x1000, $0x38;
	[tilespmem:$0x1D500] =	vst v63  }
0x24d: {  	_ =	swait.ge [sflag:s2], $0x1000  }
0x24e: {  	[sflag:s2] =	ssyncset.done $0x0  }
0x24f: {  	s22 =	rddreg [dreg:$0xa];
	[sflag:s2] =	ssyncadd.s32 $0xFFFFF000  }
0x250: {  	[spmem:s22] =	stream.linear.scatter [tilespmem:s12], [sflag:$0x3], $0x1000, $0x38;
	[tilespmem:$0x1D500] =	vst v63  }
0x251: {  	_ =	swait.ge [sflag:s2], $0x1000  }
0x252: {  	[sflag:s2] =	ssyncset.done $0x0  }
0x253: {  	s23 =	rddreg [dreg:$0xb];
	[sflag:s2] =	ssyncadd.s32 $0xFFFFF000  }
0x254: {  	[spmem:s23] =	stream.linear.scatter [tilespmem:s12], [sflag:$0x3], $0x1000, $0x38;
	[tilespmem:$0x1D500] =	vst v63  }
0x255: {  	_ =	swait.ge [sflag:s2], $0x1000  }
0x256: {  	[sflag:s2] =	ssyncset.done $0x0  }
0x257: {  	s24 =	rddreg [dreg:$0xc];
	[sflag:s2] =	ssyncadd.s32 $0xFFFFF000  }
0x258: {  	[spmem:s24] =	stream.linear.scatter [tilespmem:s12], [sflag:$0x3], $0x1000, $0x38;
	[tilespmem:$0x1D500] =	vst v63  }
0x259: {  	_ =	swait.ge [sflag:s2], $0x1000  }
0x25a: {  	[sflag:s2] =	ssyncset.done $0x0  }
0x25b: {  	s25 =	rddreg [dreg:$0xd];
	[sflag:s2] =	ssyncadd.s32 $0xFFFFF000  }
0x25c: {  	[spmem:s25] =	stream.linear.scatter [tilespmem:s12], [sflag:$0x3], $0x1000, $0x38;
	[tilespmem:$0x1D500] =	vst v63  }
0x25d: {  	_ =	swait.ge [sflag:s2], $0x1000  }
0x25e: {  	[sflag:s2] =	ssyncset.done $0x0  }
0x25f: {  	s26 =	rddreg [dreg:$0xe];
	[sflag:s2] =	ssyncadd.s32 $0xFFFFF000  }
0x260: {  	[spmem:s26] =	stream.linear.scatter [tilespmem:s12], [sflag:$0x3], $0x1000, $0x38;
	[tilespmem:$0x1D500] =	vst v63  }
0x261: {  	_ =	swait.ge [sflag:s2], $0x1000  }
0x262: {  	[sflag:s2] =	ssyncset.done $0x0  }
0x263: {  	s28 =	rddreg [dreg:$0xf];
	[sflag:s2] =	ssyncadd.s32 $0xFFFFF000  }
0x264: {  	[spmem:s28] =	stream.linear.scatter [tilespmem:s12], [sflag:$0x3], $0x1000, $0x38;
	[tilespmem:$0x1D500] =	vst v63  }
0x265: {  	_ =	swait.ge [sflag:s2], $0x1000  }
0x266: {  	[sflag:s2] =	ssyncset.done $0x0  }
0x267: {  	s29 =	rddreg [dreg:$0x10];
	[sflag:s2] =	ssyncadd.s32 $0xFFFFF000  }
0x268: {  	[spmem:s29] =	stream.linear.scatter [tilespmem:s12], [sflag:$0x3], $0x1000, $0x38;
	[tilespmem:$0x1D500] =	vst v63  }
0x269: {  	_ =	swait.ge [sflag:s2], $0x1000  }
0x26a: {  	[sflag:s2] =	ssyncset.done $0x0  }
0x26b: {  	s22 =	rddreg [dreg:$0x11];
	[sflag:s2] =	ssyncadd.s32 $0xFFFFF000  }
0x26c: {  	[spmem:s22] =	stream.linear.scatter [tilespmem:s12], [sflag:$0x3], $0x1000, $0x38;
	[tilespmem:$0x1D500] =	vst v63  }
0x26d: {  	_ =	swait.ge [sflag:s2], $0x1000  }
0x26e: {  	[sflag:s2] =	ssyncset.done $0x0  }
0x26f: {  	s23 =	rddreg [dreg:$0x12];
	[sflag:s2] =	ssyncadd.s32 $0xFFFFF000  }
0x270: {  	[spmem:s23] =	stream.linear.scatter [tilespmem:s12], [sflag:$0x3], $0x1000, $0x38;
	[tilespmem:$0x1D500] =	vst v63  }
0x271: {  	_ =	swait.ge [sflag:s2], $0x1000  }
0x272: {  	[sflag:s2] =	ssyncset.done $0x0  }
0x273: {  	s24 =	rddreg [dreg:$0x13];
	[sflag:s2] =	ssyncadd.s32 $0xFFFFF000  }
0x274: {  	[spmem:s24] =	stream.linear.scatter [tilespmem:s12], [sflag:$0x3], $0x1000, $0x38;
	[tilespmem:$0x1D500] =	vst v63  }
0x275: {  	_ =	swait.ge [sflag:s2], $0x1000  }
0x276: {  	[sflag:s2] =	ssyncset.done $0x0  }
0x277: {  	s25 =	rddreg [dreg:$0x14];
	[sflag:s2] =	ssyncadd.s32 $0xFFFFF000  }
0x278: {  	[spmem:s25] =	stream.linear.scatter [tilespmem:s12], [sflag:$0x3], $0x1000, $0x38;
	[tilespmem:$0x1D500] =	vst v63  }
0x279: {  	_ =	swait.ge [sflag:s2], $0x1000  }
0x27a: {  	[sflag:s2] =	ssyncset.done $0x0  }
0x27b: {  	s26 =	rddreg [dreg:$0x15];
	[sflag:s2] =	ssyncadd.s32 $0xFFFFF000  }
0x27c: {  	[spmem:s26] =	stream.linear.scatter [tilespmem:s12], [sflag:$0x3], $0x1000, $0x38;
	[tilespmem:$0x1D500] =	vst v63  }
0x27d: {  	_ =	swait.ge [sflag:s2], $0x1000  }
0x27e: {  	[sflag:s2] =	ssyncset.done $0x0  }
0x27f: {  	s28 =	rddreg [dreg:$0x16];
	[sflag:s2] =	ssyncadd.s32 $0xFFFFF000  }
0x280: {  	[spmem:s28] =	stream.linear.scatter [tilespmem:s12], [sflag:$0x3], $0x1000, $0x38;
	[tilespmem:$0x1D500] =	vst v63  }
0x281: {  	_ =	swait.ge [sflag:s2], $0x1000  }
0x282: {  	[sflag:s2] =	ssyncset.done $0x0  }
0x283: {  	s29 =	rddreg [dreg:$0x17];
	[sflag:s2] =	ssyncadd.s32 $0xFFFFF000  }
0x284: {  	[spmem:s29] =	stream.linear.scatter [tilespmem:s12], [sflag:$0x3], $0x1000, $0x38;
	[tilespmem:$0x1D500] =	vst v63  }
0x285: {  	_ =	swait.ge [sflag:s2], $0x1000  }
0x286: {  	[sflag:s2] =	ssyncset.done $0x0  }
0x287: {  	[sflag:s2] =	ssyncadd.s32 $0xFFFFF000  }
0x288: {  	[spmem:s30] =	stream.linear.scatter [tilespmem:s12], [sflag:$0x3], $0x1000, $0x38;
	[tilespmem:$0x1D500] =	vst v63  }
0x289: {  	_ =	swait.ge [sflag:s2], $0x1000  }
0x28a: {  	[sflag:s2] =	ssyncset.done $0x0  }
0x28b: {  	[sflag:s2] =	ssyncadd.s32 $0xFFFFF000  }
0x28c: {  	[spmem:s31] =	stream.linear.scatter [tilespmem:s12], [sflag:$0x3], $0x1000, $0x38;
	[tilespmem:$0x1D500] =	vst v63  }
0x28d: {  	_ =	swait.ge [sflag:s2], $0x1000  }
0x28e: {  	s20 =	sadd.s32 $0x1, s20;
	[sflag:s2] =	ssyncset.done $0x0  }
0x28f: {  	p0 =	sne.s32 s20, $0xC;
	[sflag:s2] =	ssyncadd.s32 $0xFFFFF000  }
0x290: {  	[spmem:s0] =	stream.linear.scatter [tilespmem:s12], [sflag:$0x3], $0x1000, $0x38;
	[tilespmem:$0x1D500] =	vst v63  }
.Ltmp5:
0x291: {  	_ =	swait.ge [sflag:s2], $0x1000;
	(pc) =	sbr.rel @p0 .LBB2_4-.Ltmp5, $3  }
0x292: {  	[sflag:s2] =	ssyncset.done $0x0  }
0x293: {  	[sflag:s2] =	ssyncadd.s32 $0xFFFFF000  }
0x294: {  	[bflag:$0x0] =	sbarrier.arrive $0xFFFF;
	_ =	sdelay $0x1  }
0x295: {  	s20 =	rddreg [dreg:$0x3]  }
0x296: {  	s21 =	rddreg [dreg:$0x7];
	s20 =	sadd.s32 $0x1, s20  }
0x297: {  	p0 =	sne.s32 s20, s21  }
.Ltmp6:
0x298: {  	_ = 	snop;
	(pc) =	sbr.rel @p0 .LBB2_1-.Ltmp6, $1  }
0x299: {  	_ =	sdelay $0x3  }
0x29a: {  	_ =	sfence.sel $0x180000  }
0x29b: {  	[bflag:$0x0] =	sbarrier.arrive $0xFFFF  }
0x29c: {  	_ =	strace $0x9000004A  }
0x29d: {  	s0 =	stileid.u32;
	[bflag:$0x2] =	sbarrier.arrive $0xFFFF  }
0x29e: {  	p0 =	sne.s32 s0, $0x0;
	s0 =	rddreg [dreg:$0x2]  }
0x29f: {  	s0 =	sadd.s32 @!p0 $0x100000, s0  }
0x2a0: {  	[sflag:s0] =	ssyncadd.tile.s32 @!p0 $0x1;
	_ =	shalt  }
.Lfunc_end2:
_tile_overlayer_lowered:
.L_overlay_start_2:
0x2a1: {  	(tag) =	ssettag $0x2  }
0x2a2: {  	s0 =	rddreg [dreg:$0x0];
	s2 =	stileid.u32  }
0x2a3: {  	s1 =	rddreg [dreg:$0x1];
	p0 =	sne.s32 s2, $0x0  }
0x2a4: {  	s3 =	rddreg [dreg:$0x2];
	[bflag:$0x3] =	sbarrier.arrive $0xFFFF;
	s2 =	simm.s32 @!p0 $0x1C03  }
0x2a5: {  	[timem:s3], [sflag:s2] =	dma.local @!p0 [hbm:s0], s1  }
0x2a6: {  	s0 =	simm.s32 @!p0 $0x3  }
0x2a7: {  	_ =	swait.ge @!p0 [sflag:s0], s1  }
0x2a8: {  	s1 =	ssub.s32 @!p0 $0x0, s1;
	[sflag:s0] =	ssyncset.done @!p0 $0x0  }
0x2a9: {  	[sflag:s0] =	ssyncadd.s32 @!p0 s1  }
0x2aa: {  	[bflag:$0x3] =	sbarrier.arrive $0xFFFF  }
0x2ab: {  	_ =	shalt  }

// kernel: kernel.8.cloned.1.call-start
scs
__scs_entry_jumppad:
0x0: {  	(pc) =	sbr.rel $0x88, $3  }
0x1: {  	(tag) =	ssettag $0x0;
	lr =	simm.s32 $0x1  }
0x2: {  	[smem:$0x3F98] =	sst lr;
	_ =	strace $0xD0000000  }
0x3: {  	_ = 	snop  }
0x4: {  	_ = 	snop  }
0x5: {  	_ = 	snop  }
0x6: {  	_ = 	snop  }
0x7: {  	_ = 	snop  }
__scs_overlays_trampoline_lowered:
0x8: {  	[smem:$0x3FA7] =	sst s0  }
0x9: {  	[smem:$0x3FA8] =	sst s1  }
0xa: {  	[smem:$0x3FA9] =	sst s2  }
0xb: {  	[smem:$0x3FAA] =	sst s3  }
0xc: {  	[smem:$0x3FAB] =	sst s4  }
0xd: {  	[smem:$0x3FAC] =	sst s5  }
0xe: {  	[smem:$0x3FAD] =	sst s6  }
0xf: {  	[smem:$0x3FAE] =	sst s7  }
0x10: {  	[smem:$0x3FAF] =	sst s8  }
0x11: {  	[smem:$0x3FB0] =	sst s9;
	s0 =	simm.s32 @!p0 $0x0  }
0x12: {  	s1 =	sld [smem:$0x3F96];
	s0 =	simm.s32 @p0 $0x1  }
0x13: {  	[smem:$0x3FB1] =	sst s0;
	s0 =	simm.s32 @!p1 $0x0  }
0x14: {  	s2 =	sld [smem:$0x3F95];
	s0 =	simm.s32 @p1 $0x1  }
0x15: {  	[smem:$0x3FB2] =	sst s0;
	s0 =	simm.s32 @!p2 $0x0  }
0x16: {  	s3 =	sld [smem:$0x3FDB];
	s0 =	simm.s32 @p2 $0x1  }
0x17: {  	s4 =	simm.s32 $0x1BF5;
	[smem:$0x3FB4] =	sst s0  }
0x18: {  	s0 =	sld [smem:$0x3F97];
	_ =	swait.ge [sflag:s4], $0x0  }
0x19: {  	s7 =	sld [smem:$0x3F98]  }
0x1a: {  	s8 =	sadd.s32 $0xFFFFE003, lr  }
0x1b: {  	s9 =	sadd.s32 $0xFFFFFEF7, lr;
	s5 =	simm.s32 $0xFFFFFFFF;
	p2 =	slt.u32 s8, $0xFFFFF086  }
0x1c: {  	p1 =	slt.u32 s9, $0xF7A;
	s5 =	simm.s32 @!p2 $0x0  }
0x1d: {  	s5 =	simm.s32 @p1 $0x1;
	p0 =	seq.s32 s7, s2  }
0x1e: {  	s7 =	smul.u32 @!p0 $0xF7A, s2;
	p2 =	seq.s32 @!p0 s5, $0x0  }
0x1f: {  	s9 =	smul.u32 $0xF7A, s1;
	s8 =	simm.s32 @!p0 $0x1BF5;
	p2 =	por !p2, p0  }
0x20: {  	[sflag:s8] =	ssyncset.s32 @!p0 $0xFFFFF086;
	s6 =	sadd.s32 @!p0 s3, s7;
	s7 =	simm.s32 @!p0 $0x108  }
0x21: {  	s3 =	sadd.s32 s3, s9;
	s6 =	sadd.s32 @!p0 $0x88, s6;
	s7 =	simm.s32 @p2 $0x1082  }
0x22: {  	[simem:s7], [sflag:s8] =	dma.local @!p0 [hbm:s6], $0xF7A  }
0x23: {  	s9 =	sor.u32 $0xD0000000, s2;
	s6 =	simm.s32 $0x108;
	_ =	swait.ge @!p0 [sflag:s8], $0x0  }
0x24: {  	s3 =	sadd.s32 $0x88, s3;
	s6 =	simm.s32 @!p1 $0x1082;
	[sflag:s4] =	ssyncset.s32 $0xFFFFF086  }
0x25: {  	[simem:s6], [sflag:s4] =	dma.local [hbm:s3], $0xF7A  }
0x26: {  	[smem:$0x3F98] =	sst s1;
	(tag) =	ssettag s2;
	_ =	strace s9  }
0x27: {  	s1 =	sld [smem:$0x3FA8]  }
0x28: {  	s2 =	sld [smem:$0x3FA9]  }
0x29: {  	s4 =	sld [smem:$0x3FAB]  }
0x2a: {  	p0 =	seq.s32 s5, $0x0;
	s5 =	sld [smem:$0x3FAC]  }
0x2b: {  	s6 =	sld [smem:$0x3FAD]  }
0x2c: {  	s7 =	sld [smem:$0x3FAE]  }
0x2d: {  	s3 =	simm.s32 $0x108;
	s8 =	sld [smem:$0x3FAF]  }
0x2e: {  	s3 =	simm.s32 @!p0 $0x1082;
	s9 =	sld [smem:$0x3FB0]  }
0x2f: {  	lr =	sadd.s32 s0, s3;
	s0 =	sld [smem:$0x3FA7]  }
0x30: {  	s3 =	sld [smem:$0x3FAA]  }
0x31: {  	[smem:$0x3FB3] =	sst s10  }
0x32: {  	s10 =	sld [smem:$0x3FB1];
	_ =	sdelay $0x3  }
0x33: {  	p0 =	seq.s32 s10, $0x1;
	s10 =	sld [smem:$0x3FB3];
	_ =	sdelay $0x3  }
0x34: {  	[smem:$0x3FB3] =	sst s10  }
0x35: {  	s10 =	sld [smem:$0x3FB2];
	_ =	sdelay $0x3  }
0x36: {  	p1 =	seq.s32 s10, $0x1;
	s10 =	sld [smem:$0x3FB3];
	_ =	sdelay $0x3  }
0x37: {  	[smem:$0x3FB3] =	sst s10  }
0x38: {  	s10 =	sld [smem:$0x3FB4]  }
0x39: {  	_ = 	snop;
	(pc) =	sbr.ind lr, $3  }
0x3a: {  	_ = 	snop  }
0x3b: {  	_ = 	snop  }
0x3c: {  	p2 =	seq.s32 s10, $0x1;
	s10 =	sld [smem:$0x3FB3]  }
0x3d: {  	_ =	shalt  }
0x3e: {  	_ =	shalt  }
0x3f: {  	_ =	shalt  }
0x40: {  	_ =	shalt  }
0x41: {  	_ =	shalt  }
0x42: {  	_ =	shalt  }
0x43: {  	_ =	shalt  }
0x44: {  	_ =	shalt  }
0x45: {  	_ =	shalt  }
0x46: {  	_ =	shalt  }
0x47: {  	_ =	shalt  }
0x48: {  	_ =	shalt  }
0x49: {  	_ =	shalt  }
0x4a: {  	_ =	shalt  }
0x4b: {  	_ =	shalt  }
0x4c: {  	_ =	shalt  }
0x4d: {  	_ =	shalt  }
0x4e: {  	_ =	shalt  }
0x4f: {  	_ =	shalt  }
0x50: {  	_ =	shalt  }
0x51: {  	_ =	shalt  }
0x52: {  	_ =	shalt  }
0x53: {  	_ =	shalt  }
0x54: {  	_ =	shalt  }
0x55: {  	_ =	shalt  }
0x56: {  	_ =	shalt  }
0x57: {  	_ =	shalt  }
0x58: {  	_ =	shalt  }
0x59: {  	_ =	shalt  }
0x5a: {  	_ =	shalt  }
0x5b: {  	_ =	shalt  }
0x5c: {  	_ =	shalt  }
0x5d: {  	_ =	shalt  }
0x5e: {  	_ =	shalt  }
0x5f: {  	_ =	shalt  }
0x60: {  	_ =	shalt  }
0x61: {  	_ =	shalt  }
0x62: {  	_ =	shalt  }
0x63: {  	_ =	shalt  }
0x64: {  	_ =	shalt  }
0x65: {  	_ =	shalt  }
0x66: {  	_ =	shalt  }
0x67: {  	_ =	shalt  }
0x68: {  	_ =	shalt  }
0x69: {  	_ =	shalt  }
0x6a: {  	_ =	shalt  }
0x6b: {  	_ =	shalt  }
0x6c: {  	_ =	shalt  }
0x6d: {  	_ =	shalt  }
0x6e: {  	_ =	shalt  }
0x6f: {  	_ =	shalt  }
0x70: {  	_ =	shalt  }
0x71: {  	_ =	shalt  }
0x72: {  	_ =	shalt  }
0x73: {  	_ =	shalt  }
0x74: {  	_ =	shalt  }
0x75: {  	_ =	shalt  }
0x76: {  	_ =	shalt  }
0x77: {  	_ =	shalt  }
0x78: {  	_ =	shalt  }
0x79: {  	_ =	shalt  }
0x7a: {  	_ =	shalt  }
0x7b: {  	_ =	shalt  }
0x7c: {  	_ =	shalt  }
0x7d: {  	_ =	shalt  }
0x7e: {  	_ =	shalt  }
0x7f: {  	_ =	shalt  }
0x80: {  	_ =	shalt  }
0x81: {  	_ =	shalt  }
0x82: {  	_ =	shalt  }
0x83: {  	_ =	shalt  }
0x84: {  	_ =	shalt  }
0x85: {  	_ =	shalt  }
0x86: {  	_ =	shalt  }
0x87: {  	_ =	shalt  }
.Lfunc_end0:
.L_simem_size_0:
called_computation_lowered:
.L_overlay_start_0:
0x88: {  	s2 =	sld [smem:$0x3FD9]  }
0x89: {  	s3 =	sld [smem:$0x3FFE];
	_ =	sdelay $0x1  }
0x8a: {  	s1 =	srdreg.scid  }
0x8b: {  	s0 =	sand.u32 $0x1, s1  }
0x8c: {  	s17 =	sshll.u32 s0, $0xA;
	s2 =	sadd.s32 s3, s2  }
0x8d: {  	s2 =	sadd.s32 s2, s17  }
0x8e: {  	[smem:$0x3FBF] =	sst s2  }
0x8f: {  	_ = 	snop  }
0x90: {  	s2 =	sld [smem:$0x3FD0];
	(tm) =	ssettm $0x1  }
0x91: {  	s18 =	sld [smem:$0x3FFB];
	_ =	sdelay $0x3  }
0x92: {  	_ =	strace s18  }
0x93: {  	s3 =	sld [smem:$0x3FFC];
	_ =	sdelay $0x3  }
0x94: {  	_ =	strace s3  }
0x95: {  	s3 =	sld [smem:$0x3FFD];
	_ =	sdelay $0x3  }
0x96: {  	_ =	strace s3  }
0x97: {  	_ =	strace $0x8FFFFFFF  }
0x98: {  	s19 =	sld [smem:$0x3FDB];
	_ =	sdelay $0x1  }
0x99: {  	s4 =	simm.s32 $_scs_section_size  }
0x9a: {  	s5 =	simm.s32 $_size__tile_overlayer_lowered;
	s6 =	simm.s32 $_tile_overlayer_lowered  }
0x9b: {  	s22 =	simm.s32 $0x1BFF;
	s21 =	sshll.u32 s6, $0x1;
	s3 =	sadd.s32 s4, s19  }
0x9c: {  	s7 =	simm.s32 $0x0;
	s20 =	sshll.u32 s5, $0x1;
	s5 =	sadd.s32 s21, s3  }
0x9d: {  	[timem:s7], [sflag:s22] =	dma.local [hbm:s5], s20  }
0x9e: {  	_ =	swait.ge [sflag:s22], s20  }
0x9f: {  	s4 =	ssub.s32 $0x0, s20;
	[sflag:s22] =	ssyncset.done $0x0  }
0xa0: {  	[sflag:s22] =	ssyncadd.s32 s4;
	_ =	sdelay $0x1  }
0xa1: {  	s23 =	simm.s32 $0x1B8B  }
0xa2: {  	_ =	swait.ge [sflag:s23], $0x1  }
0xa3: {  	[sflag:s23] =	ssyncset.done $0x0  }
0xa4: {  	s25 =	simm.s32 $0x1B8E;
	s24 =	sld [smem:$0x3FFE];
	[sflag:s23] =	ssyncadd.s32 $0xFFFFFFFF  }
0xa5: {  	s26 =	simm.s32 $execute0_lowered;
	[smem:$0x3FD2] =	sst s25  }
0xa6: {  	s5 =	sshll.u32 s26, $0x1;
	_ =	strace $0x80000046;
	[dreg:$0x1] =	wrdreg $0xFFFFFFFF  }
0xa7: {  	s28 =	simm.s32 $_size_execute0_lowered;
	s3 =	sadd.s32 s3, s5;
	[dreg:$0x0] =	wrdreg $0x0  }
0xa8: {  	s5 =	sshll.u32 s28, $0x1;
	[dreg:$0x2] =	wrdreg s3  }
0xa9: {  	[dreg:$0x3] =	wrdreg s5  }
0xaa: {  	[dreg:$0x4] =	wrdreg $0xC0  }
0xab: {  	_ =	task [dreg:s7], $0x5FFFF  }
0xac: {  	[dreg:$0x1] =	wrdreg $0xFFFFFFFF  }
0xad: {  	[dreg:$0x0] =	wrdreg $0x60  }
0xae: {  	[dreg:$0x2] =	wrdreg s24  }
0xaf: {  	[dreg:$0x3] =	wrdreg s2  }
0xb0: {  	[dreg:$0x4] =	wrdreg $0x8F800  }
0xb1: {  	[dreg:$0x5] =	wrdreg $0x9  }
0xb2: {  	_ =	task.clear_ibuf [dreg:s7], $0x6FFFF;
	_ =	strace $0x90000046  }
0xb3: {  	s29 =	simm.s32 $0x9;
	_ =	strace $0x80000048  }
0xb4: {  	_ =	swait.ge [sflag:s29], $0x1  }
0xb5: {  	[sflag:s29] =	ssyncadd.s32 $0xFFFFFFFF  }
0xb6: {  	_ =	strace $0x90000048  }
0xb7: {  	_ =	sfence  }
0xb8: {  	s30 =	sld [smem:$0x0];
	_ =	sdelay $0x2  }
0xb9: {  	s31 =	sshll.u32 s1, $0xD;
	s1 =	sshrl.u32 s1, $0x2  }
0xba: {  	s3 =	sand.u32 $0x4000, s31;
	s1 =	sadd.s32 s1, s30  }
0xbb: {  	s0 =	sor.u32 s3, s0;
	s1 =	sshll.u32 s1, $0x11  }
0xbc: {  	s0 =	sor.u32 s1, s0  }
0xbd: {  	s0 =	sadd.s32 $0x8F2B, s0  }
0xbe: {  	[sflag:s0] =	ssyncadd.remote.s32 $0x1  }
0xbf: {  	_ =	sfence.sel $0xFFFF  }
0xc0: {  	[dreg:$0x0] =	wrdreg $0xFFFFFFFF;
	(pc) =	sbr.abs _section_cstart, $3  }
0xc1: {  	[dreg:$0x1] =	wrdreg $0xFFFFFFFF  }
0xc2: {  	_ =	task.clear_ibuf [dreg:s7], $0x2FFFF;
	_ =	strace $0x9FFFFFFF  }
0xc3: {  	(tm) =	ssettm $0x7FFFFFFF  }
tec
execute0_lowered:
.L_overlay_start_1:
0x0: {  	(tag) =	ssettag $0x1  }
0x1: {  	s4 =	rddreg [dreg:$0x0]  }
0x2: {  	s0 =	srdreg.scid;
	s7 =	rddreg [dreg:$0x1]  }
0x3: {  	s2 =	rddreg [dreg:$0x2];
	s3 =	simm.s32 $0x0;
	s13 =	simm.s32 $0x1  }
0x4: {  	s14 =	simm.s32 $0x2800;
	s15 =	simm.s32 $0x4F80;
	s5 =	sand.u32 $0x1, s0  }
0x5: {  	s16 =	simm.s32 $0x80;
	s0 =	stileid.u32;
	s9 =	smul.u32 $0x140000, s5  }
0x6: {  	s19 =	simm.s32 $0x0;
	[smem:$0x7FF] =	sst s3;
	s10 =	smul.u32 $0x14000, s0  }
0x7: {  	s1 =	sshll.u32 s5, $0x4;
	s5 =	ssub.s32 $0x2, s5;
	s11 =	smul.u32 $0x50000, s0  }
0x8: {  	s17 =	sshll.u32 s0, $0x6;
	s6 =	sor.u32 s0, s1;
	s1 =	rddreg [dreg:$0x3]  }
0x9: {  	_ =	strace $0x80000047;
	s29 =	sshrl.u32 s5, $0x1;
	s8 =	smul.u32 $0x500, s6  }
0xa: {  	s17 =	sor.u32 $0x1C01, s17;
	s6 =	smul.u32 $0x4F0, s6;
	s12 =	ssub.s32 s5, s29  }
0xb: {  	s30 =	sadd.s32 s10, s9;
	s31 =	sshrl.u32 s11, $0x2;
	s8 =	sadd.s32 s8, s4  }
0xc: {  	s6 =	sadd.s32 s6, s4;
	s4 =	sadd.s32 $0x1600, s8;
	s8 =	sshrl.u32 s30, $0x3  }
0xd: {  	s5 =	sadd.s32 $0xB600, s6;
	s6 =	sadd.s32 s31, s2;
	s7 =	sadd.s32 s7, s8  }
0xe: {  	s8 =	smax.u32 s12, $0x1;
	s9 =	sadd.s32 $0x4000, s6;
	s10 =	sadd.s32 $0x8000, s6  }
0xf: {  	v0 =	vimm.f32 $0.0e+00;
	s11 =	sadd.s32 $0xC000, s6;
	s12 =	sadd.s32 $0x10000, s6;
	s18 =	sshrl.u32 s6, $0x3  }
.LBB2_1:
0x10: {  	[tilespmem:s3], [sflag:$0x1] =	stream.linear.gather [hbm4b:s4+s3], $0x2780, $0x38;
	[tilespmem:$0xB780] =	vst v63  }
0x11: {  	_ =	swait.ge [sflag:s13], $0x2780  }
0x12: {  	[sflag:s13] =	ssyncset.done $0x0  }
0x13: {  	[sflag:s13] =	ssyncadd.s32 $0xFFFFD880  }
0x14: {  	[tilespmem:s14], [sflag:$0x1] =	stream.linear.gather [hbm4b:s5+s3], $0x2780, $0x38;
	[tilespmem:$0xB780] =	vst v63  }
0x15: {  	_ =	swait.ge [sflag:s13], $0x2780  }
0x16: {  	[sflag:s13] =	ssyncset.done $0x0  }
0x17: {  	s20 =	simm.s32 $0x200;
	s21 =	simm.s32 $0x0;
	[sflag:s13] =	ssyncadd.s32 $0xFFFFD880  }
.LBB2_2:
0x18: {  	p0 =	sne.s32 s20, $0xFE00;
	[tilespmem:s21+$0x4F80] =	vst v0;
	s21 =	smov.u32 s20;
	s20 =	sadd.s32 $0x200, s20  }
.Ltmp0:
0x19: {  	(pc) =	sbr.rel @p0 .LBB2_2-.Ltmp0, $2  }
0x1a: {  	_ =	sdelay $0x2  }
0x1b: {  	s21 =	sshra.s32 s21, $0x2  }
0x1c: {  	[tilespmem:s21+$0x4F80] =	vst v0  }
0x1d: {  	[spmem:s6] =	stream.linear.scatter [tilespmem:s15], [sflag:$0x1], $0x4000, $0x38;
	[tilespmem:$0xB780] =	vst v63  }
0x1e: {  	_ =	swait.ge [sflag:s13], $0x4000  }
0x1f: {  	[sflag:s13] =	ssyncset.done $0x0  }
0x20: {  	[sflag:s13] =	ssyncadd.s32 $0xFFFFC000  }
0x21: {  	[spmem:s9] =	stream.linear.scatter [tilespmem:s15], [sflag:$0x1], $0x4000, $0x38;
	[tilespmem:$0xB780] =	vst v63  }
0x22: {  	_ =	swait.ge [sflag:s13], $0x4000  }
0x23: {  	[sflag:s13] =	ssyncset.done $0x0  }
0x24: {  	[sflag:s13] =	ssyncadd.s32 $0xFFFFC000  }
0x25: {  	[spmem:s10] =	stream.linear.scatter [tilespmem:s15], [sflag:$0x1], $0x4000, $0x38;
	[tilespmem:$0xB780] =	vst v63  }
0x26: {  	_ =	swait.ge [sflag:s13], $0x4000  }
0x27: {  	[sflag:s13] =	ssyncset.done $0x0  }
0x28: {  	[sflag:s13] =	ssyncadd.s32 $0xFFFFC000  }
0x29: {  	[spmem:s11] =	stream.linear.scatter [tilespmem:s15], [sflag:$0x1], $0x4000, $0x38;
	[tilespmem:$0xB780] =	vst v63  }
0x2a: {  	_ =	swait.ge [sflag:s13], $0x4000  }
0x2b: {  	[sflag:s13] =	ssyncset.done $0x0  }
0x2c: {  	[sflag:s13] =	ssyncadd.s32 $0xFFFFC000  }
0x2d: {  	[spmem:s12] =	stream.linear.scatter [tilespmem:s15], [sflag:$0x1], $0x4000, $0x38;
	[tilespmem:$0xB780] =	vst v63  }
0x2e: {  	_ =	swait.ge [sflag:s13], $0x4000  }
0x2f: {  	[sflag:s13] =	ssyncset.done $0x0  }
0x30: {  	[sflag:s13] =	ssyncadd.s32 $0xFFFFC000  }
0x31: {  	s20 =	simm.s32 $0x0;
	s21 =	simm.s32 $0x0;
	[bflag:$0x0] =	sbarrier.arrive $0xFFFF  }
.LBB2_4:
0x32: {  	v1 =	vmov s20;
	_ =	sdelay $0x4  }
0x33: {  	s23 =	sadd.s32 $0x1, s20;
	v1 =	vld.idx.msk [tilespmem:v1+s14+$0x0], $0xffff  }
0x34: {  	s22 =	simm.s32 $0x200;
	s24 =	simm.s32 $0x400;
	s25 =	simm.s32 $0x0;
	v2 =	vmov s23  }
.LBB2_5:
0x35: {  	p0 =	sne.s32 s24, $0xFE00;
	_ =	sdelay $0x1  }
.Ltmp1:
0x36: {  	s26 =	sshra.s32 s25, $0x2;
	s25 =	smov.u32 s22;
	(pc) =	sbr.rel @p0 .LBB2_5-.Ltmp1, $4  }
0x37: {  	s22 =	smov.u32 s24;
	[tilespmem:s26+$0x4F80] =	vst v1  }
0x38: {  	v1 =	vld.idx.msk [tilespmem:v2+s14+$0x0], $0xffff  }
0x39: {  	s23 =	sadd.s32 $0x1, s23  }
0x3a: {  	s24 =	sadd.s32 $0x200, s24;
	v2 =	vmov s23  }
0x3b: {  	_ =	sdelay $0x1  }
0x3c: {  	s23 =	sshra.s32 s25, $0x2  }
0x3d: {  	[tilespmem:s23+$0x4F80] =	vst v1  }
0x3e: {  	v1 =	vld.idx.msk [tilespmem:v2+s14+$0x0], $0xffff;
	_ =	sdelay $0x2  }
0x3f: {  	s30 =	sshll.u32 s21, $0x7;
	s21 =	sadd.s32 $0x1, s21  }
0x40: {  	s22 =	sshra.s32 s22, $0x2;
	p0 =	sne.s32 s21, $0x4F  }
.Ltmp2:
0x41: {  	s31 =	sand.u32 $0x3FFFFF80, s30;
	[tilespmem:s22+$0x4F80] =	vst v1;
	(pc) =	sbr.rel @p0 .LBB2_4-.Ltmp2, $4  }
0x42: {  	[spmem:s2] =	stream.indirect.scatter.add.f32 [tilespmem:s15], [sflag:$0x1], $0x10, s31, s16, $0xb8;
	[tilespmem:$0xB780] =	vst v63  }
0x43: {  	_ =	swait.ge [sflag:s13], $0x800  }
0x44: {  	[sflag:s13] =	ssyncset.done $0x0  }
0x45: {  	s20 =	sadd.s32 $0x80, s20;
	[sflag:s13] =	ssyncadd.s32 $0xFFFFF800  }
0x46: {  	s19 =	sadd.s32 $0x1, s19  }
0x47: {  	p0 =	sne.s32 s19, s8  }
.Ltmp3:
0x48: {  	[bflag:$0x0] =	sbarrier.arrive $0xFFFF;
	(pc) =	sbr.rel @p0 .LBB2_1-.Ltmp3, $4  }
0x49: {  	[hbm:s7], [sflag:s17] =	dma.local [spmem:s18], $0x2800  }
0x4a: {  	_ =	swait.ge [sflag:s13], $0x2800  }
0x4b: {  	[sflag:s13] =	ssyncset.done $0x0  }
0x4c: {  	[sflag:s13] =	ssyncadd.s32 $0xFFFFD800  }
0x4d: {  	_ =	sfence.sel $0x180000  }
0x4e: {  	[bflag:$0x0] =	sbarrier.arrive $0xFFFF  }
0x4f: {  	p0 =	sne.s32 s0, $0x0;
	_ =	strace $0x90000047  }
0x50: {  	s0 =	sadd.s32 @!p0 $0x100000, s1;
	[bflag:$0x2] =	sbarrier.arrive $0xFFFF  }
0x51: {  	[sflag:s0] =	ssyncadd.tile.s32 @!p0 $0x1;
	_ =	shalt  }
.Lfunc_end2:
_tile_overlayer_lowered:
.L_overlay_start_2:
0x52: {  	(tag) =	ssettag $0x2  }
0x53: {  	s0 =	rddreg [dreg:$0x0];
	s2 =	stileid.u32  }
0x54: {  	s1 =	rddreg [dreg:$0x1];
	p0 =	sne.s32 s2, $0x0  }
0x55: {  	s3 =	rddreg [dreg:$0x2];
	[bflag:$0x3] =	sbarrier.arrive $0xFFFF;
	s2 =	simm.s32 @!p0 $0x1C01  }
0x56: {  	[timem:s3], [sflag:s2] =	dma.local @!p0 [hbm:s0], s1  }
0x57: {  	s0 =	simm.s32 @!p0 $0x1  }
0x58: {  	_ =	swait.ge @!p0 [sflag:s0], s1  }
0x59: {  	s1 =	ssub.s32 @!p0 $0x0, s1;
	[sflag:s0] =	ssyncset.done @!p0 $0x0  }
0x5a: {  	[sflag:s0] =	ssyncadd.s32 @!p0 s1  }
0x5b: {  	[bflag:$0x3] =	sbarrier.arrive $0xFFFF  }
0x5c: {  	_ =	shalt  }

</sc_bundles>
